<compile_context>
chip_gen: v7x
topology: tpu7x:2x2x1
jax: 0.10.2.dev20260603
libtpu: 0.0.44.dev20260713+nightly
codegen_flags: <defaults>
</compile_context>

<pallas_src>
import functools

import numpy as np
import jax
import jax.numpy as jnp
from jax import lax
from jax.experimental import pallas as pl
from jax.experimental.pallas import tpu as pltpu
from jax.experimental.pallas import tpu_sc as plsc

NC = 2
NS = 16
NW = NC * NS
L = 16

B, C, S = 16, 128, 4096
NP = 21
NPP = 22
ROWS = B * C
RPW = ROWS // NW
T = 4
GROUPS = RPW // T
NV = S // L
NB = 2048
SG = T * S

_POS_XOR = np.int32(0x7FFFFFFF)
_M11 = np.int32(0x7FF)
_M10 = np.int32(0x3FF)


def _desc_key(u):
  negm = lax.shift_right_arithmetic(u, 31)
  return lax.bitwise_xor(u, lax.bitwise_and(lax.bitwise_not(negm), _POS_XOR))


def _body(x_hbm, w_hbm, n_hbm, out_hbm, perm_hbm, *scr):
  xg, kbuf0, kbuf1, ibuf0, ibuf1 = scr[:5]
  hA = scr[5:5 + T]
  hB = scr[5 + T:5 + 2 * T]
  wv, nv, ilbuf, frbuf, fcbuf, outv, sem_in, sem_out = scr[5 + 2 * T:]

  cid = lax.axis_index("c")
  sid = lax.axis_index("s")
  wid = sid * NC + cid
  row0 = wid * RPW
  grp0 = wid * GROUPS
  b = row0 // C
  c0 = row0 % C

  pltpu.sync_copy(n_hbm, nv)
  pltpu.sync_copy(w_hbm.at[pl.ds(c0 * NPP, RPW * NPP)], wv)

  lane = lax.iota(jnp.int32, L)
  n_b = jnp.sum(jnp.where(lane == b, nv[...], 0))
  total = jnp.maximum(n_b.astype(jnp.float32) - 1.0, 1.0)

  def prec(j, _):
    o = pl.multiple_of(j * L, L)
    sidx = lane + o
    t = jnp.minimum(sidx.astype(jnp.float32) / total, 1.0) * 20.0
    il = t.astype(jnp.int32)
    ilbuf[pl.ds(o, L)] = il
    fr = t - il.astype(jnp.float32)
    frbuf[pl.ds(o, L)] = fr
    fcbuf[pl.ds(o, L)] = 1.0 - fr
    return 0
  lax.fori_loop(0, NV, prec, 0)

  zeros16 = jnp.zeros((L,), jnp.int32)

  def hists_zero(hs, nbins):
    def z(j, _):
      o = pl.ds(pl.multiple_of(j * L, L), L)
      for h in hs:
        h[o] = zeros16
      return 0
    lax.fori_loop(0, nbins // L, z, 0)

  def hists_scan(hs, nbins, zero_hs=None):
    idx15 = jnp.full((L,), L - 1, jnp.int32)

    def sc(j, runs):
      o = pl.ds(pl.multiple_of(j * L, L), L)
      vs = [h[o] for h in hs]
      cs = [plsc.cumsum(v) for v in vs]
      for h, v, cum, run in zip(hs, vs, cs, runs):
        h[o] = cum - v + run
      if zero_hs is not None:
        for h in zero_hs:
          h[o] = zeros16
      return tuple(run + jnp.take_along_axis(cum, idx15, axis=0)
                   for run, cum in zip(runs, cs))
    lax.fori_loop(0, nbins // L, sc,
                  tuple(jnp.full((L,), t * S - 1, jnp.int32)
                        for t in range(T)))

  def tf_stage(j, xbase):
    o = pl.multiple_of(j * L, L)
    us = [plsc.bitcast(xg[pl.ds(pl.multiple_of(xbase + o + t * S, L), L)],
                       jnp.int32)
          for t in range(T)]
    ks = [_desc_key(u) for u in us]
    for t in range(T):
      kbuf0[pl.ds(o + t * S, L)] = ks[t]
    ds = [lax.bitwise_and(k, _M11) for k in ks]
    ones = jnp.full((L,), 1, jnp.int32)
    for t in range(T):
      plsc.addupdate_scatter(hA[t], [ds[t]], ones)

  pltpu.sync_copy(x_hbm.at[grp0], xg.at[pl.ds(0, SG)])
  hists_zero(hA, NB)

  def tf0(j, _):
    tf_stage(j, 0)
    return 0
  lax.fori_loop(0, NV, tf0, 0, unroll=2)

  def do_group(rr, _):
    nxt = jnp.minimum(rr + 1, GROUPS - 1)
    xbase_nxt = lax.rem(rr + 1, 2) * SG
    in_copy = pltpu.async_copy(
        x_hbm.at[grp0 + nxt],
        xg.at[pl.ds(pl.multiple_of(xbase_nxt, SG), SG)], sem_in)

    hists_scan(hA, NB, zero_hs=hB)

    def permute(ksrc, isrc, kdst, idst, shift, mask, hsrc,
                next_shift, next_mask, hdst):
      def body(j, _):
        o = pl.multiple_of(j * L, L)
        ks = [ksrc[pl.ds(o + t * S, L)] for t in range(T)]
        if isrc is None:
          iv0 = lane + o
          ivs = [iv0] * T
        else:
          ivs = [isrc[pl.ds(o + t * S, L)] for t in range(T)]
        ds = [lax.bitwise_and(lax.shift_right_logical(k, shift), mask)
              for k in ks]
        sc = [plsc.scan_count(d) for d in ds]
        offs = [plsc.load_gather(h, [d]) for h, d in zip(hsrc, ds)]
        poss = [off + cnt for off, (cnt, _) in zip(offs, sc)]
        if kdst is not None:
          for t in range(T):
            plsc.store_scatter(kdst, [poss[t]], ks[t])
        for t in range(T):
          plsc.store_scatter(idst, [poss[t]], ivs[t])
        for t in range(T):
          plsc.store_scatter(hsrc[t], [ds[t]], poss[t], mask=sc[t][1])
        if next_shift is not None:
          d2 = [lax.bitwise_and(lax.shift_right_logical(k, next_shift),
                                next_mask) for k in ks]
          ones = jnp.full((L,), 1, jnp.int32)
          for t in range(T):
            plsc.addupdate_scatter(hdst[t], [d2[t]], ones)
        return 0
      lax.fori_loop(0, NV, body, 0, unroll=2)

    permute(kbuf0, None, kbuf1, ibuf1, 0, _M11, hA, 11, _M11, hB)
    hists_scan(hB, NB, zero_hs=hA)
    permute(kbuf1, ibuf1, kbuf0, ibuf0, 11, _M11, hB, 22, _M10, hA)
    hists_scan(hA, 1024)
    permute(kbuf0, ibuf0, kbuf1, ibuf1, 22, _M10, hA, None, None, None)

    out_copy = pltpu.async_copy(ibuf1, perm_hbm.at[grp0 + rr], sem_out)

    hists_zero(hA, 1024)
    in_copy.wait()

    wbs = [(T * rr + t) * NPP for t in range(T)]

    def fs(j, accs):
      o = pl.multiple_of(j * L, L)
      ks = [kbuf1[pl.ds(o + t * S, L)] for t in range(T)]
      il = ilbuf[pl.ds(o, L)]
      fr = frbuf[pl.ds(o, L)]
      fc = fcbuf[pl.ds(o, L)]
      ilp = il + 1
      vs = [plsc.bitcast(_desc_key(k), jnp.float32) for k in ks]
      wls = [plsc.load_gather(wv, [il + wb]) for wb in wbs]
      wrs = [plsc.load_gather(wv, [ilp + wb]) for wb in wbs]
      tf_stage(j, xbase_nxt)
      return tuple(acc + v * (fc * wl + fr * wr)
                   for acc, v, wl, wr in zip(accs, vs, wls, wrs))
    accs = lax.fori_loop(0, NV, fs,
                         tuple(jnp.zeros((L,), jnp.float32)
                               for _ in range(T)))
    vals = [jnp.sum(a) for a in accs]
    sel = vals[T - 1]
    for t in range(T - 2, -1, -1):
      sel = jnp.where(lane == t, vals[t], sel)
    plsc.store_scatter(outv, [jnp.minimum(lane, T - 1) + T * rr], sel,
                       mask=lane < T)

    out_copy.wait()
    return 0

  lax.fori_loop(0, GROUPS, do_group, 0)
  pltpu.sync_copy(outv, out_hbm.at[pl.ds(row0, RPW)])


@jax.jit
def _fspool_sc(x2, wflat, n):
  run = pl.kernel(
      _body,
      out_type=(
          jax.ShapeDtypeStruct((ROWS,), jnp.float32),
          jax.ShapeDtypeStruct((ROWS // T, SG), jnp.int32),
      ),
      mesh=plsc.VectorSubcoreMesh(core_axis_name="c", subcore_axis_name="s"),
      scratch_types=(
          [
              pltpu.VMEM((2 * SG,), jnp.float32),
              pltpu.VMEM((SG,), jnp.int32),
              pltpu.VMEM((SG,), jnp.int32),
              pltpu.VMEM((SG,), jnp.int32),
              pltpu.VMEM((SG,), jnp.int32),
          ]
          + [pltpu.VMEM((NB,), jnp.int32) for _ in range(2 * T)]
          + [
              pltpu.VMEM((RPW * NPP,), jnp.float32),
              pltpu.VMEM((B,), jnp.int32),
              pltpu.VMEM((S,), jnp.int32),
              pltpu.VMEM((S,), jnp.float32),
              pltpu.VMEM((S,), jnp.float32),
              pltpu.VMEM((RPW,), jnp.float32),
              pltpu.SemaphoreType.DMA,
              pltpu.SemaphoreType.DMA,
          ]
      ),
      compiler_params=pltpu.CompilerParams(needs_layout_passes=False),
  )
  return run(x2, wflat, n)


def kernel(x, W, n):
  x2 = x.reshape(ROWS // T, SG)
  wpad = jnp.concatenate([W, W[:, -1:]], axis=1).reshape(-1)
  out_flat, perm2 = _fspool_sc(x2, wpad, n.astype(jnp.int32))
  return out_flat.reshape(B, C), perm2.reshape(B, C, S)

# --- scband reference (transcript-rebuilt; emitter-appended) ---
"""Pipeline reference for scband-fspool-13941463842987 (READ-ONLY COPY).

The authoritative reference and input builder live on the scoring server;
editing this copy changes nothing except your own understanding.
"""

import jax, jax.numpy as jnp
import numpy as np

N_PIECES = 20


def fill_sizes(sizes, max_size):
    # Faithful port of the TF fill_sizes: ratios are clipped to max 1 BEFORE the
    # <=1 mask is computed (so the mask is effectively all ones, as in the source).
    size_tensor = jnp.arange(max_size, dtype=jnp.float32)
    expanded = size_tensor[None, :]
    total_sizes = jnp.clip(sizes.astype(jnp.float32) - 1.0, 1.0, None)[:, None]
    ratios = jnp.minimum(expanded / total_sizes, 1.0)
    mask = (ratios <= 1.0)
    mask = mask[:, None, :].astype(jnp.float32)
    return ratios, mask


def determine_weight(W, sizes, n_pieces):
    # W: [C, n_pieces+1]; sizes: [B, S] ratios in [0, 1]
    B = sizes.shape[0]
    C = W.shape[0]
    weight = jnp.broadcast_to(W[None, :, :], (B, C, n_pieces + 1))
    index = n_pieces * sizes  # [B, S]
    index = jnp.broadcast_to(index[:, None, :], (B, C, sizes.shape[1]))
    idx = jnp.floor(index).astype(jnp.int32)
    frac = index - jnp.floor(index)
    left = jnp.take_along_axis(weight, idx, axis=2)
    right = jnp.take_along_axis(weight, jnp.clip(idx + 1, None, n_pieces), axis=2)
    return (1.0 - frac) * left + frac * right


def fspool_forward(x, W, n, n_pieces):
    B, C, S = x.shape
    sizes, mask = fill_sizes(n, S)
    mask = jnp.broadcast_to(mask, x.shape)
    weight = determine_weight(W, sizes, n_pieces)
    xm = x + (1.0 - mask) * (-99999.0)
    sorted_x = -jnp.sort(-xm, axis=2)  # descending sort along set dim
    perm = jnp.argsort(-xm, axis=2)
    out = jnp.sum(sorted_x * weight * mask, axis=2)
    return out, perm


def setup_inputs(seed: int = 0) -> dict:
    key = jax.random.key(seed)
    k1, k2, k3 = jax.random.split(key, 3)
    x = jax.random.normal(k1, (16, 128, 4096), dtype=jnp.float32)
    n = jax.random.randint(k2, (16,), 0, 4096).astype(jnp.int32)
    W = 0.05 * jax.random.normal(k3, (128, N_PIECES + 1), dtype=jnp.float32)
    return {"x": x, "W": W, "n": n}


def reference(x, W, n):
    return fspool_forward(x, W, n, N_PIECES)

if __name__ == "__main__":
    import jax
    _d = setup_inputs()
    print(jax.jit(kernel)(*tuple(_d.values())))

</pallas_src>

<mosaic_0001>
#map = affine_map<(d0, d1) -> (0, 0)>
#map1 = affine_map<(d0, d1) -> (0)>
module attributes {stable_mosaic.version = 14 : i64} {
  func.func @_body(%arg0: i32, %arg1: i32, %arg2: memref<512x16384xf32, #tpu.memory_space<hbm>>, %arg3: memref<2816xf32, #tpu.memory_space<hbm>>, %arg4: memref<16xi32, #tpu.memory_space<hbm>>, %arg5: memref<2048xf32, #tpu.memory_space<hbm>>, %arg6: memref<512x16384xi32, #tpu.memory_space<hbm>>, %arg7: memref<32768xf32, #tpu.memory_space<vmem>>, %arg8: memref<16384xi32, #tpu.memory_space<vmem>>, %arg9: memref<16384xi32, #tpu.memory_space<vmem>>, %arg10: memref<16384xi32, #tpu.memory_space<vmem>>, %arg11: memref<16384xi32, #tpu.memory_space<vmem>>, %arg12: memref<2048xi32, #tpu.memory_space<vmem>>, %arg13: memref<2048xi32, #tpu.memory_space<vmem>>, %arg14: memref<2048xi32, #tpu.memory_space<vmem>>, %arg15: memref<2048xi32, #tpu.memory_space<vmem>>, %arg16: memref<2048xi32, #tpu.memory_space<vmem>>, %arg17: memref<2048xi32, #tpu.memory_space<vmem>>, %arg18: memref<2048xi32, #tpu.memory_space<vmem>>, %arg19: memref<2048xi32, #tpu.memory_space<vmem>>, %arg20: memref<1408xf32, #tpu.memory_space<vmem>>, %arg21: memref<16xi32, #tpu.memory_space<vmem>>, %arg22: memref<4096xi32, #tpu.memory_space<vmem>>, %arg23: memref<4096xf32, #tpu.memory_space<vmem>>, %arg24: memref<4096xf32, #tpu.memory_space<vmem>>, %arg25: memref<64xf32, #tpu.memory_space<vmem>>, %arg26: memref<!tpu.dma_semaphore, #tpu.memory_space<semaphore_mem>>, %arg27: memref<!tpu.dma_semaphore, #tpu.memory_space<semaphore_mem>>) attributes {dimension_semantics = [#tpu.dimension_semantics<core_parallel>, #tpu.dimension_semantics<subcore_parallel>], iteration_bounds = array<i64: 2, 16>, scalar_prefetch = 0 : i64, scratch_operands = 21 : i64, tpu.core_type = #tpu.core_type<sc_vector_subcore>, window_params = [{transform_indices = #map}, {transform_indices = #map1}, {transform_indices = #map1}, {transform_indices = #map1}, {transform_indices = #map}]} {
    %mul3A = arith.constant 2 : i32
    %mul3A_0 = arith.muli %arg1, %mul3A : i32
    %add3A = arith.addi %mul3A_0, %arg0 : i32
    %mul3A_1 = arith.constant 64 : i32
    %mul3A_2 = arith.muli %add3A, %mul3A_1 : i32
    %mul3A_3 = arith.constant 16 : i32
    %mul3A_4 = arith.muli %add3A, %mul3A_3 : i32
    %jit3A = arith.constant 128 : i32
    %div3A = arith.divsi %mul3A_2, %jit3A : i32
    %sign3A = arith.constant 0 : i32
    %sign3A_5 = arith.cmpi sgt, %mul3A_2, %sign3A : i32
    %sign3A_6 = arith.extui %sign3A_5 : i1 to i32
    %sign3A_7 = arith.constant 0 : i32
    %sign3A_8 = arith.cmpi slt, %mul3A_2, %sign3A_7 : i32
    %sign3A_9 = arith.extui %sign3A_8 : i1 to i32
    %sign3A_10 = arith.subi %sign3A_6, %sign3A_9 : i32
    %sign3A_11 = arith.constant 0 : i32
    %sign3A_12 = arith.cmpi sgt, %jit3A, %sign3A_11 : i32
    %sign3A_13 = arith.extui %sign3A_12 : i1 to i32
    %sign3A_14 = arith.constant 0 : i32
    %sign3A_15 = arith.cmpi slt, %jit3A, %sign3A_14 : i32
    %sign3A_16 = arith.extui %sign3A_15 : i1 to i32
    %sign3A_17 = arith.subi %sign3A_13, %sign3A_16 : i32
    %ne3A = arith.cmpi ne, %sign3A_10, %sign3A_17 : i32
    %rem3A = arith.remsi %mul3A_2, %jit3A : i32
    %ne3A_18 = arith.constant 0 : i32
    %ne3A_19 = arith.cmpi ne, %rem3A, %ne3A_18 : i32
    %and3A = arith.andi %ne3A, %ne3A_19 : i1
    %sub3A = arith.constant 1 : i32
    %sub3A_20 = arith.subi %div3A, %sub3A : i32
    %select_n3A = arith.select %and3A, %sub3A_20, %div3A : i32
    %jit3A_21 = arith.constant 128 : i32
    %eq3A = arith.constant 0 : i32
    %eq3A_22 = arith.cmpi eq, %jit3A_21, %eq3A : i32
    %jit3A_23 = arith.constant 1 : i32
    %select_n3A_24 = arith.select %eq3A_22, %jit3A_23, %jit3A_21 : i32
    %rem3A_25 = arith.remsi %mul3A_2, %select_n3A_24 : i32
    %ne3A_26 = arith.constant 0 : i32
    %ne3A_27 = arith.cmpi ne, %rem3A_25, %ne3A_26 : i32
    %lt3A = arith.constant 0 : i32
    %lt3A_28 = arith.cmpi slt, %rem3A_25, %lt3A : i32
    %lt3A_29 = arith.constant 0 : i32
    %lt3A_30 = arith.cmpi slt, %select_n3A_24, %lt3A_29 : i32
    %ne3A_31 = arith.xori %lt3A_28, %lt3A_30 : i1
    %and3A_32 = arith.andi %ne3A_31, %ne3A_27 : i1
    %add3A_33 = arith.addi %rem3A_25, %select_n3A_24 : i32
    %select_n3A_34 = arith.select %and3A_32, %add3A_33, %rem3A_25 : i32
    "tpu.region"() ({
      %run_scoped3A = tpu.sem_alloc : memref<!tpu.dma_semaphore, #tpu.memory_space<semaphore_mem>>
      tpu.enqueue_dma source(%arg4 : memref<16xi32, #tpu.memory_space<hbm>>) target(%arg21 : memref<16xi32, #tpu.memory_space<vmem>>) target_semaphore(%run_scoped3A : memref<!tpu.dma_semaphore, #tpu.memory_space<semaphore_mem>>)
      tpu.wait_dma2 semaphore(%run_scoped3A : memref<!tpu.dma_semaphore, #tpu.memory_space<semaphore_mem>>) src(%arg4 : memref<16xi32, #tpu.memory_space<hbm>>) dst(%arg21 : memref<16xi32, #tpu.memory_space<vmem>>)
      tpu.yield
    }) : () -> ()
    %mul3A_35 = arith.constant 22 : i32
    %mul3A_36 = arith.muli %select_n3A_34, %mul3A_35 : i32
    "tpu.region"() ({
      %run_scoped3A = tpu.sem_alloc : memref<!tpu.dma_semaphore, #tpu.memory_space<semaphore_mem>>
      %dma_start3A = tpu.memref_slice %arg3[%mul3A_36] : memref<2816xf32, #tpu.memory_space<hbm>> -> memref<1408xf32, #tpu.memory_space<hbm>>
      %dma_start3A_77 = tpu.memref_slice %arg3[%mul3A_36] : memref<2816xf32, #tpu.memory_space<hbm>> -> memref<1408xf32, #tpu.memory_space<hbm>>
      tpu.enqueue_dma source(%dma_start3A_77 : memref<1408xf32, #tpu.memory_space<hbm>>) target(%arg20 : memref<1408xf32, #tpu.memory_space<vmem>>) target_semaphore(%run_scoped3A : memref<!tpu.dma_semaphore, #tpu.memory_space<semaphore_mem>>)
      %dma_wait3A = tpu.memref_slice %arg3[%mul3A_36] : memref<2816xf32, #tpu.memory_space<hbm>> -> memref<1408xf32, #tpu.memory_space<hbm>>
      %dma_wait3A_78 = tpu.memref_slice %arg3[%mul3A_36] : memref<2816xf32, #tpu.memory_space<hbm>> -> memref<1408xf32, #tpu.memory_space<hbm>>
      tpu.wait_dma2 semaphore(%run_scoped3A : memref<!tpu.dma_semaphore, #tpu.memory_space<semaphore_mem>>) src(%dma_wait3A_78 : memref<1408xf32, #tpu.memory_space<hbm>>) dst(%arg20 : memref<1408xf32, #tpu.memory_space<vmem>>)
      tpu.yield
    }) : () -> ()
    %iota3A = tpu.iota {dimensions = array<i32: 0>} : vector<16xi32>
    %eq3A_37 = vector.broadcast %select_n3A : i32 to vector<16xi32>
    %eq3A_38 = arith.cmpi eq, %iota3A, %eq3A_37 : vector<16xi32>
    %get3A = arith.constant 0 : index
    %get3A_39 = tpu.vector_load %arg21[%get3A] {strides = array<i32>} : memref<16xi32, #tpu.memory_space<vmem>>, vector<16xi32>,
    %jit3A_40 = arith.constant 0 : i32
    %broadcast_in_dim3A = vector.broadcast %jit3A_40 : i32 to vector<16xi32>
    %select_n3A_41 = arith.select %eq3A_38, %get3A_39, %broadcast_in_dim3A : vector<16xi1>, vector<16xi32>
    %reduce_sum3A = arith.constant true
    %reduce_sum3A_42 = vector.broadcast %reduce_sum3A : i1 to vector<16xi1>
    %reduce_sum3A_43 = tpu.scan <sum>, %select_n3A_41 masked %reduce_sum3A_42 : vector<16xi32>, vector<16xi1> -> vector<16xi32>
    %reduce_sum3A_44 = vector.extract %reduce_sum3A_43[15] : i32 from vector<16xi32>
    %convert_element_type3A = arith.sitofp %reduce_sum3A_44 : i32 to f32
    %sub3A_45 = arith.constant 1.000000e+00 : f32
    %sub3A_46 = arith.subf %convert_element_type3A, %sub3A_45 : f32
    %max3A = arith.constant 1.000000e+00 : f32
    %max3A_47 = arith.maximumf %sub3A_46, %max3A : f32
    %scan3A = arith.constant 0 : i32
    %scan3A_48 = arith.constant 0 : i32
    %scan3A_49 = arith.constant 256 : i32
    %scan3A_50 = arith.addi %scan3A_48, %scan3A_49 : i32
    %scan3A_51 = arith.constant 1 : i32
    %scan3A_52 = scf.for %scan3A_77 = %scan3A_48 to %scan3A_50 step %scan3A_51 iter_args(%scan3A_78 = %scan3A) -> (i32)  : i32 {
      %mul3A_79 = arith.constant 16 : i32
      %mul3A_80 = arith.muli %scan3A_77, %mul3A_79 : i32
      %multiple_of3A = tpu.assume_multiple %mul3A_80, 16 : i32
      %add3A_81 = vector.broadcast %multiple_of3A : i32 to vector<16xi32>
      %add3A_82 = arith.addi %iota3A, %add3A_81 : vector<16xi32>
      %convert_element_type3A_83 = arith.sitofp %add3A_82 : vector<16xi32> to vector<16xf32>
      %div3A_84 = vector.broadcast %max3A_47 : f32 to vector<16xf32>
      %div3A_85 = arith.divf %convert_element_type3A_83, %div3A_84 : vector<16xf32>
      %min3A = arith.constant 1.000000e+00 : f32
      %min3A_86 = vector.broadcast %min3A : f32 to vector<16xf32>
      %min3A_87 = arith.minimumf %div3A_85, %min3A_86 : vector<16xf32>
      %mul3A_88 = arith.constant 2.000000e+01 : f32
      %mul3A_89 = vector.broadcast %mul3A_88 : f32 to vector<16xf32>
      %mul3A_90 = arith.mulf %min3A_87, %mul3A_89 : vector<16xf32>
      %convert_element_type3A_91 = arith.fptosi %mul3A_90 : vector<16xf32> to vector<16xi32>
      %swap3A = arith.index_cast %multiple_of3A : i32 to index
      %swap3A_92 = tpu.vector_load %arg22[%swap3A] {strides = array<i32>} : memref<4096xi32, #tpu.memory_space<vmem>>, vector<16xi32>,
      tpu.vector_store %arg22[%swap3A], %convert_element_type3A_91 {strides = array<i32>} : memref<4096xi32, #tpu.memory_space<vmem>>, vector<16xi32>,
      %convert_element_type3A_93 = arith.sitofp %convert_element_type3A_91 : vector<16xi32> to vector<16xf32>
      %sub3A_94 = arith.subf %mul3A_90, %convert_element_type3A_93 : vector<16xf32>
      %swap3A_95 = arith.index_cast %multiple_of3A : i32 to index
      %swap3A_96 = tpu.vector_load %arg23[%swap3A_95] {strides = array<i32>} : memref<4096xf32, #tpu.memory_space<vmem>>, vector<16xf32>,
      tpu.vector_store %arg23[%swap3A_95], %sub3A_94 {strides = array<i32>} : memref<4096xf32, #tpu.memory_space<vmem>>, vector<16xf32>,
      %sub3A_97 = arith.constant 1.000000e+00 : f32
      %sub3A_98 = vector.broadcast %sub3A_97 : f32 to vector<16xf32>
      %sub3A_99 = arith.subf %sub3A_98, %sub3A_94 : vector<16xf32>
      %swap3A_100 = arith.index_cast %multiple_of3A : i32 to index
      %swap3A_101 = tpu.vector_load %arg24[%swap3A_100] {strides = array<i32>} : memref<4096xf32, #tpu.memory_space<vmem>>, vector<16xf32>,
      tpu.vector_store %arg24[%swap3A_100], %sub3A_99 {strides = array<i32>} : memref<4096xf32, #tpu.memory_space<vmem>>, vector<16xf32>,
      %scan3A_102 = arith.constant 0 : i32
      scf.yield %scan3A_102 : i32
    }
    %scan3A_53 = arith.constant 256 : i32
    %broadcast_in_dim3A_54 = arith.constant 0 : i32
    %broadcast_in_dim3A_55 = vector.broadcast %broadcast_in_dim3A_54 : i32 to vector<16xi32>
    "tpu.region"() ({
      %run_scoped3A = tpu.sem_alloc : memref<!tpu.dma_semaphore, #tpu.memory_space<semaphore_mem>>
      %dma_start3A = arith.constant 0 : i32
      %dma_start3A_77 = tpu.memref_slice %arg7[%dma_start3A] : memref<32768xf32, #tpu.memory_space<vmem>> -> memref<16384xf32, #tpu.memory_space<vmem>>
      %dma_start3A_78 = arith.constant 0 : i32
      %dma_start3A_79 = tpu.memref_slice %arg2[%mul3A_4, %dma_start3A_78] : memref<512x16384xf32, #tpu.memory_space<hbm>> -> memref<1x16384xf32, #tpu.memory_space<hbm>>
      %dma_start3A_80 = tpu.memref_squeeze %dma_start3A_79 : memref<1x16384xf32, #tpu.memory_space<hbm>> -> memref<16384xf32, #tpu.memory_space<hbm>>
      %dma_start3A_81 = arith.constant 0 : i32
      %dma_start3A_82 = tpu.memref_slice %arg7[%dma_start3A_81] : memref<32768xf32, #tpu.memory_space<vmem>> -> memref<16384xf32, #tpu.memory_space<vmem>>
      %dma_start3A_83 = arith.constant 0 : i32
      %dma_start3A_84 = tpu.memref_slice %arg2[%mul3A_4, %dma_start3A_83] : memref<512x16384xf32, #tpu.memory_space<hbm>> -> memref<1x16384xf32, #tpu.memory_space<hbm>>
      %dma_start3A_85 = tpu.memref_squeeze %dma_start3A_84 : memref<1x16384xf32, #tpu.memory_space<hbm>> -> memref<16384xf32, #tpu.memory_space<hbm>>
      tpu.enqueue_dma source(%dma_start3A_85 : memref<16384xf32, #tpu.memory_space<hbm>>) target(%dma_start3A_82 : memref<16384xf32, #tpu.memory_space<vmem>>) target_semaphore(%run_scoped3A : memref<!tpu.dma_semaphore, #tpu.memory_space<semaphore_mem>>)
      %dma_wait3A = arith.constant 0 : i32
      %dma_wait3A_86 = tpu.memref_slice %arg7[%dma_wait3A] : memref<32768xf32, #tpu.memory_space<vmem>> -> memref<16384xf32, #tpu.memory_space<vmem>>
      %dma_wait3A_87 = arith.constant 0 : i32
      %dma_wait3A_88 = tpu.memref_slice %arg2[%mul3A_4, %dma_wait3A_87] : memref<512x16384xf32, #tpu.memory_space<hbm>> -> memref<1x16384xf32, #tpu.memory_space<hbm>>
      %dma_wait3A_89 = tpu.memref_squeeze %dma_wait3A_88 : memref<1x16384xf32, #tpu.memory_space<hbm>> -> memref<16384xf32, #tpu.memory_space<hbm>>
      %dma_wait3A_90 = arith.constant 0 : i32
      %dma_wait3A_91 = tpu.memref_slice %arg7[%dma_wait3A_90] : memref<32768xf32, #tpu.memory_space<vmem>> -> memref<16384xf32, #tpu.memory_space<vmem>>
      %dma_wait3A_92 = arith.constant 0 : i32
      %dma_wait3A_93 = tpu.memref_slice %arg2[%mul3A_4, %dma_wait3A_92] : memref<512x16384xf32, #tpu.memory_space<hbm>> -> memref<1x16384xf32, #tpu.memory_space<hbm>>
      %dma_wait3A_94 = tpu.memref_squeeze %dma_wait3A_93 : memref<1x16384xf32, #tpu.memory_space<hbm>> -> memref<16384xf32, #tpu.memory_space<hbm>>
      tpu.wait_dma2 semaphore(%run_scoped3A : memref<!tpu.dma_semaphore, #tpu.memory_space<semaphore_mem>>) src(%dma_wait3A_94 : memref<16384xf32, #tpu.memory_space<hbm>>) dst(%dma_wait3A_91 : memref<16384xf32, #tpu.memory_space<vmem>>)
      tpu.yield
    }) : () -> ()
    %scan3A_56 = arith.constant 0 : i32
    %scan3A_57 = arith.constant 0 : i32
    %scan3A_58 = arith.constant 128 : i32
    %scan3A_59 = arith.addi %scan3A_57, %scan3A_58 : i32
    %scan3A_60 = arith.constant 1 : i32
    %scan3A_61 = scf.for %scan3A_77 = %scan3A_57 to %scan3A_59 step %scan3A_60 iter_args(%scan3A_78 = %scan3A_56) -> (i32)  : i32 {
      %mul3A_79 = arith.constant 16 : i32
      %mul3A_80 = arith.muli %scan3A_77, %mul3A_79 : i32
      %multiple_of3A = tpu.assume_multiple %mul3A_80, 16 : i32
      %swap3A = arith.index_cast %multiple_of3A : i32 to index
      %swap3A_81 = tpu.vector_load %arg12[%swap3A] {strides = array<i32>} : memref<2048xi32, #tpu.memory_space<vmem>>, vector<16xi32>,
      tpu.vector_store %arg12[%swap3A], %broadcast_in_dim3A_55 {strides = array<i32>} : memref<2048xi32, #tpu.memory_space<vmem>>, vector<16xi32>,
      %swap3A_82 = arith.index_cast %multiple_of3A : i32 to index
      %swap3A_83 = tpu.vector_load %arg13[%swap3A_82] {strides = array<i32>} : memref<2048xi32, #tpu.memory_space<vmem>>, vector<16xi32>,
      tpu.vector_store %arg13[%swap3A_82], %broadcast_in_dim3A_55 {strides = array<i32>} : memref<2048xi32, #tpu.memory_space<vmem>>, vector<16xi32>,
      %swap3A_84 = arith.index_cast %multiple_of3A : i32 to index
      %swap3A_85 = tpu.vector_load %arg14[%swap3A_84] {strides = array<i32>} : memref<2048xi32, #tpu.memory_space<vmem>>, vector<16xi32>,
      tpu.vector_store %arg14[%swap3A_84], %broadcast_in_dim3A_55 {strides = array<i32>} : memref<2048xi32, #tpu.memory_space<vmem>>, vector<16xi32>,
      %swap3A_86 = arith.index_cast %multiple_of3A : i32 to index
      %swap3A_87 = tpu.vector_load %arg15[%swap3A_86] {strides = array<i32>} : memref<2048xi32, #tpu.memory_space<vmem>>, vector<16xi32>,
      tpu.vector_store %arg15[%swap3A_86], %broadcast_in_dim3A_55 {strides = array<i32>} : memref<2048xi32, #tpu.memory_space<vmem>>, vector<16xi32>,
      %scan3A_88 = arith.constant 0 : i32
      scf.yield %scan3A_88 : i32
    }
    %scan3A_62 = arith.constant 128 : i32
    %scan3A_63 = arith.constant 0 : i32
    %scan3A_64 = arith.constant 0 : i32
    %scan3A_65 = arith.constant 256 : i32
    %scan3A_66 = arith.addi %scan3A_64, %scan3A_65 : i32
    %scan3A_67 = arith.constant 2 : i32
    %scan3A_68 = scf.for %scan3A_77 = %scan3A_64 to %scan3A_66 step %scan3A_67 iter_args(%scan3A_78 = %scan3A_63) -> (i32)  : i32 {
      %mul3A_79 = arith.constant 16 : i32
      %mul3A_80 = arith.muli %scan3A_77, %mul3A_79 : i32
      %multiple_of3A = tpu.assume_multiple %mul3A_80, 16 : i32
      %add3A_81 = arith.constant 0 : i32
      %add3A_82 = arith.addi %add3A_81, %multiple_of3A : i32
      %add3A_83 = arith.constant 0 : i32
      %add3A_84 = arith.addi %add3A_82, %add3A_83 : i32
      %multiple_of3A_85 = tpu.assume_multiple %add3A_84, 16 : i32
      %get3A_86 = arith.index_cast %multiple_of3A_85 : i32 to index
      %get3A_87 = tpu.vector_load %arg7[%get3A_86] {strides = array<i32>} : memref<32768xf32, #tpu.memory_space<vmem>>, vector<16xf32>,
      %bitcast3A = vector.bitcast %get3A_87 : vector<16xf32> to vector<16xi32>
      %add3A_88 = arith.constant 0 : i32
      %add3A_89 = arith.addi %add3A_88, %multiple_of3A : i32
      %add3A_90 = arith.constant 4096 : i32
      %add3A_91 = arith.addi %add3A_89, %add3A_90 : i32
      %multiple_of3A_92 = tpu.assume_multiple %add3A_91, 16 : i32
      %get3A_93 = arith.index_cast %multiple_of3A_92 : i32 to index
      %get3A_94 = tpu.vector_load %arg7[%get3A_93] {strides = array<i32>} : memref<32768xf32, #tpu.memory_space<vmem>>, vector<16xf32>,
      %bitcast3A_95 = vector.bitcast %get3A_94 : vector<16xf32> to vector<16xi32>
      %add3A_96 = arith.constant 0 : i32
      %add3A_97 = arith.addi %add3A_96, %multiple_of3A : i32
      %add3A_98 = arith.constant 8192 : i32
      %add3A_99 = arith.addi %add3A_97, %add3A_98 : i32
      %multiple_of3A_100 = tpu.assume_multiple %add3A_99, 16 : i32
      %get3A_101 = arith.index_cast %multiple_of3A_100 : i32 to index
      %get3A_102 = tpu.vector_load %arg7[%get3A_101] {strides = array<i32>} : memref<32768xf32, #tpu.memory_space<vmem>>, vector<16xf32>,
      %bitcast3A_103 = vector.bitcast %get3A_102 : vector<16xf32> to vector<16xi32>
      %add3A_104 = arith.constant 0 : i32
      %add3A_105 = arith.addi %add3A_104, %multiple_of3A : i32
      %add3A_106 = arith.constant 12288 : i32
      %add3A_107 = arith.addi %add3A_105, %add3A_106 : i32
      %multiple_of3A_108 = tpu.assume_multiple %add3A_107, 16 : i32
      %get3A_109 = arith.index_cast %multiple_of3A_108 : i32 to index
      %get3A_110 = tpu.vector_load %arg7[%get3A_109] {strides = array<i32>} : memref<32768xf32, #tpu.memory_space<vmem>>, vector<16xf32>,
      %bitcast3A_111 = vector.bitcast %get3A_110 : vector<16xf32> to vector<16xi32>
      %shift_right_arithmetic3A = arith.constant 31 : i32
      %shift_right_arithmetic3A_112 = vector.broadcast %shift_right_arithmetic3A : i32 to vector<16xi32>
      %shift_right_arithmetic3A_113 = arith.shrsi %bitcast3A, %shift_right_arithmetic3A_112 : vector<16xi32>
      %not3A = arith.constant dense<-1> : vector<16xi32>
      %not3A_114 = arith.xori %shift_right_arithmetic3A_113, %not3A : vector<16xi32>
      %and3A_115 = arith.constant 2147483647 : i32
      %and3A_116 = vector.broadcast %and3A_115 : i32 to vector<16xi32>
      %and3A_117 = arith.andi %not3A_114, %and3A_116 : vector<16xi32>
      %xor3A = arith.xori %bitcast3A, %and3A_117 : vector<16xi32>
      %shift_right_arithmetic3A_118 = arith.constant 31 : i32
      %shift_right_arithmetic3A_119 = vector.broadcast %shift_right_arithmetic3A_118 : i32 to vector<16xi32>
      %shift_right_arithmetic3A_120 = arith.shrsi %bitcast3A_95, %shift_right_arithmetic3A_119 : vector<16xi32>
      %not3A_121 = arith.constant dense<-1> : vector<16xi32>
      %not3A_122 = arith.xori %shift_right_arithmetic3A_120, %not3A_121 : vector<16xi32>
      %and3A_123 = arith.constant 2147483647 : i32
      %and3A_124 = vector.broadcast %and3A_123 : i32 to vector<16xi32>
      %and3A_125 = arith.andi %not3A_122, %and3A_124 : vector<16xi32>
      %xor3A_126 = arith.xori %bitcast3A_95, %and3A_125 : vector<16xi32>
      %shift_right_arithmetic3A_127 = arith.constant 31 : i32
      %shift_right_arithmetic3A_128 = vector.broadcast %shift_right_arithmetic3A_127 : i32 to vector<16xi32>
      %shift_right_arithmetic3A_129 = arith.shrsi %bitcast3A_103, %shift_right_arithmetic3A_128 : vector<16xi32>
      %not3A_130 = arith.constant dense<-1> : vector<16xi32>
      %not3A_131 = arith.xori %shift_right_arithmetic3A_129, %not3A_130 : vector<16xi32>
      %and3A_132 = arith.constant 2147483647 : i32
      %and3A_133 = vector.broadcast %and3A_132 : i32 to vector<16xi32>
      %and3A_134 = arith.andi %not3A_131, %and3A_133 : vector<16xi32>
      %xor3A_135 = arith.xori %bitcast3A_103, %and3A_134 : vector<16xi32>
      %shift_right_arithmetic3A_136 = arith.constant 31 : i32
      %shift_right_arithmetic3A_137 = vector.broadcast %shift_right_arithmetic3A_136 : i32 to vector<16xi32>
      %shift_right_arithmetic3A_138 = arith.shrsi %bitcast3A_111, %shift_right_arithmetic3A_137 : vector<16xi32>
      %not3A_139 = arith.constant dense<-1> : vector<16xi32>
      %not3A_140 = arith.xori %shift_right_arithmetic3A_138, %not3A_139 : vector<16xi32>
      %and3A_141 = arith.constant 2147483647 : i32
      %and3A_142 = vector.broadcast %and3A_141 : i32 to vector<16xi32>
      %and3A_143 = arith.andi %not3A_140, %and3A_142 : vector<16xi32>
      %xor3A_144 = arith.xori %bitcast3A_111, %and3A_143 : vector<16xi32>
      %add3A_145 = arith.constant 0 : i32
      %add3A_146 = arith.addi %multiple_of3A, %add3A_145 : i32
      %swap3A = arith.index_cast %add3A_146 : i32 to index
      %swap3A_147 = tpu.vector_load %arg8[%swap3A] {strides = array<i32>} : memref<16384xi32, #tpu.memory_space<vmem>>, vector<16xi32>,
      tpu.vector_store %arg8[%swap3A], %xor3A {strides = array<i32>} : memref<16384xi32, #tpu.memory_space<vmem>>, vector<16xi32>,
      %add3A_148 = arith.constant 4096 : i32
      %add3A_149 = arith.addi %multiple_of3A, %add3A_148 : i32
      %swap3A_150 = arith.index_cast %add3A_149 : i32 to index
      %swap3A_151 = tpu.vector_load %arg8[%swap3A_150] {strides = array<i32>} : memref<16384xi32, #tpu.memory_space<vmem>>, vector<16xi32>,
      tpu.vector_store %arg8[%swap3A_150], %xor3A_126 {strides = array<i32>} : memref<16384xi32, #tpu.memory_space<vmem>>, vector<16xi32>,
      %add3A_152 = arith.constant 8192 : i32
      %add3A_153 = arith.addi %multiple_of3A, %add3A_152 : i32
      %swap3A_154 = arith.index_cast %add3A_153 : i32 to index
      %swap3A_155 = tpu.vector_load %arg8[%swap3A_154] {strides = array<i32>} : memref<16384xi32, #tpu.memory_space<vmem>>, vector<16xi32>,
      tpu.vector_store %arg8[%swap3A_154], %xor3A_135 {strides = array<i32>} : memref<16384xi32, #tpu.memory_space<vmem>>, vector<16xi32>,
      %add3A_156 = arith.constant 12288 : i32
      %add3A_157 = arith.addi %multiple_of3A, %add3A_156 : i32
      %swap3A_158 = arith.index_cast %add3A_157 : i32 to index
      %swap3A_159 = tpu.vector_load %arg8[%swap3A_158] {strides = array<i32>} : memref<16384xi32, #tpu.memory_space<vmem>>, vector<16xi32>,
      tpu.vector_store %arg8[%swap3A_158], %xor3A_144 {strides = array<i32>} : memref<16384xi32, #tpu.memory_space<vmem>>, vector<16xi32>,
      %and3A_160 = arith.constant 2047 : i32
      %and3A_161 = vector.broadcast %and3A_160 : i32 to vector<16xi32>
      %and3A_162 = arith.andi %xor3A, %and3A_161 : vector<16xi32>
      %and3A_163 = arith.constant 2047 : i32
      %and3A_164 = vector.broadcast %and3A_163 : i32 to vector<16xi32>
      %and3A_165 = arith.andi %xor3A_126, %and3A_164 : vector<16xi32>
      %and3A_166 = arith.constant 2047 : i32
      %and3A_167 = vector.broadcast %and3A_166 : i32 to vector<16xi32>
      %and3A_168 = arith.andi %xor3A_135, %and3A_167 : vector<16xi32>
      %and3A_169 = arith.constant 2047 : i32
      %and3A_170 = vector.broadcast %and3A_169 : i32 to vector<16xi32>
      %and3A_171 = arith.andi %xor3A_144, %and3A_170 : vector<16xi32>
      %broadcast_in_dim3A_172 = arith.constant 1 : i32
      %broadcast_in_dim3A_173 = vector.broadcast %broadcast_in_dim3A_172 : i32 to vector<16xi32>
      tpu.vector_store_idx %arg12[%and3A_162], %broadcast_in_dim3A_173 {add = true} : memref<2048xi32, #tpu.memory_space<vmem>>[vector<16xi32>], vector<16xi32>,
      tpu.vector_store_idx %arg13[%and3A_165], %broadcast_in_dim3A_173 {add = true} : memref<2048xi32, #tpu.memory_space<vmem>>[vector<16xi32>], vector<16xi32>,
      tpu.vector_store_idx %arg14[%and3A_168], %broadcast_in_dim3A_173 {add = true} : memref<2048xi32, #tpu.memory_space<vmem>>[vector<16xi32>], vector<16xi32>,
      tpu.vector_store_idx %arg15[%and3A_171], %broadcast_in_dim3A_173 {add = true} : memref<2048xi32, #tpu.memory_space<vmem>>[vector<16xi32>], vector<16xi32>,
      %scan3A_174 = arith.constant 0 : i32
      %scan3A_175 = arith.constant 1 : i32
      %scan3A_176 = arith.addi %scan3A_77, %scan3A_175 : i32
      %mul3A_177 = arith.constant 16 : i32
      %mul3A_178 = arith.muli %scan3A_176, %mul3A_177 : i32
      %multiple_of3A_179 = tpu.assume_multiple %mul3A_178, 16 : i32
      %add3A_180 = arith.constant 0 : i32
      %add3A_181 = arith.addi %add3A_180, %multiple_of3A_179 : i32
      %add3A_182 = arith.constant 0 : i32
      %add3A_183 = arith.addi %add3A_181, %add3A_182 : i32
      %multiple_of3A_184 = tpu.assume_multiple %add3A_183, 16 : i32
      %get3A_185 = arith.index_cast %multiple_of3A_184 : i32 to index
      %get3A_186 = tpu.vector_load %arg7[%get3A_185] {strides = array<i32>} : memref<32768xf32, #tpu.memory_space<vmem>>, vector<16xf32>,
      %bitcast3A_187 = vector.bitcast %get3A_186 : vector<16xf32> to vector<16xi32>
      %add3A_188 = arith.constant 0 : i32
      %add3A_189 = arith.addi %add3A_188, %multiple_of3A_179 : i32
      %add3A_190 = arith.constant 4096 : i32
      %add3A_191 = arith.addi %add3A_189, %add3A_190 : i32
      %multiple_of3A_192 = tpu.assume_multiple %add3A_191, 16 : i32
      %get3A_193 = arith.index_cast %multiple_of3A_192 : i32 to index
      %get3A_194 = tpu.vector_load %arg7[%get3A_193] {strides = array<i32>} : memref<32768xf32, #tpu.memory_space<vmem>>, vector<16xf32>,
      %bitcast3A_195 = vector.bitcast %get3A_194 : vector<16xf32> to vector<16xi32>
      %add3A_196 = arith.constant 0 : i32
      %add3A_197 = arith.addi %add3A_196, %multiple_of3A_179 : i32
      %add3A_198 = arith.constant 8192 : i32
      %add3A_199 = arith.addi %add3A_197, %add3A_198 : i32
      %multiple_of3A_200 = tpu.assume_multiple %add3A_199, 16 : i32
      %get3A_201 = arith.index_cast %multiple_of3A_200 : i32 to index
      %get3A_202 = tpu.vector_load %arg7[%get3A_201] {strides = array<i32>} : memref<32768xf32, #tpu.memory_space<vmem>>, vector<16xf32>,
      %bitcast3A_203 = vector.bitcast %get3A_202 : vector<16xf32> to vector<16xi32>
      %add3A_204 = arith.constant 0 : i32
      %add3A_205 = arith.addi %add3A_204, %multiple_of3A_179 : i32
      %add3A_206 = arith.constant 12288 : i32
      %add3A_207 = arith.addi %add3A_205, %add3A_206 : i32
      %multiple_of3A_208 = tpu.assume_multiple %add3A_207, 16 : i32
      %get3A_209 = arith.index_cast %multiple_of3A_208 : i32 to index
      %get3A_210 = tpu.vector_load %arg7[%get3A_209] {strides = array<i32>} : memref<32768xf32, #tpu.memory_space<vmem>>, vector<16xf32>,
      %bitcast3A_211 = vector.bitcast %get3A_210 : vector<16xf32> to vector<16xi32>
      %shift_right_arithmetic3A_212 = arith.constant 31 : i32
      %shift_right_arithmetic3A_213 = vector.broadcast %shift_right_arithmetic3A_212 : i32 to vector<16xi32>
      %shift_right_arithmetic3A_214 = arith.shrsi %bitcast3A_187, %shift_right_arithmetic3A_213 : vector<16xi32>
      %not3A_215 = arith.constant dense<-1> : vector<16xi32>
      %not3A_216 = arith.xori %shift_right_arithmetic3A_214, %not3A_215 : vector<16xi32>
      %and3A_217 = arith.constant 2147483647 : i32
      %and3A_218 = vector.broadcast %and3A_217 : i32 to vector<16xi32>
      %and3A_219 = arith.andi %not3A_216, %and3A_218 : vector<16xi32>
      %xor3A_220 = arith.xori %bitcast3A_187, %and3A_219 : vector<16xi32>
      %shift_right_arithmetic3A_221 = arith.constant 31 : i32
      %shift_right_arithmetic3A_222 = vector.broadcast %shift_right_arithmetic3A_221 : i32 to vector<16xi32>
      %shift_right_arithmetic3A_223 = arith.shrsi %bitcast3A_195, %shift_right_arithmetic3A_222 : vector<16xi32>
      %not3A_224 = arith.constant dense<-1> : vector<16xi32>
      %not3A_225 = arith.xori %shift_right_arithmetic3A_223, %not3A_224 : vector<16xi32>
      %and3A_226 = arith.constant 2147483647 : i32
      %and3A_227 = vector.broadcast %and3A_226 : i32 to vector<16xi32>
      %and3A_228 = arith.andi %not3A_225, %and3A_227 : vector<16xi32>
      %xor3A_229 = arith.xori %bitcast3A_195, %and3A_228 : vector<16xi32>
      %shift_right_arithmetic3A_230 = arith.constant 31 : i32
      %shift_right_arithmetic3A_231 = vector.broadcast %shift_right_arithmetic3A_230 : i32 to vector<16xi32>
      %shift_right_arithmetic3A_232 = arith.shrsi %bitcast3A_203, %shift_right_arithmetic3A_231 : vector<16xi32>
      %not3A_233 = arith.constant dense<-1> : vector<16xi32>
      %not3A_234 = arith.xori %shift_right_arithmetic3A_232, %not3A_233 : vector<16xi32>
      %and3A_235 = arith.constant 2147483647 : i32
      %and3A_236 = vector.broadcast %and3A_235 : i32 to vector<16xi32>
      %and3A_237 = arith.andi %not3A_234, %and3A_236 : vector<16xi32>
      %xor3A_238 = arith.xori %bitcast3A_203, %and3A_237 : vector<16xi32>
      %shift_right_arithmetic3A_239 = arith.constant 31 : i32
      %shift_right_arithmetic3A_240 = vector.broadcast %shift_right_arithmetic3A_239 : i32 to vector<16xi32>
      %shift_right_arithmetic3A_241 = arith.shrsi %bitcast3A_211, %shift_right_arithmetic3A_240 : vector<16xi32>
      %not3A_242 = arith.constant dense<-1> : vector<16xi32>
      %not3A_243 = arith.xori %shift_right_arithmetic3A_241, %not3A_242 : vector<16xi32>
      %and3A_244 = arith.constant 2147483647 : i32
      %and3A_245 = vector.broadcast %and3A_244 : i32 to vector<16xi32>
      %and3A_246 = arith.andi %not3A_243, %and3A_245 : vector<16xi32>
      %xor3A_247 = arith.xori %bitcast3A_211, %and3A_246 : vector<16xi32>
      %add3A_248 = arith.constant 0 : i32
      %add3A_249 = arith.addi %multiple_of3A_179, %add3A_248 : i32
      %swap3A_250 = arith.index_cast %add3A_249 : i32 to index
      %swap3A_251 = tpu.vector_load %arg8[%swap3A_250] {strides = array<i32>} : memref<16384xi32, #tpu.memory_space<vmem>>, vector<16xi32>,
      tpu.vector_store %arg8[%swap3A_250], %xor3A_220 {strides = array<i32>} : memref<16384xi32, #tpu.memory_space<vmem>>, vector<16xi32>,
      %add3A_252 = arith.constant 4096 : i32
      %add3A_253 = arith.addi %multiple_of3A_179, %add3A_252 : i32
      %swap3A_254 = arith.index_cast %add3A_253 : i32 to index
      %swap3A_255 = tpu.vector_load %arg8[%swap3A_254] {strides = array<i32>} : memref<16384xi32, #tpu.memory_space<vmem>>, vector<16xi32>,
      tpu.vector_store %arg8[%swap3A_254], %xor3A_229 {strides = array<i32>} : memref<16384xi32, #tpu.memory_space<vmem>>, vector<16xi32>,
      %add3A_256 = arith.constant 8192 : i32
      %add3A_257 = arith.addi %multiple_of3A_179, %add3A_256 : i32
      %swap3A_258 = arith.index_cast %add3A_257 : i32 to index
      %swap3A_259 = tpu.vector_load %arg8[%swap3A_258] {strides = array<i32>} : memref<16384xi32, #tpu.memory_space<vmem>>, vector<16xi32>,
      tpu.vector_store %arg8[%swap3A_258], %xor3A_238 {strides = array<i32>} : memref<16384xi32, #tpu.memory_space<vmem>>, vector<16xi32>,
      %add3A_260 = arith.constant 12288 : i32
      %add3A_261 = arith.addi %multiple_of3A_179, %add3A_260 : i32
      %swap3A_262 = arith.index_cast %add3A_261 : i32 to index
      %swap3A_263 = tpu.vector_load %arg8[%swap3A_262] {strides = array<i32>} : memref<16384xi32, #tpu.memory_space<vmem>>, vector<16xi32>,
      tpu.vector_store %arg8[%swap3A_262], %xor3A_247 {strides = array<i32>} : memref<16384xi32, #tpu.memory_space<vmem>>, vector<16xi32>,
      %and3A_264 = arith.constant 2047 : i32
      %and3A_265 = vector.broadcast %and3A_264 : i32 to vector<16xi32>
      %and3A_266 = arith.andi %xor3A_220, %and3A_265 : vector<16xi32>
      %and3A_267 = arith.constant 2047 : i32
      %and3A_268 = vector.broadcast %and3A_267 : i32 to vector<16xi32>
      %and3A_269 = arith.andi %xor3A_229, %and3A_268 : vector<16xi32>
      %and3A_270 = arith.constant 2047 : i32
      %and3A_271 = vector.broadcast %and3A_270 : i32 to vector<16xi32>
      %and3A_272 = arith.andi %xor3A_238, %and3A_271 : vector<16xi32>
      %and3A_273 = arith.constant 2047 : i32
      %and3A_274 = vector.broadcast %and3A_273 : i32 to vector<16xi32>
      %and3A_275 = arith.andi %xor3A_247, %and3A_274 : vector<16xi32>
      %broadcast_in_dim3A_276 = arith.constant 1 : i32
      %broadcast_in_dim3A_277 = vector.broadcast %broadcast_in_dim3A_276 : i32 to vector<16xi32>
      tpu.vector_store_idx %arg12[%and3A_266], %broadcast_in_dim3A_277 {add = true} : memref<2048xi32, #tpu.memory_space<vmem>>[vector<16xi32>], vector<16xi32>,
      tpu.vector_store_idx %arg13[%and3A_269], %broadcast_in_dim3A_277 {add = true} : memref<2048xi32, #tpu.memory_space<vmem>>[vector<16xi32>], vector<16xi32>,
      tpu.vector_store_idx %arg14[%and3A_272], %broadcast_in_dim3A_277 {add = true} : memref<2048xi32, #tpu.memory_space<vmem>>[vector<16xi32>], vector<16xi32>,
      tpu.vector_store_idx %arg15[%and3A_275], %broadcast_in_dim3A_277 {add = true} : memref<2048xi32, #tpu.memory_space<vmem>>[vector<16xi32>], vector<16xi32>,
      %scan3A_278 = arith.constant 0 : i32
      scf.yield %scan3A_278 : i32
    }
    %scan3A_69 = arith.constant 256 : i32
    %scan3A_70 = arith.constant 0 : i32
    %scan3A_71 = arith.constant 0 : i32
    %scan3A_72 = arith.constant 16 : i32
    %scan3A_73 = arith.addi %scan3A_71, %scan3A_72 : i32
    %scan3A_74 = arith.constant 1 : i32
    %scan3A_75 = scf.for %scan3A_77 = %scan3A_71 to %scan3A_73 step %scan3A_74 iter_args(%scan3A_78 = %scan3A_70) -> (i32)  : i32 {
      %add3A_79 = arith.constant 1 : i32
      %add3A_80 = arith.addi %scan3A_77, %add3A_79 : i32
      %min3A = arith.constant 15 : i32
      %min3A_81 = arith.minsi %add3A_80, %min3A : i32
      %add3A_82 = arith.constant 1 : i32
      %add3A_83 = arith.addi %scan3A_77, %add3A_82 : i32
      %rem3A_84 = arith.constant 2 : i32
      %rem3A_85 = arith.remsi %add3A_83, %rem3A_84 : i32
      %mul3A_86 = arith.constant 16384 : i32
      %mul3A_87 = arith.muli %rem3A_85, %mul3A_86 : i32
      %add3A_88 = arith.addi %mul3A_4, %min3A_81 : i32
      %multiple_of3A = tpu.assume_multiple %mul3A_87, 16384 : i32
      %dma_start3A = tpu.memref_slice %arg7[%multiple_of3A] : memref<32768xf32, #tpu.memory_space<vmem>> -> memref<16384xf32, #tpu.memory_space<vmem>>
      %dma_start3A_89 = arith.constant 0 : i32
      %dma_start3A_90 = tpu.memref_slice %arg2[%add3A_88, %dma_start3A_89] : memref<512x16384xf32, #tpu.memory_space<hbm>> -> memref<1x16384xf32, #tpu.memory_space<hbm>>
      %dma_start3A_91 = tpu.memref_squeeze %dma_start3A_90 : memref<1x16384xf32, #tpu.memory_space<hbm>> -> memref<16384xf32, #tpu.memory_space<hbm>>
      %dma_start3A_92 = tpu.memref_slice %arg7[%multiple_of3A] : memref<32768xf32, #tpu.memory_space<vmem>> -> memref<16384xf32, #tpu.memory_space<vmem>>
      %dma_start3A_93 = arith.constant 0 : i32
      %dma_start3A_94 = tpu.memref_slice %arg2[%add3A_88, %dma_start3A_93] : memref<512x16384xf32, #tpu.memory_space<hbm>> -> memref<1x16384xf32, #tpu.memory_space<hbm>>
      %dma_start3A_95 = tpu.memref_squeeze %dma_start3A_94 : memref<1x16384xf32, #tpu.memory_space<hbm>> -> memref<16384xf32, #tpu.memory_space<hbm>>
      tpu.enqueue_dma source(%dma_start3A_95 : memref<16384xf32, #tpu.memory_space<hbm>>) target(%dma_start3A_92 : memref<16384xf32, #tpu.memory_space<vmem>>) target_semaphore(%arg26 : memref<!tpu.dma_semaphore, #tpu.memory_space<semaphore_mem>>)
      %broadcast_in_dim3A_96 = arith.constant 15 : i32
      %broadcast_in_dim3A_97 = vector.broadcast %broadcast_in_dim3A_96 : i32 to vector<16xi32>
      %broadcast_in_dim3A_98 = arith.constant -1 : i32
      %broadcast_in_dim3A_99 = vector.broadcast %broadcast_in_dim3A_98 : i32 to vector<16xi32>
      %broadcast_in_dim3A_100 = arith.constant 4095 : i32
      %broadcast_in_dim3A_101 = vector.broadcast %broadcast_in_dim3A_100 : i32 to vector<16xi32>
      %broadcast_in_dim3A_102 = arith.constant 8191 : i32
      %broadcast_in_dim3A_103 = vector.broadcast %broadcast_in_dim3A_102 : i32 to vector<16xi32>
      %broadcast_in_dim3A_104 = arith.constant 12287 : i32
      %broadcast_in_dim3A_105 = vector.broadcast %broadcast_in_dim3A_104 : i32 to vector<16xi32>
      %scan3A_106 = arith.constant 0 : i32
      %scan3A_107 = arith.constant 128 : i32
      %scan3A_108 = arith.addi %scan3A_106, %scan3A_107 : i32
      %scan3A_109 = arith.constant 1 : i32
      %scan3A_110:4 = scf.for %scan3A_273 = %scan3A_106 to %scan3A_108 step %scan3A_109 iter_args(%scan3A_274 = %broadcast_in_dim3A_99, %scan3A_275 = %broadcast_in_dim3A_101, %scan3A_276 = %broadcast_in_dim3A_103, %scan3A_277 = %broadcast_in_dim3A_105) -> (vector<16xi32>, vector<16xi32>, vector<16xi32>, vector<16xi32>)  : i32 {
        %mul3A_278 = arith.constant 16 : i32
        %mul3A_279 = arith.muli %scan3A_273, %mul3A_278 : i32
        %multiple_of3A_280 = tpu.assume_multiple %mul3A_279, 16 : i32
        %get3A_281 = arith.index_cast %multiple_of3A_280 : i32 to index
        %get3A_282 = tpu.vector_load %arg12[%get3A_281] {strides = array<i32>} : memref<2048xi32, #tpu.memory_space<vmem>>, vector<16xi32>,
        %get3A_283 = arith.index_cast %multiple_of3A_280 : i32 to index
        %get3A_284 = tpu.vector_load %arg13[%get3A_283] {strides = array<i32>} : memref<2048xi32, #tpu.memory_space<vmem>>, vector<16xi32>,
        %get3A_285 = arith.index_cast %multiple_of3A_280 : i32 to index
        %get3A_286 = tpu.vector_load %arg14[%get3A_285] {strides = array<i32>} : memref<2048xi32, #tpu.memory_space<vmem>>, vector<16xi32>,
        %get3A_287 = arith.index_cast %multiple_of3A_280 : i32 to index
        %get3A_288 = tpu.vector_load %arg15[%get3A_287] {strides = array<i32>} : memref<2048xi32, #tpu.memory_space<vmem>>, vector<16xi32>,
        %broadcast_in_dim3A_289 = arith.constant true
        %broadcast_in_dim3A_290 = vector.broadcast %broadcast_in_dim3A_289 : i1 to vector<16xi1>
        %masked_cumsum3A = tpu.scan <sum>, %get3A_282 masked %broadcast_in_dim3A_290 : vector<16xi32>, vector<16xi1> -> vector<16xi32>
        %broadcast_in_dim3A_291 = arith.constant true
        %broadcast_in_dim3A_292 = vector.broadcast %broadcast_in_dim3A_291 : i1 to vector<16xi1>
        %masked_cumsum3A_293 = tpu.scan <sum>, %get3A_284 masked %broadcast_in_dim3A_292 : vector<16xi32>, vector<16xi1> -> vector<16xi32>
        %broadcast_in_dim3A_294 = arith.constant true
        %broadcast_in_dim3A_295 = vector.broadcast %broadcast_in_dim3A_294 : i1 to vector<16xi1>
        %masked_cumsum3A_296 = tpu.scan <sum>, %get3A_286 masked %broadcast_in_dim3A_295 : vector<16xi32>, vector<16xi1> -> vector<16xi32>
        %broadcast_in_dim3A_297 = arith.constant true
        %broadcast_in_dim3A_298 = vector.broadcast %broadcast_in_dim3A_297 : i1 to vector<16xi1>
        %masked_cumsum3A_299 = tpu.scan <sum>, %get3A_288 masked %broadcast_in_dim3A_298 : vector<16xi32>, vector<16xi1> -> vector<16xi32>
        %sub3A_300 = arith.subi %masked_cumsum3A, %get3A_282 : vector<16xi32>
        %add3A_301 = arith.addi %sub3A_300, %scan3A_274 : vector<16xi32>
        %swap3A = arith.index_cast %multiple_of3A_280 : i32 to index
        %swap3A_302 = tpu.vector_load %arg12[%swap3A] {strides = array<i32>} : memref<2048xi32, #tpu.memory_space<vmem>>, vector<16xi32>,
        tpu.vector_store %arg12[%swap3A], %add3A_301 {strides = array<i32>} : memref<2048xi32, #tpu.memory_space<vmem>>, vector<16xi32>,
        %sub3A_303 = arith.subi %masked_cumsum3A_293, %get3A_284 : vector<16xi32>
        %add3A_304 = arith.addi %sub3A_303, %scan3A_275 : vector<16xi32>
        %swap3A_305 = arith.index_cast %multiple_of3A_280 : i32 to index
        %swap3A_306 = tpu.vector_load %arg13[%swap3A_305] {strides = array<i32>} : memref<2048xi32, #tpu.memory_space<vmem>>, vector<16xi32>,
        tpu.vector_store %arg13[%swap3A_305], %add3A_304 {strides = array<i32>} : memref<2048xi32, #tpu.memory_space<vmem>>, vector<16xi32>,
        %sub3A_307 = arith.subi %masked_cumsum3A_296, %get3A_286 : vector<16xi32>
        %add3A_308 = arith.addi %sub3A_307, %scan3A_276 : vector<16xi32>
        %swap3A_309 = arith.index_cast %multiple_of3A_280 : i32 to index
        %swap3A_310 = tpu.vector_load %arg14[%swap3A_309] {strides = array<i32>} : memref<2048xi32, #tpu.memory_space<vmem>>, vector<16xi32>,
        tpu.vector_store %arg14[%swap3A_309], %add3A_308 {strides = array<i32>} : memref<2048xi32, #tpu.memory_space<vmem>>, vector<16xi32>,
        %sub3A_311 = arith.subi %masked_cumsum3A_299, %get3A_288 : vector<16xi32>
        %add3A_312 = arith.addi %sub3A_311, %scan3A_277 : vector<16xi32>
        %swap3A_313 = arith.index_cast %multiple_of3A_280 : i32 to index
        %swap3A_314 = tpu.vector_load %arg15[%swap3A_313] {strides = array<i32>} : memref<2048xi32, #tpu.memory_space<vmem>>, vector<16xi32>,
        tpu.vector_store %arg15[%swap3A_313], %add3A_312 {strides = array<i32>} : memref<2048xi32, #tpu.memory_space<vmem>>, vector<16xi32>,
        %swap3A_315 = arith.index_cast %multiple_of3A_280 : i32 to index
        %swap3A_316 = tpu.vector_load %arg16[%swap3A_315] {strides = array<i32>} : memref<2048xi32, #tpu.memory_space<vmem>>, vector<16xi32>,
        tpu.vector_store %arg16[%swap3A_315], %broadcast_in_dim3A_55 {strides = array<i32>} : memref<2048xi32, #tpu.memory_space<vmem>>, vector<16xi32>,
        %swap3A_317 = arith.index_cast %multiple_of3A_280 : i32 to index
        %swap3A_318 = tpu.vector_load %arg17[%swap3A_317] {strides = array<i32>} : memref<2048xi32, #tpu.memory_space<vmem>>, vector<16xi32>,
        tpu.vector_store %arg17[%swap3A_317], %broadcast_in_dim3A_55 {strides = array<i32>} : memref<2048xi32, #tpu.memory_space<vmem>>, vector<16xi32>,
        %swap3A_319 = arith.index_cast %multiple_of3A_280 : i32 to index
        %swap3A_320 = tpu.vector_load %arg18[%swap3A_319] {strides = array<i32>} : memref<2048xi32, #tpu.memory_space<vmem>>, vector<16xi32>,
        tpu.vector_store %arg18[%swap3A_319], %broadcast_in_dim3A_55 {strides = array<i32>} : memref<2048xi32, #tpu.memory_space<vmem>>, vector<16xi32>,
        %swap3A_321 = arith.index_cast %multiple_of3A_280 : i32 to index
        %swap3A_322 = tpu.vector_load %arg19[%swap3A_321] {strides = array<i32>} : memref<2048xi32, #tpu.memory_space<vmem>>, vector<16xi32>,
        tpu.vector_store %arg19[%swap3A_321], %broadcast_in_dim3A_55 {strides = array<i32>} : memref<2048xi32, #tpu.memory_space<vmem>>, vector<16xi32>,
        %lt3A_323 = arith.constant 0 : i32
        %lt3A_324 = vector.broadcast %lt3A_323 : i32 to vector<16xi32>
        %lt3A_325 = arith.cmpi slt, %broadcast_in_dim3A_97, %lt3A_324 : vector<16xi32>
        %add3A_326 = arith.constant 16 : i32
        %add3A_327 = vector.broadcast %add3A_326 : i32 to vector<16xi32>
        %add3A_328 = arith.addi %broadcast_in_dim3A_97, %add3A_327 : vector<16xi32>
        %select_n3A_329 = arith.select %lt3A_325, %add3A_328, %broadcast_in_dim3A_97 : vector<16xi1>, vector<16xi32>
        %reshape3A = vector.shape_cast %select_n3A_329 : vector<16xi32> to vector<16x1xi32>
        %gather3A = vector.shape_cast %reshape3A : vector<16x1xi32> to vector<16xi32>
        %gather3A_330 = tpu.dynamic_gather %masked_cumsum3A[%gather3A] in [0] : vector<16xi32>, vector<16xi32> -> vector<16xi32>
        %add3A_331 = arith.addi %scan3A_274, %gather3A_330 : vector<16xi32>
        %lt3A_332 = arith.constant 0 : i32
        %lt3A_333 = vector.broadcast %lt3A_332 : i32 to vector<16xi32>
        %lt3A_334 = arith.cmpi slt, %broadcast_in_dim3A_97, %lt3A_333 : vector<16xi32>
        %add3A_335 = arith.constant 16 : i32
        %add3A_336 = vector.broadcast %add3A_335 : i32 to vector<16xi32>
        %add3A_337 = arith.addi %broadcast_in_dim3A_97, %add3A_336 : vector<16xi32>
        %select_n3A_338 = arith.select %lt3A_334, %add3A_337, %broadcast_in_dim3A_97 : vector<16xi1>, vector<16xi32>
        %reshape3A_339 = vector.shape_cast %select_n3A_338 : vector<16xi32> to vector<16x1xi32>
        %gather3A_340 = vector.shape_cast %reshape3A_339 : vector<16x1xi32> to vector<16xi32>
        %gather3A_341 = tpu.dynamic_gather %masked_cumsum3A_293[%gather3A_340] in [0] : vector<16xi32>, vector<16xi32> -> vector<16xi32>
        %add3A_342 = arith.addi %scan3A_275, %gather3A_341 : vector<16xi32>
        %lt3A_343 = arith.constant 0 : i32
        %lt3A_344 = vector.broadcast %lt3A_343 : i32 to vector<16xi32>
        %lt3A_345 = arith.cmpi slt, %broadcast_in_dim3A_97, %lt3A_344 : vector<16xi32>
        %add3A_346 = arith.constant 16 : i32
        %add3A_347 = vector.broadcast %add3A_346 : i32 to vector<16xi32>
        %add3A_348 = arith.addi %broadcast_in_dim3A_97, %add3A_347 : vector<16xi32>
        %select_n3A_349 = arith.select %lt3A_345, %add3A_348, %broadcast_in_dim3A_97 : vector<16xi1>, vector<16xi32>
        %reshape3A_350 = vector.shape_cast %select_n3A_349 : vector<16xi32> to vector<16x1xi32>
        %gather3A_351 = vector.shape_cast %reshape3A_350 : vector<16x1xi32> to vector<16xi32>
        %gather3A_352 = tpu.dynamic_gather %masked_cumsum3A_296[%gather3A_351] in [0] : vector<16xi32>, vector<16xi32> -> vector<16xi32>
        %add3A_353 = arith.addi %scan3A_276, %gather3A_352 : vector<16xi32>
        %lt3A_354 = arith.constant 0 : i32
        %lt3A_355 = vector.broadcast %lt3A_354 : i32 to vector<16xi32>
        %lt3A_356 = arith.cmpi slt, %broadcast_in_dim3A_97, %lt3A_355 : vector<16xi32>
        %add3A_357 = arith.constant 16 : i32
        %add3A_358 = vector.broadcast %add3A_357 : i32 to vector<16xi32>
        %add3A_359 = arith.addi %broadcast_in_dim3A_97, %add3A_358 : vector<16xi32>
        %select_n3A_360 = arith.select %lt3A_356, %add3A_359, %broadcast_in_dim3A_97 : vector<16xi1>, vector<16xi32>
        %reshape3A_361 = vector.shape_cast %select_n3A_360 : vector<16xi32> to vector<16x1xi32>
        %gather3A_362 = vector.shape_cast %reshape3A_361 : vector<16x1xi32> to vector<16xi32>
        %gather3A_363 = tpu.dynamic_gather %masked_cumsum3A_299[%gather3A_362] in [0] : vector<16xi32>, vector<16xi32> -> vector<16xi32>
        %add3A_364 = arith.addi %scan3A_277, %gather3A_363 : vector<16xi32>
        scf.yield %add3A_331, %add3A_342, %add3A_353, %add3A_364 : vector<16xi32>, vector<16xi32>, vector<16xi32>, vector<16xi32>
      }
      %scan3A_111 = arith.constant 128 : i32
      %scan3A_112 = arith.constant 0 : i32
      %scan3A_113 = arith.constant 0 : i32
      %scan3A_114 = arith.constant 256 : i32
      %scan3A_115 = arith.addi %scan3A_113, %scan3A_114 : i32
      %scan3A_116 = arith.constant 2 : i32
      %scan3A_117 = scf.for %scan3A_273 = %scan3A_113 to %scan3A_115 step %scan3A_116 iter_args(%scan3A_274 = %scan3A_112) -> (i32)  : i32 {
        %mul3A_275 = arith.constant 16 : i32
        %mul3A_276 = arith.muli %scan3A_273, %mul3A_275 : i32
        %multiple_of3A_277 = tpu.assume_multiple %mul3A_276, 16 : i32
        %add3A_278 = arith.constant 0 : i32
        %add3A_279 = arith.addi %multiple_of3A_277, %add3A_278 : i32
        %get3A_280 = arith.index_cast %add3A_279 : i32 to index
        %get3A_281 = tpu.vector_load %arg8[%get3A_280] {strides = array<i32>} : memref<16384xi32, #tpu.memory_space<vmem>>, vector<16xi32>,
        %add3A_282 = arith.constant 4096 : i32
        %add3A_283 = arith.addi %multiple_of3A_277, %add3A_282 : i32
        %get3A_284 = arith.index_cast %add3A_283 : i32 to index
        %get3A_285 = tpu.vector_load %arg8[%get3A_284] {strides = array<i32>} : memref<16384xi32, #tpu.memory_space<vmem>>, vector<16xi32>,
        %add3A_286 = arith.constant 8192 : i32
        %add3A_287 = arith.addi %multiple_of3A_277, %add3A_286 : i32
        %get3A_288 = arith.index_cast %add3A_287 : i32 to index
        %get3A_289 = tpu.vector_load %arg8[%get3A_288] {strides = array<i32>} : memref<16384xi32, #tpu.memory_space<vmem>>, vector<16xi32>,
        %add3A_290 = arith.constant 12288 : i32
        %add3A_291 = arith.addi %multiple_of3A_277, %add3A_290 : i32
        %get3A_292 = arith.index_cast %add3A_291 : i32 to index
        %get3A_293 = tpu.vector_load %arg8[%get3A_292] {strides = array<i32>} : memref<16384xi32, #tpu.memory_space<vmem>>, vector<16xi32>,
        %add3A_294 = vector.broadcast %multiple_of3A_277 : i32 to vector<16xi32>
        %add3A_295 = arith.addi %iota3A, %add3A_294 : vector<16xi32>
        %shift_right_logical3A = arith.constant 0 : i32
        %shift_right_logical3A_296 = vector.broadcast %shift_right_logical3A : i32 to vector<16xi32>
        %shift_right_logical3A_297 = arith.shrui %get3A_281, %shift_right_logical3A_296 : vector<16xi32>
        %and3A_298 = arith.constant 2047 : i32
        %and3A_299 = vector.broadcast %and3A_298 : i32 to vector<16xi32>
        %and3A_300 = arith.andi %shift_right_logical3A_297, %and3A_299 : vector<16xi32>
        %shift_right_logical3A_301 = arith.constant 0 : i32
        %shift_right_logical3A_302 = vector.broadcast %shift_right_logical3A_301 : i32 to vector<16xi32>
        %shift_right_logical3A_303 = arith.shrui %get3A_285, %shift_right_logical3A_302 : vector<16xi32>
        %and3A_304 = arith.constant 2047 : i32
        %and3A_305 = vector.broadcast %and3A_304 : i32 to vector<16xi32>
        %and3A_306 = arith.andi %shift_right_logical3A_303, %and3A_305 : vector<16xi32>
        %shift_right_logical3A_307 = arith.constant 0 : i32
        %shift_right_logical3A_308 = vector.broadcast %shift_right_logical3A_307 : i32 to vector<16xi32>
        %shift_right_logical3A_309 = arith.shrui %get3A_289, %shift_right_logical3A_308 : vector<16xi32>
        %and3A_310 = arith.constant 2047 : i32
        %and3A_311 = vector.broadcast %and3A_310 : i32 to vector<16xi32>
        %and3A_312 = arith.andi %shift_right_logical3A_309, %and3A_311 : vector<16xi32>
        %shift_right_logical3A_313 = arith.constant 0 : i32
        %shift_right_logical3A_314 = vector.broadcast %shift_right_logical3A_313 : i32 to vector<16xi32>
        %shift_right_logical3A_315 = arith.shrui %get3A_293, %shift_right_logical3A_314 : vector<16xi32>
        %and3A_316 = arith.constant 2047 : i32
        %and3A_317 = vector.broadcast %and3A_316 : i32 to vector<16xi32>
        %and3A_318 = arith.andi %shift_right_logical3A_315, %and3A_317 : vector<16xi32>
        %broadcast_in_dim3A_319 = arith.constant true
        %broadcast_in_dim3A_320 = vector.broadcast %broadcast_in_dim3A_319 : i1 to vector<16xi1>
        %unique3A, %unique3A_321 = tpu.scan_count mask(%broadcast_in_dim3A_320 : vector<16xi1>) value(%and3A_300 : vector<16xi32>) : vector<16xi1>, vector<16xi32>
        %broadcast_in_dim3A_322 = arith.constant true
        %broadcast_in_dim3A_323 = vector.broadcast %broadcast_in_dim3A_322 : i1 to vector<16xi1>
        %unique3A_324, %unique3A_325 = tpu.scan_count mask(%broadcast_in_dim3A_323 : vector<16xi1>) value(%and3A_306 : vector<16xi32>) : vector<16xi1>, vector<16xi32>
        %broadcast_in_dim3A_326 = arith.constant true
        %broadcast_in_dim3A_327 = vector.broadcast %broadcast_in_dim3A_326 : i1 to vector<16xi1>
        %unique3A_328, %unique3A_329 = tpu.scan_count mask(%broadcast_in_dim3A_327 : vector<16xi1>) value(%and3A_312 : vector<16xi32>) : vector<16xi1>, vector<16xi32>
        %broadcast_in_dim3A_330 = arith.constant true
        %broadcast_in_dim3A_331 = vector.broadcast %broadcast_in_dim3A_330 : i1 to vector<16xi1>
        %unique3A_332, %unique3A_333 = tpu.scan_count mask(%broadcast_in_dim3A_331 : vector<16xi1>) value(%and3A_318 : vector<16xi32>) : vector<16xi1>, vector<16xi32>
        %gather3A = tpu.vector_load_idx %arg12[%and3A_300] : memref<2048xi32, #tpu.memory_space<vmem>>[vector<16xi32>], vector<16xi32>,
        %gather3A_334 = tpu.vector_load_idx %arg13[%and3A_306] : memref<2048xi32, #tpu.memory_space<vmem>>[vector<16xi32>], vector<16xi32>,
        %gather3A_335 = tpu.vector_load_idx %arg14[%and3A_312] : memref<2048xi32, #tpu.memory_space<vmem>>[vector<16xi32>], vector<16xi32>,
        %gather3A_336 = tpu.vector_load_idx %arg15[%and3A_318] : memref<2048xi32, #tpu.memory_space<vmem>>[vector<16xi32>], vector<16xi32>,
        %add3A_337 = arith.addi %gather3A, %unique3A_321 : vector<16xi32>
        %add3A_338 = arith.addi %gather3A_334, %unique3A_325 : vector<16xi32>
        %add3A_339 = arith.addi %gather3A_335, %unique3A_329 : vector<16xi32>
        %add3A_340 = arith.addi %gather3A_336, %unique3A_333 : vector<16xi32>
        tpu.vector_store_idx %arg9[%add3A_337], %get3A_281 : memref<16384xi32, #tpu.memory_space<vmem>>[vector<16xi32>], vector<16xi32>,
        tpu.vector_store_idx %arg9[%add3A_338], %get3A_285 : memref<16384xi32, #tpu.memory_space<vmem>>[vector<16xi32>], vector<16xi32>,
        tpu.vector_store_idx %arg9[%add3A_339], %get3A_289 : memref<16384xi32, #tpu.memory_space<vmem>>[vector<16xi32>], vector<16xi32>,
        tpu.vector_store_idx %arg9[%add3A_340], %get3A_293 : memref<16384xi32, #tpu.memory_space<vmem>>[vector<16xi32>], vector<16xi32>,
        tpu.vector_store_idx %arg11[%add3A_337], %add3A_295 : memref<16384xi32, #tpu.memory_space<vmem>>[vector<16xi32>], vector<16xi32>,
        tpu.vector_store_idx %arg11[%add3A_338], %add3A_295 : memref<16384xi32, #tpu.memory_space<vmem>>[vector<16xi32>], vector<16xi32>,
        tpu.vector_store_idx %arg11[%add3A_339], %add3A_295 : memref<16384xi32, #tpu.memory_space<vmem>>[vector<16xi32>], vector<16xi32>,
        tpu.vector_store_idx %arg11[%add3A_340], %add3A_295 : memref<16384xi32, #tpu.memory_space<vmem>>[vector<16xi32>], vector<16xi32>,
        tpu.vector_store_idx %arg12[%and3A_300], %add3A_337 masked %unique3A : memref<2048xi32, #tpu.memory_space<vmem>>[vector<16xi32>], vector<16xi32>, vector<16xi1>
        tpu.vector_store_idx %arg13[%and3A_306], %add3A_338 masked %unique3A_324 : memref<2048xi32, #tpu.memory_space<vmem>>[vector<16xi32>], vector<16xi32>, vector<16xi1>
        tpu.vector_store_idx %arg14[%and3A_312], %add3A_339 masked %unique3A_328 : memref<2048xi32, #tpu.memory_space<vmem>>[vector<16xi32>], vector<16xi32>, vector<16xi1>
        tpu.vector_store_idx %arg15[%and3A_318], %add3A_340 masked %unique3A_332 : memref<2048xi32, #tpu.memory_space<vmem>>[vector<16xi32>], vector<16xi32>, vector<16xi1>
        %shift_right_logical3A_341 = arith.constant 11 : i32
        %shift_right_logical3A_342 = vector.broadcast %shift_right_logical3A_341 : i32 to vector<16xi32>
        %shift_right_logical3A_343 = arith.shrui %get3A_281, %shift_right_logical3A_342 : vector<16xi32>
        %and3A_344 = arith.constant 2047 : i32
        %and3A_345 = vector.broadcast %and3A_344 : i32 to vector<16xi32>
        %and3A_346 = arith.andi %shift_right_logical3A_343, %and3A_345 : vector<16xi32>
        %shift_right_logical3A_347 = arith.constant 11 : i32
        %shift_right_logical3A_348 = vector.broadcast %shift_right_logical3A_347 : i32 to vector<16xi32>
        %shift_right_logical3A_349 = arith.shrui %get3A_285, %shift_right_logical3A_348 : vector<16xi32>
        %and3A_350 = arith.constant 2047 : i32
        %and3A_351 = vector.broadcast %and3A_350 : i32 to vector<16xi32>
        %and3A_352 = arith.andi %shift_right_logical3A_349, %and3A_351 : vector<16xi32>
        %shift_right_logical3A_353 = arith.constant 11 : i32
        %shift_right_logical3A_354 = vector.broadcast %shift_right_logical3A_353 : i32 to vector<16xi32>
        %shift_right_logical3A_355 = arith.shrui %get3A_289, %shift_right_logical3A_354 : vector<16xi32>
        %and3A_356 = arith.constant 2047 : i32
        %and3A_357 = vector.broadcast %and3A_356 : i32 to vector<16xi32>
        %and3A_358 = arith.andi %shift_right_logical3A_355, %and3A_357 : vector<16xi32>
        %shift_right_logical3A_359 = arith.constant 11 : i32
        %shift_right_logical3A_360 = vector.broadcast %shift_right_logical3A_359 : i32 to vector<16xi32>
        %shift_right_logical3A_361 = arith.shrui %get3A_293, %shift_right_logical3A_360 : vector<16xi32>
        %and3A_362 = arith.constant 2047 : i32
        %and3A_363 = vector.broadcast %and3A_362 : i32 to vector<16xi32>
        %and3A_364 = arith.andi %shift_right_logical3A_361, %and3A_363 : vector<16xi32>
        %broadcast_in_dim3A_365 = arith.constant 1 : i32
        %broadcast_in_dim3A_366 = vector.broadcast %broadcast_in_dim3A_365 : i32 to vector<16xi32>
        tpu.vector_store_idx %arg16[%and3A_346], %broadcast_in_dim3A_366 {add = true} : memref<2048xi32, #tpu.memory_space<vmem>>[vector<16xi32>], vector<16xi32>,
        tpu.vector_store_idx %arg17[%and3A_352], %broadcast_in_dim3A_366 {add = true} : memref<2048xi32, #tpu.memory_space<vmem>>[vector<16xi32>], vector<16xi32>,
        tpu.vector_store_idx %arg18[%and3A_358], %broadcast_in_dim3A_366 {add = true} : memref<2048xi32, #tpu.memory_space<vmem>>[vector<16xi32>], vector<16xi32>,
        tpu.vector_store_idx %arg19[%and3A_364], %broadcast_in_dim3A_366 {add = true} : memref<2048xi32, #tpu.memory_space<vmem>>[vector<16xi32>], vector<16xi32>,
        %scan3A_367 = arith.constant 0 : i32
        %scan3A_368 = arith.constant 1 : i32
        %scan3A_369 = arith.addi %scan3A_273, %scan3A_368 : i32
        %mul3A_370 = arith.constant 16 : i32
        %mul3A_371 = arith.muli %scan3A_369, %mul3A_370 : i32
        %multiple_of3A_372 = tpu.assume_multiple %mul3A_371, 16 : i32
        %add3A_373 = arith.constant 0 : i32
        %add3A_374 = arith.addi %multiple_of3A_372, %add3A_373 : i32
        %get3A_375 = arith.index_cast %add3A_374 : i32 to index
        %get3A_376 = tpu.vector_load %arg8[%get3A_375] {strides = array<i32>} : memref<16384xi32, #tpu.memory_space<vmem>>, vector<16xi32>,
        %add3A_377 = arith.constant 4096 : i32
        %add3A_378 = arith.addi %multiple_of3A_372, %add3A_377 : i32
        %get3A_379 = arith.index_cast %add3A_378 : i32 to index
        %get3A_380 = tpu.vector_load %arg8[%get3A_379] {strides = array<i32>} : memref<16384xi32, #tpu.memory_space<vmem>>, vector<16xi32>,
        %add3A_381 = arith.constant 8192 : i32
        %add3A_382 = arith.addi %multiple_of3A_372, %add3A_381 : i32
        %get3A_383 = arith.index_cast %add3A_382 : i32 to index
        %get3A_384 = tpu.vector_load %arg8[%get3A_383] {strides = array<i32>} : memref<16384xi32, #tpu.memory_space<vmem>>, vector<16xi32>,
        %add3A_385 = arith.constant 12288 : i32
        %add3A_386 = arith.addi %multiple_of3A_372, %add3A_385 : i32
        %get3A_387 = arith.index_cast %add3A_386 : i32 to index
        %get3A_388 = tpu.vector_load %arg8[%get3A_387] {strides = array<i32>} : memref<16384xi32, #tpu.memory_space<vmem>>, vector<16xi32>,
        %add3A_389 = vector.broadcast %multiple_of3A_372 : i32 to vector<16xi32>
        %add3A_390 = arith.addi %iota3A, %add3A_389 : vector<16xi32>
        %shift_right_logical3A_391 = arith.constant 0 : i32
        %shift_right_logical3A_392 = vector.broadcast %shift_right_logical3A_391 : i32 to vector<16xi32>
        %shift_right_logical3A_393 = arith.shrui %get3A_376, %shift_right_logical3A_392 : vector<16xi32>
        %and3A_394 = arith.constant 2047 : i32
        %and3A_395 = vector.broadcast %and3A_394 : i32 to vector<16xi32>
        %and3A_396 = arith.andi %shift_right_logical3A_393, %and3A_395 : vector<16xi32>
        %shift_right_logical3A_397 = arith.constant 0 : i32
        %shift_right_logical3A_398 = vector.broadcast %shift_right_logical3A_397 : i32 to vector<16xi32>
        %shift_right_logical3A_399 = arith.shrui %get3A_380, %shift_right_logical3A_398 : vector<16xi32>
        %and3A_400 = arith.constant 2047 : i32
        %and3A_401 = vector.broadcast %and3A_400 : i32 to vector<16xi32>
        %and3A_402 = arith.andi %shift_right_logical3A_399, %and3A_401 : vector<16xi32>
        %shift_right_logical3A_403 = arith.constant 0 : i32
        %shift_right_logical3A_404 = vector.broadcast %shift_right_logical3A_403 : i32 to vector<16xi32>
        %shift_right_logical3A_405 = arith.shrui %get3A_384, %shift_right_logical3A_404 : vector<16xi32>
        %and3A_406 = arith.constant 2047 : i32
        %and3A_407 = vector.broadcast %and3A_406 : i32 to vector<16xi32>
        %and3A_408 = arith.andi %shift_right_logical3A_405, %and3A_407 : vector<16xi32>
        %shift_right_logical3A_409 = arith.constant 0 : i32
        %shift_right_logical3A_410 = vector.broadcast %shift_right_logical3A_409 : i32 to vector<16xi32>
        %shift_right_logical3A_411 = arith.shrui %get3A_388, %shift_right_logical3A_410 : vector<16xi32>
        %and3A_412 = arith.constant 2047 : i32
        %and3A_413 = vector.broadcast %and3A_412 : i32 to vector<16xi32>
        %and3A_414 = arith.andi %shift_right_logical3A_411, %and3A_413 : vector<16xi32>
        %broadcast_in_dim3A_415 = arith.constant true
        %broadcast_in_dim3A_416 = vector.broadcast %broadcast_in_dim3A_415 : i1 to vector<16xi1>
        %unique3A_417, %unique3A_418 = tpu.scan_count mask(%broadcast_in_dim3A_416 : vector<16xi1>) value(%and3A_396 : vector<16xi32>) : vector<16xi1>, vector<16xi32>
        %broadcast_in_dim3A_419 = arith.constant true
        %broadcast_in_dim3A_420 = vector.broadcast %broadcast_in_dim3A_419 : i1 to vector<16xi1>
        %unique3A_421, %unique3A_422 = tpu.scan_count mask(%broadcast_in_dim3A_420 : vector<16xi1>) value(%and3A_402 : vector<16xi32>) : vector<16xi1>, vector<16xi32>
        %broadcast_in_dim3A_423 = arith.constant true
        %broadcast_in_dim3A_424 = vector.broadcast %broadcast_in_dim3A_423 : i1 to vector<16xi1>
        %unique3A_425, %unique3A_426 = tpu.scan_count mask(%broadcast_in_dim3A_424 : vector<16xi1>) value(%and3A_408 : vector<16xi32>) : vector<16xi1>, vector<16xi32>
        %broadcast_in_dim3A_427 = arith.constant true
        %broadcast_in_dim3A_428 = vector.broadcast %broadcast_in_dim3A_427 : i1 to vector<16xi1>
        %unique3A_429, %unique3A_430 = tpu.scan_count mask(%broadcast_in_dim3A_428 : vector<16xi1>) value(%and3A_414 : vector<16xi32>) : vector<16xi1>, vector<16xi32>
        %gather3A_431 = tpu.vector_load_idx %arg12[%and3A_396] : memref<2048xi32, #tpu.memory_space<vmem>>[vector<16xi32>], vector<16xi32>,
        %gather3A_432 = tpu.vector_load_idx %arg13[%and3A_402] : memref<2048xi32, #tpu.memory_space<vmem>>[vector<16xi32>], vector<16xi32>,
        %gather3A_433 = tpu.vector_load_idx %arg14[%and3A_408] : memref<2048xi32, #tpu.memory_space<vmem>>[vector<16xi32>], vector<16xi32>,
        %gather3A_434 = tpu.vector_load_idx %arg15[%and3A_414] : memref<2048xi32, #tpu.memory_space<vmem>>[vector<16xi32>], vector<16xi32>,
        %add3A_435 = arith.addi %gather3A_431, %unique3A_418 : vector<16xi32>
        %add3A_436 = arith.addi %gather3A_432, %unique3A_422 : vector<16xi32>
        %add3A_437 = arith.addi %gather3A_433, %unique3A_426 : vector<16xi32>
        %add3A_438 = arith.addi %gather3A_434, %unique3A_430 : vector<16xi32>
        tpu.vector_store_idx %arg9[%add3A_435], %get3A_376 : memref<16384xi32, #tpu.memory_space<vmem>>[vector<16xi32>], vector<16xi32>,
        tpu.vector_store_idx %arg9[%add3A_436], %get3A_380 : memref<16384xi32, #tpu.memory_space<vmem>>[vector<16xi32>], vector<16xi32>,
        tpu.vector_store_idx %arg9[%add3A_437], %get3A_384 : memref<16384xi32, #tpu.memory_space<vmem>>[vector<16xi32>], vector<16xi32>,
        tpu.vector_store_idx %arg9[%add3A_438], %get3A_388 : memref<16384xi32, #tpu.memory_space<vmem>>[vector<16xi32>], vector<16xi32>,
        tpu.vector_store_idx %arg11[%add3A_435], %add3A_390 : memref<16384xi32, #tpu.memory_space<vmem>>[vector<16xi32>], vector<16xi32>,
        tpu.vector_store_idx %arg11[%add3A_436], %add3A_390 : memref<16384xi32, #tpu.memory_space<vmem>>[vector<16xi32>], vector<16xi32>,
        tpu.vector_store_idx %arg11[%add3A_437], %add3A_390 : memref<16384xi32, #tpu.memory_space<vmem>>[vector<16xi32>], vector<16xi32>,
        tpu.vector_store_idx %arg11[%add3A_438], %add3A_390 : memref<16384xi32, #tpu.memory_space<vmem>>[vector<16xi32>], vector<16xi32>,
        tpu.vector_store_idx %arg12[%and3A_396], %add3A_435 masked %unique3A_417 : memref<2048xi32, #tpu.memory_space<vmem>>[vector<16xi32>], vector<16xi32>, vector<16xi1>
        tpu.vector_store_idx %arg13[%and3A_402], %add3A_436 masked %unique3A_421 : memref<2048xi32, #tpu.memory_space<vmem>>[vector<16xi32>], vector<16xi32>, vector<16xi1>
        tpu.vector_store_idx %arg14[%and3A_408], %add3A_437 masked %unique3A_425 : memref<2048xi32, #tpu.memory_space<vmem>>[vector<16xi32>], vector<16xi32>, vector<16xi1>
        tpu.vector_store_idx %arg15[%and3A_414], %add3A_438 masked %unique3A_429 : memref<2048xi32, #tpu.memory_space<vmem>>[vector<16xi32>], vector<16xi32>, vector<16xi1>
        %shift_right_logical3A_439 = arith.constant 11 : i32
        %shift_right_logical3A_440 = vector.broadcast %shift_right_logical3A_439 : i32 to vector<16xi32>
        %shift_right_logical3A_441 = arith.shrui %get3A_376, %shift_right_logical3A_440 : vector<16xi32>
        %and3A_442 = arith.constant 2047 : i32
        %and3A_443 = vector.broadcast %and3A_442 : i32 to vector<16xi32>
        %and3A_444 = arith.andi %shift_right_logical3A_441, %and3A_443 : vector<16xi32>
        %shift_right_logical3A_445 = arith.constant 11 : i32
        %shift_right_logical3A_446 = vector.broadcast %shift_right_logical3A_445 : i32 to vector<16xi32>
        %shift_right_logical3A_447 = arith.shrui %get3A_380, %shift_right_logical3A_446 : vector<16xi32>
        %and3A_448 = arith.constant 2047 : i32
        %and3A_449 = vector.broadcast %and3A_448 : i32 to vector<16xi32>
        %and3A_450 = arith.andi %shift_right_logical3A_447, %and3A_449 : vector<16xi32>
        %shift_right_logical3A_451 = arith.constant 11 : i32
        %shift_right_logical3A_452 = vector.broadcast %shift_right_logical3A_451 : i32 to vector<16xi32>
        %shift_right_logical3A_453 = arith.shrui %get3A_384, %shift_right_logical3A_452 : vector<16xi32>
        %and3A_454 = arith.constant 2047 : i32
        %and3A_455 = vector.broadcast %and3A_454 : i32 to vector<16xi32>
        %and3A_456 = arith.andi %shift_right_logical3A_453, %and3A_455 : vector<16xi32>
        %shift_right_logical3A_457 = arith.constant 11 : i32
        %shift_right_logical3A_458 = vector.broadcast %shift_right_logical3A_457 : i32 to vector<16xi32>
        %shift_right_logical3A_459 = arith.shrui %get3A_388, %shift_right_logical3A_458 : vector<16xi32>
        %and3A_460 = arith.constant 2047 : i32
        %and3A_461 = vector.broadcast %and3A_460 : i32 to vector<16xi32>
        %and3A_462 = arith.andi %shift_right_logical3A_459, %and3A_461 : vector<16xi32>
        %broadcast_in_dim3A_463 = arith.constant 1 : i32
        %broadcast_in_dim3A_464 = vector.broadcast %broadcast_in_dim3A_463 : i32 to vector<16xi32>
        tpu.vector_store_idx %arg16[%and3A_444], %broadcast_in_dim3A_464 {add = true} : memref<2048xi32, #tpu.memory_space<vmem>>[vector<16xi32>], vector<16xi32>,
        tpu.vector_store_idx %arg17[%and3A_450], %broadcast_in_dim3A_464 {add = true} : memref<2048xi32, #tpu.memory_space<vmem>>[vector<16xi32>], vector<16xi32>,
        tpu.vector_store_idx %arg18[%and3A_456], %broadcast_in_dim3A_464 {add = true} : memref<2048xi32, #tpu.memory_space<vmem>>[vector<16xi32>], vector<16xi32>,
        tpu.vector_store_idx %arg19[%and3A_462], %broadcast_in_dim3A_464 {add = true} : memref<2048xi32, #tpu.memory_space<vmem>>[vector<16xi32>], vector<16xi32>,
        %scan3A_465 = arith.constant 0 : i32
        scf.yield %scan3A_465 : i32
      }
      %scan3A_118 = arith.constant 256 : i32
      %broadcast_in_dim3A_119 = arith.constant 15 : i32
      %broadcast_in_dim3A_120 = vector.broadcast %broadcast_in_dim3A_119 : i32 to vector<16xi32>
      %broadcast_in_dim3A_121 = arith.constant -1 : i32
      %broadcast_in_dim3A_122 = vector.broadcast %broadcast_in_dim3A_121 : i32 to vector<16xi32>
      %broadcast_in_dim3A_123 = arith.constant 4095 : i32
      %broadcast_in_dim3A_124 = vector.broadcast %broadcast_in_dim3A_123 : i32 to vector<16xi32>
      %broadcast_in_dim3A_125 = arith.constant 8191 : i32
      %broadcast_in_dim3A_126 = vector.broadcast %broadcast_in_dim3A_125 : i32 to vector<16xi32>
      %broadcast_in_dim3A_127 = arith.constant 12287 : i32
      %broadcast_in_dim3A_128 = vector.broadcast %broadcast_in_dim3A_127 : i32 to vector<16xi32>
      %scan3A_129 = arith.constant 0 : i32
      %scan3A_130 = arith.constant 128 : i32
      %scan3A_131 = arith.addi %scan3A_129, %scan3A_130 : i32
      %scan3A_132 = arith.constant 1 : i32
      %scan3A_133:4 = scf.for %scan3A_273 = %scan3A_129 to %scan3A_131 step %scan3A_132 iter_args(%scan3A_274 = %broadcast_in_dim3A_122, %scan3A_275 = %broadcast_in_dim3A_124, %scan3A_276 = %broadcast_in_dim3A_126, %scan3A_277 = %broadcast_in_dim3A_128) -> (vector<16xi32>, vector<16xi32>, vector<16xi32>, vector<16xi32>)  : i32 {
        %mul3A_278 = arith.constant 16 : i32
        %mul3A_279 = arith.muli %scan3A_273, %mul3A_278 : i32
        %multiple_of3A_280 = tpu.assume_multiple %mul3A_279, 16 : i32
        %get3A_281 = arith.index_cast %multiple_of3A_280 : i32 to index
        %get3A_282 = tpu.vector_load %arg16[%get3A_281] {strides = array<i32>} : memref<2048xi32, #tpu.memory_space<vmem>>, vector<16xi32>,
        %get3A_283 = arith.index_cast %multiple_of3A_280 : i32 to index
        %get3A_284 = tpu.vector_load %arg17[%get3A_283] {strides = array<i32>} : memref<2048xi32, #tpu.memory_space<vmem>>, vector<16xi32>,
        %get3A_285 = arith.index_cast %multiple_of3A_280 : i32 to index
        %get3A_286 = tpu.vector_load %arg18[%get3A_285] {strides = array<i32>} : memref<2048xi32, #tpu.memory_space<vmem>>, vector<16xi32>,
        %get3A_287 = arith.index_cast %multiple_of3A_280 : i32 to index
        %get3A_288 = tpu.vector_load %arg19[%get3A_287] {strides = array<i32>} : memref<2048xi32, #tpu.memory_space<vmem>>, vector<16xi32>,
        %broadcast_in_dim3A_289 = arith.constant true
        %broadcast_in_dim3A_290 = vector.broadcast %broadcast_in_dim3A_289 : i1 to vector<16xi1>
        %masked_cumsum3A = tpu.scan <sum>, %get3A_282 masked %broadcast_in_dim3A_290 : vector<16xi32>, vector<16xi1> -> vector<16xi32>
        %broadcast_in_dim3A_291 = arith.constant true
        %broadcast_in_dim3A_292 = vector.broadcast %broadcast_in_dim3A_291 : i1 to vector<16xi1>
        %masked_cumsum3A_293 = tpu.scan <sum>, %get3A_284 masked %broadcast_in_dim3A_292 : vector<16xi32>, vector<16xi1> -> vector<16xi32>
        %broadcast_in_dim3A_294 = arith.constant true
        %broadcast_in_dim3A_295 = vector.broadcast %broadcast_in_dim3A_294 : i1 to vector<16xi1>
        %masked_cumsum3A_296 = tpu.scan <sum>, %get3A_286 masked %broadcast_in_dim3A_295 : vector<16xi32>, vector<16xi1> -> vector<16xi32>
        %broadcast_in_dim3A_297 = arith.constant true
        %broadcast_in_dim3A_298 = vector.broadcast %broadcast_in_dim3A_297 : i1 to vector<16xi1>
        %masked_cumsum3A_299 = tpu.scan <sum>, %get3A_288 masked %broadcast_in_dim3A_298 : vector<16xi32>, vector<16xi1> -> vector<16xi32>
        %sub3A_300 = arith.subi %masked_cumsum3A, %get3A_282 : vector<16xi32>
        %add3A_301 = arith.addi %sub3A_300, %scan3A_274 : vector<16xi32>
        %swap3A = arith.index_cast %multiple_of3A_280 : i32 to index
        %swap3A_302 = tpu.vector_load %arg16[%swap3A] {strides = array<i32>} : memref<2048xi32, #tpu.memory_space<vmem>>, vector<16xi32>,
        tpu.vector_store %arg16[%swap3A], %add3A_301 {strides = array<i32>} : memref<2048xi32, #tpu.memory_space<vmem>>, vector<16xi32>,
        %sub3A_303 = arith.subi %masked_cumsum3A_293, %get3A_284 : vector<16xi32>
        %add3A_304 = arith.addi %sub3A_303, %scan3A_275 : vector<16xi32>
        %swap3A_305 = arith.index_cast %multiple_of3A_280 : i32 to index
        %swap3A_306 = tpu.vector_load %arg17[%swap3A_305] {strides = array<i32>} : memref<2048xi32, #tpu.memory_space<vmem>>, vector<16xi32>,
        tpu.vector_store %arg17[%swap3A_305], %add3A_304 {strides = array<i32>} : memref<2048xi32, #tpu.memory_space<vmem>>, vector<16xi32>,
        %sub3A_307 = arith.subi %masked_cumsum3A_296, %get3A_286 : vector<16xi32>
        %add3A_308 = arith.addi %sub3A_307, %scan3A_276 : vector<16xi32>
        %swap3A_309 = arith.index_cast %multiple_of3A_280 : i32 to index
        %swap3A_310 = tpu.vector_load %arg18[%swap3A_309] {strides = array<i32>} : memref<2048xi32, #tpu.memory_space<vmem>>, vector<16xi32>,
        tpu.vector_store %arg18[%swap3A_309], %add3A_308 {strides = array<i32>} : memref<2048xi32, #tpu.memory_space<vmem>>, vector<16xi32>,
        %sub3A_311 = arith.subi %masked_cumsum3A_299, %get3A_288 : vector<16xi32>
        %add3A_312 = arith.addi %sub3A_311, %scan3A_277 : vector<16xi32>
        %swap3A_313 = arith.index_cast %multiple_of3A_280 : i32 to index
        %swap3A_314 = tpu.vector_load %arg19[%swap3A_313] {strides = array<i32>} : memref<2048xi32, #tpu.memory_space<vmem>>, vector<16xi32>,
        tpu.vector_store %arg19[%swap3A_313], %add3A_312 {strides = array<i32>} : memref<2048xi32, #tpu.memory_space<vmem>>, vector<16xi32>,
        %swap3A_315 = arith.index_cast %multiple_of3A_280 : i32 to index
        %swap3A_316 = tpu.vector_load %arg12[%swap3A_315] {strides = array<i32>} : memref<2048xi32, #tpu.memory_space<vmem>>, vector<16xi32>,
        tpu.vector_store %arg12[%swap3A_315], %broadcast_in_dim3A_55 {strides = array<i32>} : memref<2048xi32, #tpu.memory_space<vmem>>, vector<16xi32>,
        %swap3A_317 = arith.index_cast %multiple_of3A_280 : i32 to index
        %swap3A_318 = tpu.vector_load %arg13[%swap3A_317] {strides = array<i32>} : memref<2048xi32, #tpu.memory_space<vmem>>, vector<16xi32>,
        tpu.vector_store %arg13[%swap3A_317], %broadcast_in_dim3A_55 {strides = array<i32>} : memref<2048xi32, #tpu.memory_space<vmem>>, vector<16xi32>,
        %swap3A_319 = arith.index_cast %multiple_of3A_280 : i32 to index
        %swap3A_320 = tpu.vector_load %arg14[%swap3A_319] {strides = array<i32>} : memref<2048xi32, #tpu.memory_space<vmem>>, vector<16xi32>,
        tpu.vector_store %arg14[%swap3A_319], %broadcast_in_dim3A_55 {strides = array<i32>} : memref<2048xi32, #tpu.memory_space<vmem>>, vector<16xi32>,
        %swap3A_321 = arith.index_cast %multiple_of3A_280 : i32 to index
        %swap3A_322 = tpu.vector_load %arg15[%swap3A_321] {strides = array<i32>} : memref<2048xi32, #tpu.memory_space<vmem>>, vector<16xi32>,
        tpu.vector_store %arg15[%swap3A_321], %broadcast_in_dim3A_55 {strides = array<i32>} : memref<2048xi32, #tpu.memory_space<vmem>>, vector<16xi32>,
        %lt3A_323 = arith.constant 0 : i32
        %lt3A_324 = vector.broadcast %lt3A_323 : i32 to vector<16xi32>
        %lt3A_325 = arith.cmpi slt, %broadcast_in_dim3A_120, %lt3A_324 : vector<16xi32>
        %add3A_326 = arith.constant 16 : i32
        %add3A_327 = vector.broadcast %add3A_326 : i32 to vector<16xi32>
        %add3A_328 = arith.addi %broadcast_in_dim3A_120, %add3A_327 : vector<16xi32>
        %select_n3A_329 = arith.select %lt3A_325, %add3A_328, %broadcast_in_dim3A_120 : vector<16xi1>, vector<16xi32>
        %reshape3A = vector.shape_cast %select_n3A_329 : vector<16xi32> to vector<16x1xi32>
        %gather3A = vector.shape_cast %reshape3A : vector<16x1xi32> to vector<16xi32>
        %gather3A_330 = tpu.dynamic_gather %masked_cumsum3A[%gather3A] in [0] : vector<16xi32>, vector<16xi32> -> vector<16xi32>
        %add3A_331 = arith.addi %scan3A_274, %gather3A_330 : vector<16xi32>
        %lt3A_332 = arith.constant 0 : i32
        %lt3A_333 = vector.broadcast %lt3A_332 : i32 to vector<16xi32>
        %lt3A_334 = arith.cmpi slt, %broadcast_in_dim3A_120, %lt3A_333 : vector<16xi32>
        %add3A_335 = arith.constant 16 : i32
        %add3A_336 = vector.broadcast %add3A_335 : i32 to vector<16xi32>
        %add3A_337 = arith.addi %broadcast_in_dim3A_120, %add3A_336 : vector<16xi32>
        %select_n3A_338 = arith.select %lt3A_334, %add3A_337, %broadcast_in_dim3A_120 : vector<16xi1>, vector<16xi32>
        %reshape3A_339 = vector.shape_cast %select_n3A_338 : vector<16xi32> to vector<16x1xi32>
        %gather3A_340 = vector.shape_cast %reshape3A_339 : vector<16x1xi32> to vector<16xi32>
        %gather3A_341 = tpu.dynamic_gather %masked_cumsum3A_293[%gather3A_340] in [0] : vector<16xi32>, vector<16xi32> -> vector<16xi32>
        %add3A_342 = arith.addi %scan3A_275, %gather3A_341 : vector<16xi32>
        %lt3A_343 = arith.constant 0 : i32
        %lt3A_344 = vector.broadcast %lt3A_343 : i32 to vector<16xi32>
        %lt3A_345 = arith.cmpi slt, %broadcast_in_dim3A_120, %lt3A_344 : vector<16xi32>
        %add3A_346 = arith.constant 16 : i32
        %add3A_347 = vector.broadcast %add3A_346 : i32 to vector<16xi32>
        %add3A_348 = arith.addi %broadcast_in_dim3A_120, %add3A_347 : vector<16xi32>
        %select_n3A_349 = arith.select %lt3A_345, %add3A_348, %broadcast_in_dim3A_120 : vector<16xi1>, vector<16xi32>
        %reshape3A_350 = vector.shape_cast %select_n3A_349 : vector<16xi32> to vector<16x1xi32>
        %gather3A_351 = vector.shape_cast %reshape3A_350 : vector<16x1xi32> to vector<16xi32>
        %gather3A_352 = tpu.dynamic_gather %masked_cumsum3A_296[%gather3A_351] in [0] : vector<16xi32>, vector<16xi32> -> vector<16xi32>
        %add3A_353 = arith.addi %scan3A_276, %gather3A_352 : vector<16xi32>
        %lt3A_354 = arith.constant 0 : i32
        %lt3A_355 = vector.broadcast %lt3A_354 : i32 to vector<16xi32>
        %lt3A_356 = arith.cmpi slt, %broadcast_in_dim3A_120, %lt3A_355 : vector<16xi32>
        %add3A_357 = arith.constant 16 : i32
        %add3A_358 = vector.broadcast %add3A_357 : i32 to vector<16xi32>
        %add3A_359 = arith.addi %broadcast_in_dim3A_120, %add3A_358 : vector<16xi32>
        %select_n3A_360 = arith.select %lt3A_356, %add3A_359, %broadcast_in_dim3A_120 : vector<16xi1>, vector<16xi32>
        %reshape3A_361 = vector.shape_cast %select_n3A_360 : vector<16xi32> to vector<16x1xi32>
        %gather3A_362 = vector.shape_cast %reshape3A_361 : vector<16x1xi32> to vector<16xi32>
        %gather3A_363 = tpu.dynamic_gather %masked_cumsum3A_299[%gather3A_362] in [0] : vector<16xi32>, vector<16xi32> -> vector<16xi32>
        %add3A_364 = arith.addi %scan3A_277, %gather3A_363 : vector<16xi32>
        scf.yield %add3A_331, %add3A_342, %add3A_353, %add3A_364 : vector<16xi32>, vector<16xi32>, vector<16xi32>, vector<16xi32>
      }
      %scan3A_134 = arith.constant 128 : i32
      %scan3A_135 = arith.constant 0 : i32
      %scan3A_136 = arith.constant 0 : i32
      %scan3A_137 = arith.constant 256 : i32
      %scan3A_138 = arith.addi %scan3A_136, %scan3A_137 : i32
      %scan3A_139 = arith.constant 2 : i32
      %scan3A_140 = scf.for %scan3A_273 = %scan3A_136 to %scan3A_138 step %scan3A_139 iter_args(%scan3A_274 = %scan3A_135) -> (i32)  : i32 {
        %mul3A_275 = arith.constant 16 : i32
        %mul3A_276 = arith.muli %scan3A_273, %mul3A_275 : i32
        %multiple_of3A_277 = tpu.assume_multiple %mul3A_276, 16 : i32
        %add3A_278 = arith.constant 0 : i32
        %add3A_279 = arith.addi %multiple_of3A_277, %add3A_278 : i32
        %get3A_280 = arith.index_cast %add3A_279 : i32 to index
        %get3A_281 = tpu.vector_load %arg9[%get3A_280] {strides = array<i32>} : memref<16384xi32, #tpu.memory_space<vmem>>, vector<16xi32>,
        %add3A_282 = arith.constant 4096 : i32
        %add3A_283 = arith.addi %multiple_of3A_277, %add3A_282 : i32
        %get3A_284 = arith.index_cast %add3A_283 : i32 to index
        %get3A_285 = tpu.vector_load %arg9[%get3A_284] {strides = array<i32>} : memref<16384xi32, #tpu.memory_space<vmem>>, vector<16xi32>,
        %add3A_286 = arith.constant 8192 : i32
        %add3A_287 = arith.addi %multiple_of3A_277, %add3A_286 : i32
        %get3A_288 = arith.index_cast %add3A_287 : i32 to index
        %get3A_289 = tpu.vector_load %arg9[%get3A_288] {strides = array<i32>} : memref<16384xi32, #tpu.memory_space<vmem>>, vector<16xi32>,
        %add3A_290 = arith.constant 12288 : i32
        %add3A_291 = arith.addi %multiple_of3A_277, %add3A_290 : i32
        %get3A_292 = arith.index_cast %add3A_291 : i32 to index
        %get3A_293 = tpu.vector_load %arg9[%get3A_292] {strides = array<i32>} : memref<16384xi32, #tpu.memory_space<vmem>>, vector<16xi32>,
        %add3A_294 = arith.constant 0 : i32
        %add3A_295 = arith.addi %multiple_of3A_277, %add3A_294 : i32
        %get3A_296 = arith.index_cast %add3A_295 : i32 to index
        %get3A_297 = tpu.vector_load %arg11[%get3A_296] {strides = array<i32>} : memref<16384xi32, #tpu.memory_space<vmem>>, vector<16xi32>,
        %add3A_298 = arith.constant 4096 : i32
        %add3A_299 = arith.addi %multiple_of3A_277, %add3A_298 : i32
        %get3A_300 = arith.index_cast %add3A_299 : i32 to index
        %get3A_301 = tpu.vector_load %arg11[%get3A_300] {strides = array<i32>} : memref<16384xi32, #tpu.memory_space<vmem>>, vector<16xi32>,
        %add3A_302 = arith.constant 8192 : i32
        %add3A_303 = arith.addi %multiple_of3A_277, %add3A_302 : i32
        %get3A_304 = arith.index_cast %add3A_303 : i32 to index
        %get3A_305 = tpu.vector_load %arg11[%get3A_304] {strides = array<i32>} : memref<16384xi32, #tpu.memory_space<vmem>>, vector<16xi32>,
        %add3A_306 = arith.constant 12288 : i32
        %add3A_307 = arith.addi %multiple_of3A_277, %add3A_306 : i32
        %get3A_308 = arith.index_cast %add3A_307 : i32 to index
        %get3A_309 = tpu.vector_load %arg11[%get3A_308] {strides = array<i32>} : memref<16384xi32, #tpu.memory_space<vmem>>, vector<16xi32>,
        %shift_right_logical3A = arith.constant 11 : i32
        %shift_right_logical3A_310 = vector.broadcast %shift_right_logical3A : i32 to vector<16xi32>
        %shift_right_logical3A_311 = arith.shrui %get3A_281, %shift_right_logical3A_310 : vector<16xi32>
        %and3A_312 = arith.constant 2047 : i32
        %and3A_313 = vector.broadcast %and3A_312 : i32 to vector<16xi32>
        %and3A_314 = arith.andi %shift_right_logical3A_311, %and3A_313 : vector<16xi32>
        %shift_right_logical3A_315 = arith.constant 11 : i32
        %shift_right_logical3A_316 = vector.broadcast %shift_right_logical3A_315 : i32 to vector<16xi32>
        %shift_right_logical3A_317 = arith.shrui %get3A_285, %shift_right_logical3A_316 : vector<16xi32>
        %and3A_318 = arith.constant 2047 : i32
        %and3A_319 = vector.broadcast %and3A_318 : i32 to vector<16xi32>
        %and3A_320 = arith.andi %shift_right_logical3A_317, %and3A_319 : vector<16xi32>
        %shift_right_logical3A_321 = arith.constant 11 : i32
        %shift_right_logical3A_322 = vector.broadcast %shift_right_logical3A_321 : i32 to vector<16xi32>
        %shift_right_logical3A_323 = arith.shrui %get3A_289, %shift_right_logical3A_322 : vector<16xi32>
        %and3A_324 = arith.constant 2047 : i32
        %and3A_325 = vector.broadcast %and3A_324 : i32 to vector<16xi32>
        %and3A_326 = arith.andi %shift_right_logical3A_323, %and3A_325 : vector<16xi32>
        %shift_right_logical3A_327 = arith.constant 11 : i32
        %shift_right_logical3A_328 = vector.broadcast %shift_right_logical3A_327 : i32 to vector<16xi32>
        %shift_right_logical3A_329 = arith.shrui %get3A_293, %shift_right_logical3A_328 : vector<16xi32>
        %and3A_330 = arith.constant 2047 : i32
        %and3A_331 = vector.broadcast %and3A_330 : i32 to vector<16xi32>
        %and3A_332 = arith.andi %shift_right_logical3A_329, %and3A_331 : vector<16xi32>
        %broadcast_in_dim3A_333 = arith.constant true
        %broadcast_in_dim3A_334 = vector.broadcast %broadcast_in_dim3A_333 : i1 to vector<16xi1>
        %unique3A, %unique3A_335 = tpu.scan_count mask(%broadcast_in_dim3A_334 : vector<16xi1>) value(%and3A_314 : vector<16xi32>) : vector<16xi1>, vector<16xi32>
        %broadcast_in_dim3A_336 = arith.constant true
        %broadcast_in_dim3A_337 = vector.broadcast %broadcast_in_dim3A_336 : i1 to vector<16xi1>
        %unique3A_338, %unique3A_339 = tpu.scan_count mask(%broadcast_in_dim3A_337 : vector<16xi1>) value(%and3A_320 : vector<16xi32>) : vector<16xi1>, vector<16xi32>
        %broadcast_in_dim3A_340 = arith.constant true
        %broadcast_in_dim3A_341 = vector.broadcast %broadcast_in_dim3A_340 : i1 to vector<16xi1>
        %unique3A_342, %unique3A_343 = tpu.scan_count mask(%broadcast_in_dim3A_341 : vector<16xi1>) value(%and3A_326 : vector<16xi32>) : vector<16xi1>, vector<16xi32>
        %broadcast_in_dim3A_344 = arith.constant true
        %broadcast_in_dim3A_345 = vector.broadcast %broadcast_in_dim3A_344 : i1 to vector<16xi1>
        %unique3A_346, %unique3A_347 = tpu.scan_count mask(%broadcast_in_dim3A_345 : vector<16xi1>) value(%and3A_332 : vector<16xi32>) : vector<16xi1>, vector<16xi32>
        %gather3A = tpu.vector_load_idx %arg16[%and3A_314] : memref<2048xi32, #tpu.memory_space<vmem>>[vector<16xi32>], vector<16xi32>,
        %gather3A_348 = tpu.vector_load_idx %arg17[%and3A_320] : memref<2048xi32, #tpu.memory_space<vmem>>[vector<16xi32>], vector<16xi32>,
        %gather3A_349 = tpu.vector_load_idx %arg18[%and3A_326] : memref<2048xi32, #tpu.memory_space<vmem>>[vector<16xi32>], vector<16xi32>,
        %gather3A_350 = tpu.vector_load_idx %arg19[%and3A_332] : memref<2048xi32, #tpu.memory_space<vmem>>[vector<16xi32>], vector<16xi32>,
        %add3A_351 = arith.addi %gather3A, %unique3A_335 : vector<16xi32>
        %add3A_352 = arith.addi %gather3A_348, %unique3A_339 : vector<16xi32>
        %add3A_353 = arith.addi %gather3A_349, %unique3A_343 : vector<16xi32>
        %add3A_354 = arith.addi %gather3A_350, %unique3A_347 : vector<16xi32>
        tpu.vector_store_idx %arg8[%add3A_351], %get3A_281 : memref<16384xi32, #tpu.memory_space<vmem>>[vector<16xi32>], vector<16xi32>,
        tpu.vector_store_idx %arg8[%add3A_352], %get3A_285 : memref<16384xi32, #tpu.memory_space<vmem>>[vector<16xi32>], vector<16xi32>,
        tpu.vector_store_idx %arg8[%add3A_353], %get3A_289 : memref<16384xi32, #tpu.memory_space<vmem>>[vector<16xi32>], vector<16xi32>,
        tpu.vector_store_idx %arg8[%add3A_354], %get3A_293 : memref<16384xi32, #tpu.memory_space<vmem>>[vector<16xi32>], vector<16xi32>,
        tpu.vector_store_idx %arg10[%add3A_351], %get3A_297 : memref<16384xi32, #tpu.memory_space<vmem>>[vector<16xi32>], vector<16xi32>,
        tpu.vector_store_idx %arg10[%add3A_352], %get3A_301 : memref<16384xi32, #tpu.memory_space<vmem>>[vector<16xi32>], vector<16xi32>,
        tpu.vector_store_idx %arg10[%add3A_353], %get3A_305 : memref<16384xi32, #tpu.memory_space<vmem>>[vector<16xi32>], vector<16xi32>,
        tpu.vector_store_idx %arg10[%add3A_354], %get3A_309 : memref<16384xi32, #tpu.memory_space<vmem>>[vector<16xi32>], vector<16xi32>,
        tpu.vector_store_idx %arg16[%and3A_314], %add3A_351 masked %unique3A : memref<2048xi32, #tpu.memory_space<vmem>>[vector<16xi32>], vector<16xi32>, vector<16xi1>
        tpu.vector_store_idx %arg17[%and3A_320], %add3A_352 masked %unique3A_338 : memref<2048xi32, #tpu.memory_space<vmem>>[vector<16xi32>], vector<16xi32>, vector<16xi1>
        tpu.vector_store_idx %arg18[%and3A_326], %add3A_353 masked %unique3A_342 : memref<2048xi32, #tpu.memory_space<vmem>>[vector<16xi32>], vector<16xi32>, vector<16xi1>
        tpu.vector_store_idx %arg19[%and3A_332], %add3A_354 masked %unique3A_346 : memref<2048xi32, #tpu.memory_space<vmem>>[vector<16xi32>], vector<16xi32>, vector<16xi1>
        %shift_right_logical3A_355 = arith.constant 22 : i32
        %shift_right_logical3A_356 = vector.broadcast %shift_right_logical3A_355 : i32 to vector<16xi32>
        %shift_right_logical3A_357 = arith.shrui %get3A_281, %shift_right_logical3A_356 : vector<16xi32>
        %and3A_358 = arith.constant 1023 : i32
        %and3A_359 = vector.broadcast %and3A_358 : i32 to vector<16xi32>
        %and3A_360 = arith.andi %shift_right_logical3A_357, %and3A_359 : vector<16xi32>
        %shift_right_logical3A_361 = arith.constant 22 : i32
        %shift_right_logical3A_362 = vector.broadcast %shift_right_logical3A_361 : i32 to vector<16xi32>
        %shift_right_logical3A_363 = arith.shrui %get3A_285, %shift_right_logical3A_362 : vector<16xi32>
        %and3A_364 = arith.constant 1023 : i32
        %and3A_365 = vector.broadcast %and3A_364 : i32 to vector<16xi32>
        %and3A_366 = arith.andi %shift_right_logical3A_363, %and3A_365 : vector<16xi32>
        %shift_right_logical3A_367 = arith.constant 22 : i32
        %shift_right_logical3A_368 = vector.broadcast %shift_right_logical3A_367 : i32 to vector<16xi32>
        %shift_right_logical3A_369 = arith.shrui %get3A_289, %shift_right_logical3A_368 : vector<16xi32>
        %and3A_370 = arith.constant 1023 : i32
        %and3A_371 = vector.broadcast %and3A_370 : i32 to vector<16xi32>
        %and3A_372 = arith.andi %shift_right_logical3A_369, %and3A_371 : vector<16xi32>
        %shift_right_logical3A_373 = arith.constant 22 : i32
        %shift_right_logical3A_374 = vector.broadcast %shift_right_logical3A_373 : i32 to vector<16xi32>
        %shift_right_logical3A_375 = arith.shrui %get3A_293, %shift_right_logical3A_374 : vector<16xi32>
        %and3A_376 = arith.constant 1023 : i32
        %and3A_377 = vector.broadcast %and3A_376 : i32 to vector<16xi32>
        %and3A_378 = arith.andi %shift_right_logical3A_375, %and3A_377 : vector<16xi32>
        %broadcast_in_dim3A_379 = arith.constant 1 : i32
        %broadcast_in_dim3A_380 = vector.broadcast %broadcast_in_dim3A_379 : i32 to vector<16xi32>
        tpu.vector_store_idx %arg12[%and3A_360], %broadcast_in_dim3A_380 {add = true} : memref<2048xi32, #tpu.memory_space<vmem>>[vector<16xi32>], vector<16xi32>,
        tpu.vector_store_idx %arg13[%and3A_366], %broadcast_in_dim3A_380 {add = true} : memref<2048xi32, #tpu.memory_space<vmem>>[vector<16xi32>], vector<16xi32>,
        tpu.vector_store_idx %arg14[%and3A_372], %broadcast_in_dim3A_380 {add = true} : memref<2048xi32, #tpu.memory_space<vmem>>[vector<16xi32>], vector<16xi32>,
        tpu.vector_store_idx %arg15[%and3A_378], %broadcast_in_dim3A_380 {add = true} : memref<2048xi32, #tpu.memory_space<vmem>>[vector<16xi32>], vector<16xi32>,
        %scan3A_381 = arith.constant 0 : i32
        %scan3A_382 = arith.constant 1 : i32
        %scan3A_383 = arith.addi %scan3A_273, %scan3A_382 : i32
        %mul3A_384 = arith.constant 16 : i32
        %mul3A_385 = arith.muli %scan3A_383, %mul3A_384 : i32
        %multiple_of3A_386 = tpu.assume_multiple %mul3A_385, 16 : i32
        %add3A_387 = arith.constant 0 : i32
        %add3A_388 = arith.addi %multiple_of3A_386, %add3A_387 : i32
        %get3A_389 = arith.index_cast %add3A_388 : i32 to index
        %get3A_390 = tpu.vector_load %arg9[%get3A_389] {strides = array<i32>} : memref<16384xi32, #tpu.memory_space<vmem>>, vector<16xi32>,
        %add3A_391 = arith.constant 4096 : i32
        %add3A_392 = arith.addi %multiple_of3A_386, %add3A_391 : i32
        %get3A_393 = arith.index_cast %add3A_392 : i32 to index
        %get3A_394 = tpu.vector_load %arg9[%get3A_393] {strides = array<i32>} : memref<16384xi32, #tpu.memory_space<vmem>>, vector<16xi32>,
        %add3A_395 = arith.constant 8192 : i32
        %add3A_396 = arith.addi %multiple_of3A_386, %add3A_395 : i32
        %get3A_397 = arith.index_cast %add3A_396 : i32 to index
        %get3A_398 = tpu.vector_load %arg9[%get3A_397] {strides = array<i32>} : memref<16384xi32, #tpu.memory_space<vmem>>, vector<16xi32>,
        %add3A_399 = arith.constant 12288 : i32
        %add3A_400 = arith.addi %multiple_of3A_386, %add3A_399 : i32
        %get3A_401 = arith.index_cast %add3A_400 : i32 to index
        %get3A_402 = tpu.vector_load %arg9[%get3A_401] {strides = array<i32>} : memref<16384xi32, #tpu.memory_space<vmem>>, vector<16xi32>,
        %add3A_403 = arith.constant 0 : i32
        %add3A_404 = arith.addi %multiple_of3A_386, %add3A_403 : i32
        %get3A_405 = arith.index_cast %add3A_404 : i32 to index
        %get3A_406 = tpu.vector_load %arg11[%get3A_405] {strides = array<i32>} : memref<16384xi32, #tpu.memory_space<vmem>>, vector<16xi32>,
        %add3A_407 = arith.constant 4096 : i32
        %add3A_408 = arith.addi %multiple_of3A_386, %add3A_407 : i32
        %get3A_409 = arith.index_cast %add3A_408 : i32 to index
        %get3A_410 = tpu.vector_load %arg11[%get3A_409] {strides = array<i32>} : memref<16384xi32, #tpu.memory_space<vmem>>, vector<16xi32>,
        %add3A_411 = arith.constant 8192 : i32
        %add3A_412 = arith.addi %multiple_of3A_386, %add3A_411 : i32
        %get3A_413 = arith.index_cast %add3A_412 : i32 to index
        %get3A_414 = tpu.vector_load %arg11[%get3A_413] {strides = array<i32>} : memref<16384xi32, #tpu.memory_space<vmem>>, vector<16xi32>,
        %add3A_415 = arith.constant 12288 : i32
        %add3A_416 = arith.addi %multiple_of3A_386, %add3A_415 : i32
        %get3A_417 = arith.index_cast %add3A_416 : i32 to index
        %get3A_418 = tpu.vector_load %arg11[%get3A_417] {strides = array<i32>} : memref<16384xi32, #tpu.memory_space<vmem>>, vector<16xi32>,
        %shift_right_logical3A_419 = arith.constant 11 : i32
        %shift_right_logical3A_420 = vector.broadcast %shift_right_logical3A_419 : i32 to vector<16xi32>
        %shift_right_logical3A_421 = arith.shrui %get3A_390, %shift_right_logical3A_420 : vector<16xi32>
        %and3A_422 = arith.constant 2047 : i32
        %and3A_423 = vector.broadcast %and3A_422 : i32 to vector<16xi32>
        %and3A_424 = arith.andi %shift_right_logical3A_421, %and3A_423 : vector<16xi32>
        %shift_right_logical3A_425 = arith.constant 11 : i32
        %shift_right_logical3A_426 = vector.broadcast %shift_right_logical3A_425 : i32 to vector<16xi32>
        %shift_right_logical3A_427 = arith.shrui %get3A_394, %shift_right_logical3A_426 : vector<16xi32>
        %and3A_428 = arith.constant 2047 : i32
        %and3A_429 = vector.broadcast %and3A_428 : i32 to vector<16xi32>
        %and3A_430 = arith.andi %shift_right_logical3A_427, %and3A_429 : vector<16xi32>
        %shift_right_logical3A_431 = arith.constant 11 : i32
        %shift_right_logical3A_432 = vector.broadcast %shift_right_logical3A_431 : i32 to vector<16xi32>
        %shift_right_logical3A_433 = arith.shrui %get3A_398, %shift_right_logical3A_432 : vector<16xi32>
        %and3A_434 = arith.constant 2047 : i32
        %and3A_435 = vector.broadcast %and3A_434 : i32 to vector<16xi32>
        %and3A_436 = arith.andi %shift_right_logical3A_433, %and3A_435 : vector<16xi32>
        %shift_right_logical3A_437 = arith.constant 11 : i32
        %shift_right_logical3A_438 = vector.broadcast %shift_right_logical3A_437 : i32 to vector<16xi32>
        %shift_right_logical3A_439 = arith.shrui %get3A_402, %shift_right_logical3A_438 : vector<16xi32>
        %and3A_440 = arith.constant 2047 : i32
        %and3A_441 = vector.broadcast %and3A_440 : i32 to vector<16xi32>
        %and3A_442 = arith.andi %shift_right_logical3A_439, %and3A_441 : vector<16xi32>
        %broadcast_in_dim3A_443 = arith.constant true
        %broadcast_in_dim3A_444 = vector.broadcast %broadcast_in_dim3A_443 : i1 to vector<16xi1>
        %unique3A_445, %unique3A_446 = tpu.scan_count mask(%broadcast_in_dim3A_444 : vector<16xi1>) value(%and3A_424 : vector<16xi32>) : vector<16xi1>, vector<16xi32>
        %broadcast_in_dim3A_447 = arith.constant true
        %broadcast_in_dim3A_448 = vector.broadcast %broadcast_in_dim3A_447 : i1 to vector<16xi1>
        %unique3A_449, %unique3A_450 = tpu.scan_count mask(%broadcast_in_dim3A_448 : vector<16xi1>) value(%and3A_430 : vector<16xi32>) : vector<16xi1>, vector<16xi32>
        %broadcast_in_dim3A_451 = arith.constant true
        %broadcast_in_dim3A_452 = vector.broadcast %broadcast_in_dim3A_451 : i1 to vector<16xi1>
        %unique3A_453, %unique3A_454 = tpu.scan_count mask(%broadcast_in_dim3A_452 : vector<16xi1>) value(%and3A_436 : vector<16xi32>) : vector<16xi1>, vector<16xi32>
        %broadcast_in_dim3A_455 = arith.constant true
        %broadcast_in_dim3A_456 = vector.broadcast %broadcast_in_dim3A_455 : i1 to vector<16xi1>
        %unique3A_457, %unique3A_458 = tpu.scan_count mask(%broadcast_in_dim3A_456 : vector<16xi1>) value(%and3A_442 : vector<16xi32>) : vector<16xi1>, vector<16xi32>
        %gather3A_459 = tpu.vector_load_idx %arg16[%and3A_424] : memref<2048xi32, #tpu.memory_space<vmem>>[vector<16xi32>], vector<16xi32>,
        %gather3A_460 = tpu.vector_load_idx %arg17[%and3A_430] : memref<2048xi32, #tpu.memory_space<vmem>>[vector<16xi32>], vector<16xi32>,
        %gather3A_461 = tpu.vector_load_idx %arg18[%and3A_436] : memref<2048xi32, #tpu.memory_space<vmem>>[vector<16xi32>], vector<16xi32>,
        %gather3A_462 = tpu.vector_load_idx %arg19[%and3A_442] : memref<2048xi32, #tpu.memory_space<vmem>>[vector<16xi32>], vector<16xi32>,
        %add3A_463 = arith.addi %gather3A_459, %unique3A_446 : vector<16xi32>
        %add3A_464 = arith.addi %gather3A_460, %unique3A_450 : vector<16xi32>
        %add3A_465 = arith.addi %gather3A_461, %unique3A_454 : vector<16xi32>
        %add3A_466 = arith.addi %gather3A_462, %unique3A_458 : vector<16xi32>
        tpu.vector_store_idx %arg8[%add3A_463], %get3A_390 : memref<16384xi32, #tpu.memory_space<vmem>>[vector<16xi32>], vector<16xi32>,
        tpu.vector_store_idx %arg8[%add3A_464], %get3A_394 : memref<16384xi32, #tpu.memory_space<vmem>>[vector<16xi32>], vector<16xi32>,
        tpu.vector_store_idx %arg8[%add3A_465], %get3A_398 : memref<16384xi32, #tpu.memory_space<vmem>>[vector<16xi32>], vector<16xi32>,
        tpu.vector_store_idx %arg8[%add3A_466], %get3A_402 : memref<16384xi32, #tpu.memory_space<vmem>>[vector<16xi32>], vector<16xi32>,
        tpu.vector_store_idx %arg10[%add3A_463], %get3A_406 : memref<16384xi32, #tpu.memory_space<vmem>>[vector<16xi32>], vector<16xi32>,
        tpu.vector_store_idx %arg10[%add3A_464], %get3A_410 : memref<16384xi32, #tpu.memory_space<vmem>>[vector<16xi32>], vector<16xi32>,
        tpu.vector_store_idx %arg10[%add3A_465], %get3A_414 : memref<16384xi32, #tpu.memory_space<vmem>>[vector<16xi32>], vector<16xi32>,
        tpu.vector_store_idx %arg10[%add3A_466], %get3A_418 : memref<16384xi32, #tpu.memory_space<vmem>>[vector<16xi32>], vector<16xi32>,
        tpu.vector_store_idx %arg16[%and3A_424], %add3A_463 masked %unique3A_445 : memref<2048xi32, #tpu.memory_space<vmem>>[vector<16xi32>], vector<16xi32>, vector<16xi1>
        tpu.vector_store_idx %arg17[%and3A_430], %add3A_464 masked %unique3A_449 : memref<2048xi32, #tpu.memory_space<vmem>>[vector<16xi32>], vector<16xi32>, vector<16xi1>
        tpu.vector_store_idx %arg18[%and3A_436], %add3A_465 masked %unique3A_453 : memref<2048xi32, #tpu.memory_space<vmem>>[vector<16xi32>], vector<16xi32>, vector<16xi1>
        tpu.vector_store_idx %arg19[%and3A_442], %add3A_466 masked %unique3A_457 : memref<2048xi32, #tpu.memory_space<vmem>>[vector<16xi32>], vector<16xi32>, vector<16xi1>
        %shift_right_logical3A_467 = arith.constant 22 : i32
        %shift_right_logical3A_468 = vector.broadcast %shift_right_logical3A_467 : i32 to vector<16xi32>
        %shift_right_logical3A_469 = arith.shrui %get3A_390, %shift_right_logical3A_468 : vector<16xi32>
        %and3A_470 = arith.constant 1023 : i32
        %and3A_471 = vector.broadcast %and3A_470 : i32 to vector<16xi32>
        %and3A_472 = arith.andi %shift_right_logical3A_469, %and3A_471 : vector<16xi32>
        %shift_right_logical3A_473 = arith.constant 22 : i32
        %shift_right_logical3A_474 = vector.broadcast %shift_right_logical3A_473 : i32 to vector<16xi32>
        %shift_right_logical3A_475 = arith.shrui %get3A_394, %shift_right_logical3A_474 : vector<16xi32>
        %and3A_476 = arith.constant 1023 : i32
        %and3A_477 = vector.broadcast %and3A_476 : i32 to vector<16xi32>
        %and3A_478 = arith.andi %shift_right_logical3A_475, %and3A_477 : vector<16xi32>
        %shift_right_logical3A_479 = arith.constant 22 : i32
        %shift_right_logical3A_480 = vector.broadcast %shift_right_logical3A_479 : i32 to vector<16xi32>
        %shift_right_logical3A_481 = arith.shrui %get3A_398, %shift_right_logical3A_480 : vector<16xi32>
        %and3A_482 = arith.constant 1023 : i32
        %and3A_483 = vector.broadcast %and3A_482 : i32 to vector<16xi32>
        %and3A_484 = arith.andi %shift_right_logical3A_481, %and3A_483 : vector<16xi32>
        %shift_right_logical3A_485 = arith.constant 22 : i32
        %shift_right_logical3A_486 = vector.broadcast %shift_right_logical3A_485 : i32 to vector<16xi32>
        %shift_right_logical3A_487 = arith.shrui %get3A_402, %shift_right_logical3A_486 : vector<16xi32>
        %and3A_488 = arith.constant 1023 : i32
        %and3A_489 = vector.broadcast %and3A_488 : i32 to vector<16xi32>
        %and3A_490 = arith.andi %shift_right_logical3A_487, %and3A_489 : vector<16xi32>
        %broadcast_in_dim3A_491 = arith.constant 1 : i32
        %broadcast_in_dim3A_492 = vector.broadcast %broadcast_in_dim3A_491 : i32 to vector<16xi32>
        tpu.vector_store_idx %arg12[%and3A_472], %broadcast_in_dim3A_492 {add = true} : memref<2048xi32, #tpu.memory_space<vmem>>[vector<16xi32>], vector<16xi32>,
        tpu.vector_store_idx %arg13[%and3A_478], %broadcast_in_dim3A_492 {add = true} : memref<2048xi32, #tpu.memory_space<vmem>>[vector<16xi32>], vector<16xi32>,
        tpu.vector_store_idx %arg14[%and3A_484], %broadcast_in_dim3A_492 {add = true} : memref<2048xi32, #tpu.memory_space<vmem>>[vector<16xi32>], vector<16xi32>,
        tpu.vector_store_idx %arg15[%and3A_490], %broadcast_in_dim3A_492 {add = true} : memref<2048xi32, #tpu.memory_space<vmem>>[vector<16xi32>], vector<16xi32>,
        %scan3A_493 = arith.constant 0 : i32
        scf.yield %scan3A_493 : i32
      }
      %scan3A_141 = arith.constant 256 : i32
      %broadcast_in_dim3A_142 = arith.constant 15 : i32
      %broadcast_in_dim3A_143 = vector.broadcast %broadcast_in_dim3A_142 : i32 to vector<16xi32>
      %broadcast_in_dim3A_144 = arith.constant -1 : i32
      %broadcast_in_dim3A_145 = vector.broadcast %broadcast_in_dim3A_144 : i32 to vector<16xi32>
      %broadcast_in_dim3A_146 = arith.constant 4095 : i32
      %broadcast_in_dim3A_147 = vector.broadcast %broadcast_in_dim3A_146 : i32 to vector<16xi32>
      %broadcast_in_dim3A_148 = arith.constant 8191 : i32
      %broadcast_in_dim3A_149 = vector.broadcast %broadcast_in_dim3A_148 : i32 to vector<16xi32>
      %broadcast_in_dim3A_150 = arith.constant 12287 : i32
      %broadcast_in_dim3A_151 = vector.broadcast %broadcast_in_dim3A_150 : i32 to vector<16xi32>
      %scan3A_152 = arith.constant 0 : i32
      %scan3A_153 = arith.constant 64 : i32
      %scan3A_154 = arith.addi %scan3A_152, %scan3A_153 : i32
      %scan3A_155 = arith.constant 1 : i32
      %scan3A_156:4 = scf.for %scan3A_273 = %scan3A_152 to %scan3A_154 step %scan3A_155 iter_args(%scan3A_274 = %broadcast_in_dim3A_145, %scan3A_275 = %broadcast_in_dim3A_147, %scan3A_276 = %broadcast_in_dim3A_149, %scan3A_277 = %broadcast_in_dim3A_151) -> (vector<16xi32>, vector<16xi32>, vector<16xi32>, vector<16xi32>)  : i32 {
        %mul3A_278 = arith.constant 16 : i32
        %mul3A_279 = arith.muli %scan3A_273, %mul3A_278 : i32
        %multiple_of3A_280 = tpu.assume_multiple %mul3A_279, 16 : i32
        %get3A_281 = arith.index_cast %multiple_of3A_280 : i32 to index
        %get3A_282 = tpu.vector_load %arg12[%get3A_281] {strides = array<i32>} : memref<2048xi32, #tpu.memory_space<vmem>>, vector<16xi32>,
        %get3A_283 = arith.index_cast %multiple_of3A_280 : i32 to index
        %get3A_284 = tpu.vector_load %arg13[%get3A_283] {strides = array<i32>} : memref<2048xi32, #tpu.memory_space<vmem>>, vector<16xi32>,
        %get3A_285 = arith.index_cast %multiple_of3A_280 : i32 to index
        %get3A_286 = tpu.vector_load %arg14[%get3A_285] {strides = array<i32>} : memref<2048xi32, #tpu.memory_space<vmem>>, vector<16xi32>,
        %get3A_287 = arith.index_cast %multiple_of3A_280 : i32 to index
        %get3A_288 = tpu.vector_load %arg15[%get3A_287] {strides = array<i32>} : memref<2048xi32, #tpu.memory_space<vmem>>, vector<16xi32>,
        %broadcast_in_dim3A_289 = arith.constant true
        %broadcast_in_dim3A_290 = vector.broadcast %broadcast_in_dim3A_289 : i1 to vector<16xi1>
        %masked_cumsum3A = tpu.scan <sum>, %get3A_282 masked %broadcast_in_dim3A_290 : vector<16xi32>, vector<16xi1> -> vector<16xi32>
        %broadcast_in_dim3A_291 = arith.constant true
        %broadcast_in_dim3A_292 = vector.broadcast %broadcast_in_dim3A_291 : i1 to vector<16xi1>
        %masked_cumsum3A_293 = tpu.scan <sum>, %get3A_284 masked %broadcast_in_dim3A_292 : vector<16xi32>, vector<16xi1> -> vector<16xi32>
        %broadcast_in_dim3A_294 = arith.constant true
        %broadcast_in_dim3A_295 = vector.broadcast %broadcast_in_dim3A_294 : i1 to vector<16xi1>
        %masked_cumsum3A_296 = tpu.scan <sum>, %get3A_286 masked %broadcast_in_dim3A_295 : vector<16xi32>, vector<16xi1> -> vector<16xi32>
        %broadcast_in_dim3A_297 = arith.constant true
        %broadcast_in_dim3A_298 = vector.broadcast %broadcast_in_dim3A_297 : i1 to vector<16xi1>
        %masked_cumsum3A_299 = tpu.scan <sum>, %get3A_288 masked %broadcast_in_dim3A_298 : vector<16xi32>, vector<16xi1> -> vector<16xi32>
        %sub3A_300 = arith.subi %masked_cumsum3A, %get3A_282 : vector<16xi32>
        %add3A_301 = arith.addi %sub3A_300, %scan3A_274 : vector<16xi32>
        %swap3A = arith.index_cast %multiple_of3A_280 : i32 to index
        %swap3A_302 = tpu.vector_load %arg12[%swap3A] {strides = array<i32>} : memref<2048xi32, #tpu.memory_space<vmem>>, vector<16xi32>,
        tpu.vector_store %arg12[%swap3A], %add3A_301 {strides = array<i32>} : memref<2048xi32, #tpu.memory_space<vmem>>, vector<16xi32>,
        %sub3A_303 = arith.subi %masked_cumsum3A_293, %get3A_284 : vector<16xi32>
        %add3A_304 = arith.addi %sub3A_303, %scan3A_275 : vector<16xi32>
        %swap3A_305 = arith.index_cast %multiple_of3A_280 : i32 to index
        %swap3A_306 = tpu.vector_load %arg13[%swap3A_305] {strides = array<i32>} : memref<2048xi32, #tpu.memory_space<vmem>>, vector<16xi32>,
        tpu.vector_store %arg13[%swap3A_305], %add3A_304 {strides = array<i32>} : memref<2048xi32, #tpu.memory_space<vmem>>, vector<16xi32>,
        %sub3A_307 = arith.subi %masked_cumsum3A_296, %get3A_286 : vector<16xi32>
        %add3A_308 = arith.addi %sub3A_307, %scan3A_276 : vector<16xi32>
        %swap3A_309 = arith.index_cast %multiple_of3A_280 : i32 to index
        %swap3A_310 = tpu.vector_load %arg14[%swap3A_309] {strides = array<i32>} : memref<2048xi32, #tpu.memory_space<vmem>>, vector<16xi32>,
        tpu.vector_store %arg14[%swap3A_309], %add3A_308 {strides = array<i32>} : memref<2048xi32, #tpu.memory_space<vmem>>, vector<16xi32>,
        %sub3A_311 = arith.subi %masked_cumsum3A_299, %get3A_288 : vector<16xi32>
        %add3A_312 = arith.addi %sub3A_311, %scan3A_277 : vector<16xi32>
        %swap3A_313 = arith.index_cast %multiple_of3A_280 : i32 to index
        %swap3A_314 = tpu.vector_load %arg15[%swap3A_313] {strides = array<i32>} : memref<2048xi32, #tpu.memory_space<vmem>>, vector<16xi32>,
        tpu.vector_store %arg15[%swap3A_313], %add3A_312 {strides = array<i32>} : memref<2048xi32, #tpu.memory_space<vmem>>, vector<16xi32>,
        %lt3A_315 = arith.constant 0 : i32
        %lt3A_316 = vector.broadcast %lt3A_315 : i32 to vector<16xi32>
        %lt3A_317 = arith.cmpi slt, %broadcast_in_dim3A_143, %lt3A_316 : vector<16xi32>
        %add3A_318 = arith.constant 16 : i32
        %add3A_319 = vector.broadcast %add3A_318 : i32 to vector<16xi32>
        %add3A_320 = arith.addi %broadcast_in_dim3A_143, %add3A_319 : vector<16xi32>
        %select_n3A_321 = arith.select %lt3A_317, %add3A_320, %broadcast_in_dim3A_143 : vector<16xi1>, vector<16xi32>
        %reshape3A = vector.shape_cast %select_n3A_321 : vector<16xi32> to vector<16x1xi32>
        %gather3A = vector.shape_cast %reshape3A : vector<16x1xi32> to vector<16xi32>
        %gather3A_322 = tpu.dynamic_gather %masked_cumsum3A[%gather3A] in [0] : vector<16xi32>, vector<16xi32> -> vector<16xi32>
        %add3A_323 = arith.addi %scan3A_274, %gather3A_322 : vector<16xi32>
        %lt3A_324 = arith.constant 0 : i32
        %lt3A_325 = vector.broadcast %lt3A_324 : i32 to vector<16xi32>
        %lt3A_326 = arith.cmpi slt, %broadcast_in_dim3A_143, %lt3A_325 : vector<16xi32>
        %add3A_327 = arith.constant 16 : i32
        %add3A_328 = vector.broadcast %add3A_327 : i32 to vector<16xi32>
        %add3A_329 = arith.addi %broadcast_in_dim3A_143, %add3A_328 : vector<16xi32>
        %select_n3A_330 = arith.select %lt3A_326, %add3A_329, %broadcast_in_dim3A_143 : vector<16xi1>, vector<16xi32>
        %reshape3A_331 = vector.shape_cast %select_n3A_330 : vector<16xi32> to vector<16x1xi32>
        %gather3A_332 = vector.shape_cast %reshape3A_331 : vector<16x1xi32> to vector<16xi32>
        %gather3A_333 = tpu.dynamic_gather %masked_cumsum3A_293[%gather3A_332] in [0] : vector<16xi32>, vector<16xi32> -> vector<16xi32>
        %add3A_334 = arith.addi %scan3A_275, %gather3A_333 : vector<16xi32>
        %lt3A_335 = arith.constant 0 : i32
        %lt3A_336 = vector.broadcast %lt3A_335 : i32 to vector<16xi32>
        %lt3A_337 = arith.cmpi slt, %broadcast_in_dim3A_143, %lt3A_336 : vector<16xi32>
        %add3A_338 = arith.constant 16 : i32
        %add3A_339 = vector.broadcast %add3A_338 : i32 to vector<16xi32>
        %add3A_340 = arith.addi %broadcast_in_dim3A_143, %add3A_339 : vector<16xi32>
        %select_n3A_341 = arith.select %lt3A_337, %add3A_340, %broadcast_in_dim3A_143 : vector<16xi1>, vector<16xi32>
        %reshape3A_342 = vector.shape_cast %select_n3A_341 : vector<16xi32> to vector<16x1xi32>
        %gather3A_343 = vector.shape_cast %reshape3A_342 : vector<16x1xi32> to vector<16xi32>
        %gather3A_344 = tpu.dynamic_gather %masked_cumsum3A_296[%gather3A_343] in [0] : vector<16xi32>, vector<16xi32> -> vector<16xi32>
        %add3A_345 = arith.addi %scan3A_276, %gather3A_344 : vector<16xi32>
        %lt3A_346 = arith.constant 0 : i32
        %lt3A_347 = vector.broadcast %lt3A_346 : i32 to vector<16xi32>
        %lt3A_348 = arith.cmpi slt, %broadcast_in_dim3A_143, %lt3A_347 : vector<16xi32>
        %add3A_349 = arith.constant 16 : i32
        %add3A_350 = vector.broadcast %add3A_349 : i32 to vector<16xi32>
        %add3A_351 = arith.addi %broadcast_in_dim3A_143, %add3A_350 : vector<16xi32>
        %select_n3A_352 = arith.select %lt3A_348, %add3A_351, %broadcast_in_dim3A_143 : vector<16xi1>, vector<16xi32>
        %reshape3A_353 = vector.shape_cast %select_n3A_352 : vector<16xi32> to vector<16x1xi32>
        %gather3A_354 = vector.shape_cast %reshape3A_353 : vector<16x1xi32> to vector<16xi32>
        %gather3A_355 = tpu.dynamic_gather %masked_cumsum3A_299[%gather3A_354] in [0] : vector<16xi32>, vector<16xi32> -> vector<16xi32>
        %add3A_356 = arith.addi %scan3A_277, %gather3A_355 : vector<16xi32>
        scf.yield %add3A_323, %add3A_334, %add3A_345, %add3A_356 : vector<16xi32>, vector<16xi32>, vector<16xi32>, vector<16xi32>
      }
      %scan3A_157 = arith.constant 64 : i32
      %scan3A_158 = arith.constant 0 : i32
      %scan3A_159 = arith.constant 0 : i32
      %scan3A_160 = arith.constant 256 : i32
      %scan3A_161 = arith.addi %scan3A_159, %scan3A_160 : i32
      %scan3A_162 = arith.constant 2 : i32
      %scan3A_163 = scf.for %scan3A_273 = %scan3A_159 to %scan3A_161 step %scan3A_162 iter_args(%scan3A_274 = %scan3A_158) -> (i32)  : i32 {
        %mul3A_275 = arith.constant 16 : i32
        %mul3A_276 = arith.muli %scan3A_273, %mul3A_275 : i32
        %multiple_of3A_277 = tpu.assume_multiple %mul3A_276, 16 : i32
        %add3A_278 = arith.constant 0 : i32
        %add3A_279 = arith.addi %multiple_of3A_277, %add3A_278 : i32
        %get3A_280 = arith.index_cast %add3A_279 : i32 to index
        %get3A_281 = tpu.vector_load %arg8[%get3A_280] {strides = array<i32>} : memref<16384xi32, #tpu.memory_space<vmem>>, vector<16xi32>,
        %add3A_282 = arith.constant 4096 : i32
        %add3A_283 = arith.addi %multiple_of3A_277, %add3A_282 : i32
        %get3A_284 = arith.index_cast %add3A_283 : i32 to index
        %get3A_285 = tpu.vector_load %arg8[%get3A_284] {strides = array<i32>} : memref<16384xi32, #tpu.memory_space<vmem>>, vector<16xi32>,
        %add3A_286 = arith.constant 8192 : i32
        %add3A_287 = arith.addi %multiple_of3A_277, %add3A_286 : i32
        %get3A_288 = arith.index_cast %add3A_287 : i32 to index
        %get3A_289 = tpu.vector_load %arg8[%get3A_288] {strides = array<i32>} : memref<16384xi32, #tpu.memory_space<vmem>>, vector<16xi32>,
        %add3A_290 = arith.constant 12288 : i32
        %add3A_291 = arith.addi %multiple_of3A_277, %add3A_290 : i32
        %get3A_292 = arith.index_cast %add3A_291 : i32 to index
        %get3A_293 = tpu.vector_load %arg8[%get3A_292] {strides = array<i32>} : memref<16384xi32, #tpu.memory_space<vmem>>, vector<16xi32>,
        %add3A_294 = arith.constant 0 : i32
        %add3A_295 = arith.addi %multiple_of3A_277, %add3A_294 : i32
        %get3A_296 = arith.index_cast %add3A_295 : i32 to index
        %get3A_297 = tpu.vector_load %arg10[%get3A_296] {strides = array<i32>} : memref<16384xi32, #tpu.memory_space<vmem>>, vector<16xi32>,
        %add3A_298 = arith.constant 4096 : i32
        %add3A_299 = arith.addi %multiple_of3A_277, %add3A_298 : i32
        %get3A_300 = arith.index_cast %add3A_299 : i32 to index
        %get3A_301 = tpu.vector_load %arg10[%get3A_300] {strides = array<i32>} : memref<16384xi32, #tpu.memory_space<vmem>>, vector<16xi32>,
        %add3A_302 = arith.constant 8192 : i32
        %add3A_303 = arith.addi %multiple_of3A_277, %add3A_302 : i32
        %get3A_304 = arith.index_cast %add3A_303 : i32 to index
        %get3A_305 = tpu.vector_load %arg10[%get3A_304] {strides = array<i32>} : memref<16384xi32, #tpu.memory_space<vmem>>, vector<16xi32>,
        %add3A_306 = arith.constant 12288 : i32
        %add3A_307 = arith.addi %multiple_of3A_277, %add3A_306 : i32
        %get3A_308 = arith.index_cast %add3A_307 : i32 to index
        %get3A_309 = tpu.vector_load %arg10[%get3A_308] {strides = array<i32>} : memref<16384xi32, #tpu.memory_space<vmem>>, vector<16xi32>,
        %shift_right_logical3A = arith.constant 22 : i32
        %shift_right_logical3A_310 = vector.broadcast %shift_right_logical3A : i32 to vector<16xi32>
        %shift_right_logical3A_311 = arith.shrui %get3A_281, %shift_right_logical3A_310 : vector<16xi32>
        %and3A_312 = arith.constant 1023 : i32
        %and3A_313 = vector.broadcast %and3A_312 : i32 to vector<16xi32>
        %and3A_314 = arith.andi %shift_right_logical3A_311, %and3A_313 : vector<16xi32>
        %shift_right_logical3A_315 = arith.constant 22 : i32
        %shift_right_logical3A_316 = vector.broadcast %shift_right_logical3A_315 : i32 to vector<16xi32>
        %shift_right_logical3A_317 = arith.shrui %get3A_285, %shift_right_logical3A_316 : vector<16xi32>
        %and3A_318 = arith.constant 1023 : i32
        %and3A_319 = vector.broadcast %and3A_318 : i32 to vector<16xi32>
        %and3A_320 = arith.andi %shift_right_logical3A_317, %and3A_319 : vector<16xi32>
        %shift_right_logical3A_321 = arith.constant 22 : i32
        %shift_right_logical3A_322 = vector.broadcast %shift_right_logical3A_321 : i32 to vector<16xi32>
        %shift_right_logical3A_323 = arith.shrui %get3A_289, %shift_right_logical3A_322 : vector<16xi32>
        %and3A_324 = arith.constant 1023 : i32
        %and3A_325 = vector.broadcast %and3A_324 : i32 to vector<16xi32>
        %and3A_326 = arith.andi %shift_right_logical3A_323, %and3A_325 : vector<16xi32>
        %shift_right_logical3A_327 = arith.constant 22 : i32
        %shift_right_logical3A_328 = vector.broadcast %shift_right_logical3A_327 : i32 to vector<16xi32>
        %shift_right_logical3A_329 = arith.shrui %get3A_293, %shift_right_logical3A_328 : vector<16xi32>
        %and3A_330 = arith.constant 1023 : i32
        %and3A_331 = vector.broadcast %and3A_330 : i32 to vector<16xi32>
        %and3A_332 = arith.andi %shift_right_logical3A_329, %and3A_331 : vector<16xi32>
        %broadcast_in_dim3A_333 = arith.constant true
        %broadcast_in_dim3A_334 = vector.broadcast %broadcast_in_dim3A_333 : i1 to vector<16xi1>
        %unique3A, %unique3A_335 = tpu.scan_count mask(%broadcast_in_dim3A_334 : vector<16xi1>) value(%and3A_314 : vector<16xi32>) : vector<16xi1>, vector<16xi32>
        %broadcast_in_dim3A_336 = arith.constant true
        %broadcast_in_dim3A_337 = vector.broadcast %broadcast_in_dim3A_336 : i1 to vector<16xi1>
        %unique3A_338, %unique3A_339 = tpu.scan_count mask(%broadcast_in_dim3A_337 : vector<16xi1>) value(%and3A_320 : vector<16xi32>) : vector<16xi1>, vector<16xi32>
        %broadcast_in_dim3A_340 = arith.constant true
        %broadcast_in_dim3A_341 = vector.broadcast %broadcast_in_dim3A_340 : i1 to vector<16xi1>
        %unique3A_342, %unique3A_343 = tpu.scan_count mask(%broadcast_in_dim3A_341 : vector<16xi1>) value(%and3A_326 : vector<16xi32>) : vector<16xi1>, vector<16xi32>
        %broadcast_in_dim3A_344 = arith.constant true
        %broadcast_in_dim3A_345 = vector.broadcast %broadcast_in_dim3A_344 : i1 to vector<16xi1>
        %unique3A_346, %unique3A_347 = tpu.scan_count mask(%broadcast_in_dim3A_345 : vector<16xi1>) value(%and3A_332 : vector<16xi32>) : vector<16xi1>, vector<16xi32>
        %gather3A = tpu.vector_load_idx %arg12[%and3A_314] : memref<2048xi32, #tpu.memory_space<vmem>>[vector<16xi32>], vector<16xi32>,
        %gather3A_348 = tpu.vector_load_idx %arg13[%and3A_320] : memref<2048xi32, #tpu.memory_space<vmem>>[vector<16xi32>], vector<16xi32>,
        %gather3A_349 = tpu.vector_load_idx %arg14[%and3A_326] : memref<2048xi32, #tpu.memory_space<vmem>>[vector<16xi32>], vector<16xi32>,
        %gather3A_350 = tpu.vector_load_idx %arg15[%and3A_332] : memref<2048xi32, #tpu.memory_space<vmem>>[vector<16xi32>], vector<16xi32>,
        %add3A_351 = arith.addi %gather3A, %unique3A_335 : vector<16xi32>
        %add3A_352 = arith.addi %gather3A_348, %unique3A_339 : vector<16xi32>
        %add3A_353 = arith.addi %gather3A_349, %unique3A_343 : vector<16xi32>
        %add3A_354 = arith.addi %gather3A_350, %unique3A_347 : vector<16xi32>
        tpu.vector_store_idx %arg9[%add3A_351], %get3A_281 : memref<16384xi32, #tpu.memory_space<vmem>>[vector<16xi32>], vector<16xi32>,
        tpu.vector_store_idx %arg9[%add3A_352], %get3A_285 : memref<16384xi32, #tpu.memory_space<vmem>>[vector<16xi32>], vector<16xi32>,
        tpu.vector_store_idx %arg9[%add3A_353], %get3A_289 : memref<16384xi32, #tpu.memory_space<vmem>>[vector<16xi32>], vector<16xi32>,
        tpu.vector_store_idx %arg9[%add3A_354], %get3A_293 : memref<16384xi32, #tpu.memory_space<vmem>>[vector<16xi32>], vector<16xi32>,
        tpu.vector_store_idx %arg11[%add3A_351], %get3A_297 : memref<16384xi32, #tpu.memory_space<vmem>>[vector<16xi32>], vector<16xi32>,
        tpu.vector_store_idx %arg11[%add3A_352], %get3A_301 : memref<16384xi32, #tpu.memory_space<vmem>>[vector<16xi32>], vector<16xi32>,
        tpu.vector_store_idx %arg11[%add3A_353], %get3A_305 : memref<16384xi32, #tpu.memory_space<vmem>>[vector<16xi32>], vector<16xi32>,
        tpu.vector_store_idx %arg11[%add3A_354], %get3A_309 : memref<16384xi32, #tpu.memory_space<vmem>>[vector<16xi32>], vector<16xi32>,
        tpu.vector_store_idx %arg12[%and3A_314], %add3A_351 masked %unique3A : memref<2048xi32, #tpu.memory_space<vmem>>[vector<16xi32>], vector<16xi32>, vector<16xi1>
        tpu.vector_store_idx %arg13[%and3A_320], %add3A_352 masked %unique3A_338 : memref<2048xi32, #tpu.memory_space<vmem>>[vector<16xi32>], vector<16xi32>, vector<16xi1>
        tpu.vector_store_idx %arg14[%and3A_326], %add3A_353 masked %unique3A_342 : memref<2048xi32, #tpu.memory_space<vmem>>[vector<16xi32>], vector<16xi32>, vector<16xi1>
        tpu.vector_store_idx %arg15[%and3A_332], %add3A_354 masked %unique3A_346 : memref<2048xi32, #tpu.memory_space<vmem>>[vector<16xi32>], vector<16xi32>, vector<16xi1>
        %scan3A_355 = arith.constant 0 : i32
        %scan3A_356 = arith.constant 1 : i32
        %scan3A_357 = arith.addi %scan3A_273, %scan3A_356 : i32
        %mul3A_358 = arith.constant 16 : i32
        %mul3A_359 = arith.muli %scan3A_357, %mul3A_358 : i32
        %multiple_of3A_360 = tpu.assume_multiple %mul3A_359, 16 : i32
        %add3A_361 = arith.constant 0 : i32
        %add3A_362 = arith.addi %multiple_of3A_360, %add3A_361 : i32
        %get3A_363 = arith.index_cast %add3A_362 : i32 to index
        %get3A_364 = tpu.vector_load %arg8[%get3A_363] {strides = array<i32>} : memref<16384xi32, #tpu.memory_space<vmem>>, vector<16xi32>,
        %add3A_365 = arith.constant 4096 : i32
        %add3A_366 = arith.addi %multiple_of3A_360, %add3A_365 : i32
        %get3A_367 = arith.index_cast %add3A_366 : i32 to index
        %get3A_368 = tpu.vector_load %arg8[%get3A_367] {strides = array<i32>} : memref<16384xi32, #tpu.memory_space<vmem>>, vector<16xi32>,
        %add3A_369 = arith.constant 8192 : i32
        %add3A_370 = arith.addi %multiple_of3A_360, %add3A_369 : i32
        %get3A_371 = arith.index_cast %add3A_370 : i32 to index
        %get3A_372 = tpu.vector_load %arg8[%get3A_371] {strides = array<i32>} : memref<16384xi32, #tpu.memory_space<vmem>>, vector<16xi32>,
        %add3A_373 = arith.constant 12288 : i32
        %add3A_374 = arith.addi %multiple_of3A_360, %add3A_373 : i32
        %get3A_375 = arith.index_cast %add3A_374 : i32 to index
        %get3A_376 = tpu.vector_load %arg8[%get3A_375] {strides = array<i32>} : memref<16384xi32, #tpu.memory_space<vmem>>, vector<16xi32>,
        %add3A_377 = arith.constant 0 : i32
        %add3A_378 = arith.addi %multiple_of3A_360, %add3A_377 : i32
        %get3A_379 = arith.index_cast %add3A_378 : i32 to index
        %get3A_380 = tpu.vector_load %arg10[%get3A_379] {strides = array<i32>} : memref<16384xi32, #tpu.memory_space<vmem>>, vector<16xi32>,
        %add3A_381 = arith.constant 4096 : i32
        %add3A_382 = arith.addi %multiple_of3A_360, %add3A_381 : i32
        %get3A_383 = arith.index_cast %add3A_382 : i32 to index
        %get3A_384 = tpu.vector_load %arg10[%get3A_383] {strides = array<i32>} : memref<16384xi32, #tpu.memory_space<vmem>>, vector<16xi32>,
        %add3A_385 = arith.constant 8192 : i32
        %add3A_386 = arith.addi %multiple_of3A_360, %add3A_385 : i32
        %get3A_387 = arith.index_cast %add3A_386 : i32 to index
        %get3A_388 = tpu.vector_load %arg10[%get3A_387] {strides = array<i32>} : memref<16384xi32, #tpu.memory_space<vmem>>, vector<16xi32>,
        %add3A_389 = arith.constant 12288 : i32
        %add3A_390 = arith.addi %multiple_of3A_360, %add3A_389 : i32
        %get3A_391 = arith.index_cast %add3A_390 : i32 to index
        %get3A_392 = tpu.vector_load %arg10[%get3A_391] {strides = array<i32>} : memref<16384xi32, #tpu.memory_space<vmem>>, vector<16xi32>,
        %shift_right_logical3A_393 = arith.constant 22 : i32
        %shift_right_logical3A_394 = vector.broadcast %shift_right_logical3A_393 : i32 to vector<16xi32>
        %shift_right_logical3A_395 = arith.shrui %get3A_364, %shift_right_logical3A_394 : vector<16xi32>
        %and3A_396 = arith.constant 1023 : i32
        %and3A_397 = vector.broadcast %and3A_396 : i32 to vector<16xi32>
        %and3A_398 = arith.andi %shift_right_logical3A_395, %and3A_397 : vector<16xi32>
        %shift_right_logical3A_399 = arith.constant 22 : i32
        %shift_right_logical3A_400 = vector.broadcast %shift_right_logical3A_399 : i32 to vector<16xi32>
        %shift_right_logical3A_401 = arith.shrui %get3A_368, %shift_right_logical3A_400 : vector<16xi32>
        %and3A_402 = arith.constant 1023 : i32
        %and3A_403 = vector.broadcast %and3A_402 : i32 to vector<16xi32>
        %and3A_404 = arith.andi %shift_right_logical3A_401, %and3A_403 : vector<16xi32>
        %shift_right_logical3A_405 = arith.constant 22 : i32
        %shift_right_logical3A_406 = vector.broadcast %shift_right_logical3A_405 : i32 to vector<16xi32>
        %shift_right_logical3A_407 = arith.shrui %get3A_372, %shift_right_logical3A_406 : vector<16xi32>
        %and3A_408 = arith.constant 1023 : i32
        %and3A_409 = vector.broadcast %and3A_408 : i32 to vector<16xi32>
        %and3A_410 = arith.andi %shift_right_logical3A_407, %and3A_409 : vector<16xi32>
        %shift_right_logical3A_411 = arith.constant 22 : i32
        %shift_right_logical3A_412 = vector.broadcast %shift_right_logical3A_411 : i32 to vector<16xi32>
        %shift_right_logical3A_413 = arith.shrui %get3A_376, %shift_right_logical3A_412 : vector<16xi32>
        %and3A_414 = arith.constant 1023 : i32
        %and3A_415 = vector.broadcast %and3A_414 : i32 to vector<16xi32>
        %and3A_416 = arith.andi %shift_right_logical3A_413, %and3A_415 : vector<16xi32>
        %broadcast_in_dim3A_417 = arith.constant true
        %broadcast_in_dim3A_418 = vector.broadcast %broadcast_in_dim3A_417 : i1 to vector<16xi1>
        %unique3A_419, %unique3A_420 = tpu.scan_count mask(%broadcast_in_dim3A_418 : vector<16xi1>) value(%and3A_398 : vector<16xi32>) : vector<16xi1>, vector<16xi32>
        %broadcast_in_dim3A_421 = arith.constant true
        %broadcast_in_dim3A_422 = vector.broadcast %broadcast_in_dim3A_421 : i1 to vector<16xi1>
        %unique3A_423, %unique3A_424 = tpu.scan_count mask(%broadcast_in_dim3A_422 : vector<16xi1>) value(%and3A_404 : vector<16xi32>) : vector<16xi1>, vector<16xi32>
        %broadcast_in_dim3A_425 = arith.constant true
        %broadcast_in_dim3A_426 = vector.broadcast %broadcast_in_dim3A_425 : i1 to vector<16xi1>
        %unique3A_427, %unique3A_428 = tpu.scan_count mask(%broadcast_in_dim3A_426 : vector<16xi1>) value(%and3A_410 : vector<16xi32>) : vector<16xi1>, vector<16xi32>
        %broadcast_in_dim3A_429 = arith.constant true
        %broadcast_in_dim3A_430 = vector.broadcast %broadcast_in_dim3A_429 : i1 to vector<16xi1>
        %unique3A_431, %unique3A_432 = tpu.scan_count mask(%broadcast_in_dim3A_430 : vector<16xi1>) value(%and3A_416 : vector<16xi32>) : vector<16xi1>, vector<16xi32>
        %gather3A_433 = tpu.vector_load_idx %arg12[%and3A_398] : memref<2048xi32, #tpu.memory_space<vmem>>[vector<16xi32>], vector<16xi32>,
        %gather3A_434 = tpu.vector_load_idx %arg13[%and3A_404] : memref<2048xi32, #tpu.memory_space<vmem>>[vector<16xi32>], vector<16xi32>,
        %gather3A_435 = tpu.vector_load_idx %arg14[%and3A_410] : memref<2048xi32, #tpu.memory_space<vmem>>[vector<16xi32>], vector<16xi32>,
        %gather3A_436 = tpu.vector_load_idx %arg15[%and3A_416] : memref<2048xi32, #tpu.memory_space<vmem>>[vector<16xi32>], vector<16xi32>,
        %add3A_437 = arith.addi %gather3A_433, %unique3A_420 : vector<16xi32>
        %add3A_438 = arith.addi %gather3A_434, %unique3A_424 : vector<16xi32>
        %add3A_439 = arith.addi %gather3A_435, %unique3A_428 : vector<16xi32>
        %add3A_440 = arith.addi %gather3A_436, %unique3A_432 : vector<16xi32>
        tpu.vector_store_idx %arg9[%add3A_437], %get3A_364 : memref<16384xi32, #tpu.memory_space<vmem>>[vector<16xi32>], vector<16xi32>,
        tpu.vector_store_idx %arg9[%add3A_438], %get3A_368 : memref<16384xi32, #tpu.memory_space<vmem>>[vector<16xi32>], vector<16xi32>,
        tpu.vector_store_idx %arg9[%add3A_439], %get3A_372 : memref<16384xi32, #tpu.memory_space<vmem>>[vector<16xi32>], vector<16xi32>,
        tpu.vector_store_idx %arg9[%add3A_440], %get3A_376 : memref<16384xi32, #tpu.memory_space<vmem>>[vector<16xi32>], vector<16xi32>,
        tpu.vector_store_idx %arg11[%add3A_437], %get3A_380 : memref<16384xi32, #tpu.memory_space<vmem>>[vector<16xi32>], vector<16xi32>,
        tpu.vector_store_idx %arg11[%add3A_438], %get3A_384 : memref<16384xi32, #tpu.memory_space<vmem>>[vector<16xi32>], vector<16xi32>,
        tpu.vector_store_idx %arg11[%add3A_439], %get3A_388 : memref<16384xi32, #tpu.memory_space<vmem>>[vector<16xi32>], vector<16xi32>,
        tpu.vector_store_idx %arg11[%add3A_440], %get3A_392 : memref<16384xi32, #tpu.memory_space<vmem>>[vector<16xi32>], vector<16xi32>,
        tpu.vector_store_idx %arg12[%and3A_398], %add3A_437 masked %unique3A_419 : memref<2048xi32, #tpu.memory_space<vmem>>[vector<16xi32>], vector<16xi32>, vector<16xi1>
        tpu.vector_store_idx %arg13[%and3A_404], %add3A_438 masked %unique3A_423 : memref<2048xi32, #tpu.memory_space<vmem>>[vector<16xi32>], vector<16xi32>, vector<16xi1>
        tpu.vector_store_idx %arg14[%and3A_410], %add3A_439 masked %unique3A_427 : memref<2048xi32, #tpu.memory_space<vmem>>[vector<16xi32>], vector<16xi32>, vector<16xi1>
        tpu.vector_store_idx %arg15[%and3A_416], %add3A_440 masked %unique3A_431 : memref<2048xi32, #tpu.memory_space<vmem>>[vector<16xi32>], vector<16xi32>, vector<16xi1>
        %scan3A_441 = arith.constant 0 : i32
        scf.yield %scan3A_441 : i32
      }
      %scan3A_164 = arith.constant 256 : i32
      %add3A_165 = arith.addi %mul3A_4, %scan3A_77 : i32
      %dma_start3A_166 = arith.constant 0 : i32
      %dma_start3A_167 = tpu.memref_slice %arg6[%add3A_165, %dma_start3A_166] : memref<512x16384xi32, #tpu.memory_space<hbm>> -> memref<1x16384xi32, #tpu.memory_space<hbm>>
      %dma_start3A_168 = tpu.memref_squeeze %dma_start3A_167 : memref<1x16384xi32, #tpu.memory_space<hbm>> -> memref<16384xi32, #tpu.memory_space<hbm>>
      %dma_start3A_169 = arith.constant 0 : i32
      %dma_start3A_170 = tpu.memref_slice %arg6[%add3A_165, %dma_start3A_169] : memref<512x16384xi32, #tpu.memory_space<hbm>> -> memref<1x16384xi32, #tpu.memory_space<hbm>>
      %dma_start3A_171 = tpu.memref_squeeze %dma_start3A_170 : memref<1x16384xi32, #tpu.memory_space<hbm>> -> memref<16384xi32, #tpu.memory_space<hbm>>
      tpu.enqueue_dma source(%arg11 : memref<16384xi32, #tpu.memory_space<vmem>>) target(%dma_start3A_171 : memref<16384xi32, #tpu.memory_space<hbm>>) target_semaphore(%arg27 : memref<!tpu.dma_semaphore, #tpu.memory_space<semaphore_mem>>)
      %scan3A_172 = arith.constant 0 : i32
      %scan3A_173 = arith.constant 0 : i32
      %scan3A_174 = arith.constant 64 : i32
      %scan3A_175 = arith.addi %scan3A_173, %scan3A_174 : i32
      %scan3A_176 = arith.constant 1 : i32
      %scan3A_177 = scf.for %scan3A_273 = %scan3A_173 to %scan3A_175 step %scan3A_176 iter_args(%scan3A_274 = %scan3A_172) -> (i32)  : i32 {
        %mul3A_275 = arith.constant 16 : i32
        %mul3A_276 = arith.muli %scan3A_273, %mul3A_275 : i32
        %multiple_of3A_277 = tpu.assume_multiple %mul3A_276, 16 : i32
        %swap3A = arith.index_cast %multiple_of3A_277 : i32 to index
        %swap3A_278 = tpu.vector_load %arg12[%swap3A] {strides = array<i32>} : memref<2048xi32, #tpu.memory_space<vmem>>, vector<16xi32>,
        tpu.vector_store %arg12[%swap3A], %broadcast_in_dim3A_55 {strides = array<i32>} : memref<2048xi32, #tpu.memory_space<vmem>>, vector<16xi32>,
        %swap3A_279 = arith.index_cast %multiple_of3A_277 : i32 to index
        %swap3A_280 = tpu.vector_load %arg13[%swap3A_279] {strides = array<i32>} : memref<2048xi32, #tpu.memory_space<vmem>>, vector<16xi32>,
        tpu.vector_store %arg13[%swap3A_279], %broadcast_in_dim3A_55 {strides = array<i32>} : memref<2048xi32, #tpu.memory_space<vmem>>, vector<16xi32>,
        %swap3A_281 = arith.index_cast %multiple_of3A_277 : i32 to index
        %swap3A_282 = tpu.vector_load %arg14[%swap3A_281] {strides = array<i32>} : memref<2048xi32, #tpu.memory_space<vmem>>, vector<16xi32>,
        tpu.vector_store %arg14[%swap3A_281], %broadcast_in_dim3A_55 {strides = array<i32>} : memref<2048xi32, #tpu.memory_space<vmem>>, vector<16xi32>,
        %swap3A_283 = arith.index_cast %multiple_of3A_277 : i32 to index
        %swap3A_284 = tpu.vector_load %arg15[%swap3A_283] {strides = array<i32>} : memref<2048xi32, #tpu.memory_space<vmem>>, vector<16xi32>,
        tpu.vector_store %arg15[%swap3A_283], %broadcast_in_dim3A_55 {strides = array<i32>} : memref<2048xi32, #tpu.memory_space<vmem>>, vector<16xi32>,
        %scan3A_285 = arith.constant 0 : i32
        scf.yield %scan3A_285 : i32
      }
      %scan3A_178 = arith.constant 64 : i32
      %dma_wait3A = tpu.memref_slice %arg7[%multiple_of3A] : memref<32768xf32, #tpu.memory_space<vmem>> -> memref<16384xf32, #tpu.memory_space<vmem>>
      %dma_wait3A_179 = arith.constant 0 : i32
      %dma_wait3A_180 = tpu.memref_slice %arg2[%add3A_88, %dma_wait3A_179] : memref<512x16384xf32, #tpu.memory_space<hbm>> -> memref<1x16384xf32, #tpu.memory_space<hbm>>
      %dma_wait3A_181 = tpu.memref_squeeze %dma_wait3A_180 : memref<1x16384xf32, #tpu.memory_space<hbm>> -> memref<16384xf32, #tpu.memory_space<hbm>>
      %dma_wait3A_182 = tpu.memref_slice %arg7[%multiple_of3A] : memref<32768xf32, #tpu.memory_space<vmem>> -> memref<16384xf32, #tpu.memory_space<vmem>>
      %dma_wait3A_183 = arith.constant 0 : i32
      %dma_wait3A_184 = tpu.memref_slice %arg2[%add3A_88, %dma_wait3A_183] : memref<512x16384xf32, #tpu.memory_space<hbm>> -> memref<1x16384xf32, #tpu.memory_space<hbm>>
      %dma_wait3A_185 = tpu.memref_squeeze %dma_wait3A_184 : memref<1x16384xf32, #tpu.memory_space<hbm>> -> memref<16384xf32, #tpu.memory_space<hbm>>
      tpu.wait_dma2 semaphore(%arg26 : memref<!tpu.dma_semaphore, #tpu.memory_space<semaphore_mem>>) src(%dma_wait3A_185 : memref<16384xf32, #tpu.memory_space<hbm>>) dst(%dma_wait3A_182 : memref<16384xf32, #tpu.memory_space<vmem>>)
      %mul3A_186 = arith.constant 4 : i32
      %mul3A_187 = arith.muli %mul3A_186, %scan3A_77 : i32
      %add3A_188 = arith.constant 0 : i32
      %add3A_189 = arith.addi %mul3A_187, %add3A_188 : i32
      %mul3A_190 = arith.constant 22 : i32
      %mul3A_191 = arith.muli %add3A_189, %mul3A_190 : i32
      %mul3A_192 = arith.constant 4 : i32
      %mul3A_193 = arith.muli %mul3A_192, %scan3A_77 : i32
      %add3A_194 = arith.constant 1 : i32
      %add3A_195 = arith.addi %mul3A_193, %add3A_194 : i32
      %mul3A_196 = arith.constant 22 : i32
      %mul3A_197 = arith.muli %add3A_195, %mul3A_196 : i32
      %mul3A_198 = arith.constant 4 : i32
      %mul3A_199 = arith.muli %mul3A_198, %scan3A_77 : i32
      %add3A_200 = arith.constant 2 : i32
      %add3A_201 = arith.addi %mul3A_199, %add3A_200 : i32
      %mul3A_202 = arith.constant 22 : i32
      %mul3A_203 = arith.muli %add3A_201, %mul3A_202 : i32
      %mul3A_204 = arith.constant 4 : i32
      %mul3A_205 = arith.muli %mul3A_204, %scan3A_77 : i32
      %add3A_206 = arith.constant 3 : i32
      %add3A_207 = arith.addi %mul3A_205, %add3A_206 : i32
      %mul3A_208 = arith.constant 22 : i32
      %mul3A_209 = arith.muli %add3A_207, %mul3A_208 : i32
      %broadcast_in_dim3A_210 = arith.constant 0.000000e+00 : f32
      %broadcast_in_dim3A_211 = vector.broadcast %broadcast_in_dim3A_210 : f32 to vector<16xf32>
      %broadcast_in_dim3A_212 = arith.constant 0.000000e+00 : f32
      %broadcast_in_dim3A_213 = vector.broadcast %broadcast_in_dim3A_212 : f32 to vector<16xf32>
      %broadcast_in_dim3A_214 = arith.constant 0.000000e+00 : f32
      %broadcast_in_dim3A_215 = vector.broadcast %broadcast_in_dim3A_214 : f32 to vector<16xf32>
      %broadcast_in_dim3A_216 = arith.constant 0.000000e+00 : f32
      %broadcast_in_dim3A_217 = vector.broadcast %broadcast_in_dim3A_216 : f32 to vector<16xf32>
      %scan3A_218 = arith.constant 0 : i32
      %scan3A_219 = arith.constant 256 : i32
      %scan3A_220 = arith.addi %scan3A_218, %scan3A_219 : i32
      %scan3A_221 = arith.constant 1 : i32
      %scan3A_222:4 = scf.for %scan3A_273 = %scan3A_218 to %scan3A_220 step %scan3A_221 iter_args(%scan3A_274 = %broadcast_in_dim3A_211, %scan3A_275 = %broadcast_in_dim3A_213, %scan3A_276 = %broadcast_in_dim3A_215, %scan3A_277 = %broadcast_in_dim3A_217) -> (vector<16xf32>, vector<16xf32>, vector<16xf32>, vector<16xf32>)  : i32 {
        %mul3A_278 = arith.constant 16 : i32
        %mul3A_279 = arith.muli %scan3A_273, %mul3A_278 : i32
        %multiple_of3A_280 = tpu.assume_multiple %mul3A_279, 16 : i32
        %add3A_281 = arith.constant 0 : i32
        %add3A_282 = arith.addi %multiple_of3A_280, %add3A_281 : i32
        %get3A_283 = arith.index_cast %add3A_282 : i32 to index
        %get3A_284 = tpu.vector_load %arg9[%get3A_283] {strides = array<i32>} : memref<16384xi32, #tpu.memory_space<vmem>>, vector<16xi32>,
        %add3A_285 = arith.constant 4096 : i32
        %add3A_286 = arith.addi %multiple_of3A_280, %add3A_285 : i32
        %get3A_287 = arith.index_cast %add3A_286 : i32 to index
        %get3A_288 = tpu.vector_load %arg9[%get3A_287] {strides = array<i32>} : memref<16384xi32, #tpu.memory_space<vmem>>, vector<16xi32>,
        %add3A_289 = arith.constant 8192 : i32
        %add3A_290 = arith.addi %multiple_of3A_280, %add3A_289 : i32
        %get3A_291 = arith.index_cast %add3A_290 : i32 to index
        %get3A_292 = tpu.vector_load %arg9[%get3A_291] {strides = array<i32>} : memref<16384xi32, #tpu.memory_space<vmem>>, vector<16xi32>,
        %add3A_293 = arith.constant 12288 : i32
        %add3A_294 = arith.addi %multiple_of3A_280, %add3A_293 : i32
        %get3A_295 = arith.index_cast %add3A_294 : i32 to index
        %get3A_296 = tpu.vector_load %arg9[%get3A_295] {strides = array<i32>} : memref<16384xi32, #tpu.memory_space<vmem>>, vector<16xi32>,
        %get3A_297 = arith.index_cast %multiple_of3A_280 : i32 to index
        %get3A_298 = tpu.vector_load %arg22[%get3A_297] {strides = array<i32>} : memref<4096xi32, #tpu.memory_space<vmem>>, vector<16xi32>,
        %get3A_299 = arith.index_cast %multiple_of3A_280 : i32 to index
        %get3A_300 = tpu.vector_load %arg23[%get3A_299] {strides = array<i32>} : memref<4096xf32, #tpu.memory_space<vmem>>, vector<16xf32>,
        %get3A_301 = arith.index_cast %multiple_of3A_280 : i32 to index
        %get3A_302 = tpu.vector_load %arg24[%get3A_301] {strides = array<i32>} : memref<4096xf32, #tpu.memory_space<vmem>>, vector<16xf32>,
        %add3A_303 = arith.constant 1 : i32
        %add3A_304 = vector.broadcast %add3A_303 : i32 to vector<16xi32>
        %add3A_305 = arith.addi %get3A_298, %add3A_304 : vector<16xi32>
        %shift_right_arithmetic3A = arith.constant 31 : i32
        %shift_right_arithmetic3A_306 = vector.broadcast %shift_right_arithmetic3A : i32 to vector<16xi32>
        %shift_right_arithmetic3A_307 = arith.shrsi %get3A_284, %shift_right_arithmetic3A_306 : vector<16xi32>
        %not3A = arith.constant dense<-1> : vector<16xi32>
        %not3A_308 = arith.xori %shift_right_arithmetic3A_307, %not3A : vector<16xi32>
        %and3A_309 = arith.constant 2147483647 : i32
        %and3A_310 = vector.broadcast %and3A_309 : i32 to vector<16xi32>
        %and3A_311 = arith.andi %not3A_308, %and3A_310 : vector<16xi32>
        %xor3A = arith.xori %get3A_284, %and3A_311 : vector<16xi32>
        %bitcast3A = vector.bitcast %xor3A : vector<16xi32> to vector<16xf32>
        %shift_right_arithmetic3A_312 = arith.constant 31 : i32
        %shift_right_arithmetic3A_313 = vector.broadcast %shift_right_arithmetic3A_312 : i32 to vector<16xi32>
        %shift_right_arithmetic3A_314 = arith.shrsi %get3A_288, %shift_right_arithmetic3A_313 : vector<16xi32>
        %not3A_315 = arith.constant dense<-1> : vector<16xi32>
        %not3A_316 = arith.xori %shift_right_arithmetic3A_314, %not3A_315 : vector<16xi32>
        %and3A_317 = arith.constant 2147483647 : i32
        %and3A_318 = vector.broadcast %and3A_317 : i32 to vector<16xi32>
        %and3A_319 = arith.andi %not3A_316, %and3A_318 : vector<16xi32>
        %xor3A_320 = arith.xori %get3A_288, %and3A_319 : vector<16xi32>
        %bitcast3A_321 = vector.bitcast %xor3A_320 : vector<16xi32> to vector<16xf32>
        %shift_right_arithmetic3A_322 = arith.constant 31 : i32
        %shift_right_arithmetic3A_323 = vector.broadcast %shift_right_arithmetic3A_322 : i32 to vector<16xi32>
        %shift_right_arithmetic3A_324 = arith.shrsi %get3A_292, %shift_right_arithmetic3A_323 : vector<16xi32>
        %not3A_325 = arith.constant dense<-1> : vector<16xi32>
        %not3A_326 = arith.xori %shift_right_arithmetic3A_324, %not3A_325 : vector<16xi32>
        %and3A_327 = arith.constant 2147483647 : i32
        %and3A_328 = vector.broadcast %and3A_327 : i32 to vector<16xi32>
        %and3A_329 = arith.andi %not3A_326, %and3A_328 : vector<16xi32>
        %xor3A_330 = arith.xori %get3A_292, %and3A_329 : vector<16xi32>
        %bitcast3A_331 = vector.bitcast %xor3A_330 : vector<16xi32> to vector<16xf32>
        %shift_right_arithmetic3A_332 = arith.constant 31 : i32
        %shift_right_arithmetic3A_333 = vector.broadcast %shift_right_arithmetic3A_332 : i32 to vector<16xi32>
        %shift_right_arithmetic3A_334 = arith.shrsi %get3A_296, %shift_right_arithmetic3A_333 : vector<16xi32>
        %not3A_335 = arith.constant dense<-1> : vector<16xi32>
        %not3A_336 = arith.xori %shift_right_arithmetic3A_334, %not3A_335 : vector<16xi32>
        %and3A_337 = arith.constant 2147483647 : i32
        %and3A_338 = vector.broadcast %and3A_337 : i32 to vector<16xi32>
        %and3A_339 = arith.andi %not3A_336, %and3A_338 : vector<16xi32>
        %xor3A_340 = arith.xori %get3A_296, %and3A_339 : vector<16xi32>
        %bitcast3A_341 = vector.bitcast %xor3A_340 : vector<16xi32> to vector<16xf32>
        %add3A_342 = vector.broadcast %mul3A_191 : i32 to vector<16xi32>
        %add3A_343 = arith.addi %get3A_298, %add3A_342 : vector<16xi32>
        %gather3A = tpu.vector_load_idx %arg20[%add3A_343] : memref<1408xf32, #tpu.memory_space<vmem>>[vector<16xi32>], vector<16xf32>,
        %add3A_344 = vector.broadcast %mul3A_197 : i32 to vector<16xi32>
        %add3A_345 = arith.addi %get3A_298, %add3A_344 : vector<16xi32>
        %gather3A_346 = tpu.vector_load_idx %arg20[%add3A_345] : memref<1408xf32, #tpu.memory_space<vmem>>[vector<16xi32>], vector<16xf32>,
        %add3A_347 = vector.broadcast %mul3A_203 : i32 to vector<16xi32>
        %add3A_348 = arith.addi %get3A_298, %add3A_347 : vector<16xi32>
        %gather3A_349 = tpu.vector_load_idx %arg20[%add3A_348] : memref<1408xf32, #tpu.memory_space<vmem>>[vector<16xi32>], vector<16xf32>,
        %add3A_350 = vector.broadcast %mul3A_209 : i32 to vector<16xi32>
        %add3A_351 = arith.addi %get3A_298, %add3A_350 : vector<16xi32>
        %gather3A_352 = tpu.vector_load_idx %arg20[%add3A_351] : memref<1408xf32, #tpu.memory_space<vmem>>[vector<16xi32>], vector<16xf32>,
        %add3A_353 = vector.broadcast %mul3A_191 : i32 to vector<16xi32>
        %add3A_354 = arith.addi %add3A_305, %add3A_353 : vector<16xi32>
        %gather3A_355 = tpu.vector_load_idx %arg20[%add3A_354] : memref<1408xf32, #tpu.memory_space<vmem>>[vector<16xi32>], vector<16xf32>,
        %add3A_356 = vector.broadcast %mul3A_197 : i32 to vector<16xi32>
        %add3A_357 = arith.addi %add3A_305, %add3A_356 : vector<16xi32>
        %gather3A_358 = tpu.vector_load_idx %arg20[%add3A_357] : memref<1408xf32, #tpu.memory_space<vmem>>[vector<16xi32>], vector<16xf32>,
        %add3A_359 = vector.broadcast %mul3A_203 : i32 to vector<16xi32>
        %add3A_360 = arith.addi %add3A_305, %add3A_359 : vector<16xi32>
        %gather3A_361 = tpu.vector_load_idx %arg20[%add3A_360] : memref<1408xf32, #tpu.memory_space<vmem>>[vector<16xi32>], vector<16xf32>,
        %add3A_362 = vector.broadcast %mul3A_209 : i32 to vector<16xi32>
        %add3A_363 = arith.addi %add3A_305, %add3A_362 : vector<16xi32>
        %gather3A_364 = tpu.vector_load_idx %arg20[%add3A_363] : memref<1408xf32, #tpu.memory_space<vmem>>[vector<16xi32>], vector<16xf32>,
        %mul3A_365 = arith.constant 16 : i32
        %mul3A_366 = arith.muli %scan3A_273, %mul3A_365 : i32
        %multiple_of3A_367 = tpu.assume_multiple %mul3A_366, 16 : i32
        %add3A_368 = arith.addi %mul3A_87, %multiple_of3A_367 : i32
        %add3A_369 = arith.constant 0 : i32
        %add3A_370 = arith.addi %add3A_368, %add3A_369 : i32
        %multiple_of3A_371 = tpu.assume_multiple %add3A_370, 16 : i32
        %get3A_372 = arith.index_cast %multiple_of3A_371 : i32 to index
        %get3A_373 = tpu.vector_load %arg7[%get3A_372] {strides = array<i32>} : memref<32768xf32, #tpu.memory_space<vmem>>, vector<16xf32>,
        %bitcast3A_374 = vector.bitcast %get3A_373 : vector<16xf32> to vector<16xi32>
        %add3A_375 = arith.addi %mul3A_87, %multiple_of3A_367 : i32
        %add3A_376 = arith.constant 4096 : i32
        %add3A_377 = arith.addi %add3A_375, %add3A_376 : i32
        %multiple_of3A_378 = tpu.assume_multiple %add3A_377, 16 : i32
        %get3A_379 = arith.index_cast %multiple_of3A_378 : i32 to index
        %get3A_380 = tpu.vector_load %arg7[%get3A_379] {strides = array<i32>} : memref<32768xf32, #tpu.memory_space<vmem>>, vector<16xf32>,
        %bitcast3A_381 = vector.bitcast %get3A_380 : vector<16xf32> to vector<16xi32>
        %add3A_382 = arith.addi %mul3A_87, %multiple_of3A_367 : i32
        %add3A_383 = arith.constant 8192 : i32
        %add3A_384 = arith.addi %add3A_382, %add3A_383 : i32
        %multiple_of3A_385 = tpu.assume_multiple %add3A_384, 16 : i32
        %get3A_386 = arith.index_cast %multiple_of3A_385 : i32 to index
        %get3A_387 = tpu.vector_load %arg7[%get3A_386] {strides = array<i32>} : memref<32768xf32, #tpu.memory_space<vmem>>, vector<16xf32>,
        %bitcast3A_388 = vector.bitcast %get3A_387 : vector<16xf32> to vector<16xi32>
        %add3A_389 = arith.addi %mul3A_87, %multiple_of3A_367 : i32
        %add3A_390 = arith.constant 12288 : i32
        %add3A_391 = arith.addi %add3A_389, %add3A_390 : i32
        %multiple_of3A_392 = tpu.assume_multiple %add3A_391, 16 : i32
        %get3A_393 = arith.index_cast %multiple_of3A_392 : i32 to index
        %get3A_394 = tpu.vector_load %arg7[%get3A_393] {strides = array<i32>} : memref<32768xf32, #tpu.memory_space<vmem>>, vector<16xf32>,
        %bitcast3A_395 = vector.bitcast %get3A_394 : vector<16xf32> to vector<16xi32>
        %shift_right_arithmetic3A_396 = arith.constant 31 : i32
        %shift_right_arithmetic3A_397 = vector.broadcast %shift_right_arithmetic3A_396 : i32 to vector<16xi32>
        %shift_right_arithmetic3A_398 = arith.shrsi %bitcast3A_374, %shift_right_arithmetic3A_397 : vector<16xi32>
        %not3A_399 = arith.constant dense<-1> : vector<16xi32>
        %not3A_400 = arith.xori %shift_right_arithmetic3A_398, %not3A_399 : vector<16xi32>
        %and3A_401 = arith.constant 2147483647 : i32
        %and3A_402 = vector.broadcast %and3A_401 : i32 to vector<16xi32>
        %and3A_403 = arith.andi %not3A_400, %and3A_402 : vector<16xi32>
        %xor3A_404 = arith.xori %bitcast3A_374, %and3A_403 : vector<16xi32>
        %shift_right_arithmetic3A_405 = arith.constant 31 : i32
        %shift_right_arithmetic3A_406 = vector.broadcast %shift_right_arithmetic3A_405 : i32 to vector<16xi32>
        %shift_right_arithmetic3A_407 = arith.shrsi %bitcast3A_381, %shift_right_arithmetic3A_406 : vector<16xi32>
        %not3A_408 = arith.constant dense<-1> : vector<16xi32>
        %not3A_409 = arith.xori %shift_right_arithmetic3A_407, %not3A_408 : vector<16xi32>
        %and3A_410 = arith.constant 2147483647 : i32
        %and3A_411 = vector.broadcast %and3A_410 : i32 to vector<16xi32>
        %and3A_412 = arith.andi %not3A_409, %and3A_411 : vector<16xi32>
        %xor3A_413 = arith.xori %bitcast3A_381, %and3A_412 : vector<16xi32>
        %shift_right_arithmetic3A_414 = arith.constant 31 : i32
        %shift_right_arithmetic3A_415 = vector.broadcast %shift_right_arithmetic3A_414 : i32 to vector<16xi32>
        %shift_right_arithmetic3A_416 = arith.shrsi %bitcast3A_388, %shift_right_arithmetic3A_415 : vector<16xi32>
        %not3A_417 = arith.constant dense<-1> : vector<16xi32>
        %not3A_418 = arith.xori %shift_right_arithmetic3A_416, %not3A_417 : vector<16xi32>
        %and3A_419 = arith.constant 2147483647 : i32
        %and3A_420 = vector.broadcast %and3A_419 : i32 to vector<16xi32>
        %and3A_421 = arith.andi %not3A_418, %and3A_420 : vector<16xi32>
        %xor3A_422 = arith.xori %bitcast3A_388, %and3A_421 : vector<16xi32>
        %shift_right_arithmetic3A_423 = arith.constant 31 : i32
        %shift_right_arithmetic3A_424 = vector.broadcast %shift_right_arithmetic3A_423 : i32 to vector<16xi32>
        %shift_right_arithmetic3A_425 = arith.shrsi %bitcast3A_395, %shift_right_arithmetic3A_424 : vector<16xi32>
        %not3A_426 = arith.constant dense<-1> : vector<16xi32>
        %not3A_427 = arith.xori %shift_right_arithmetic3A_425, %not3A_426 : vector<16xi32>
        %and3A_428 = arith.constant 2147483647 : i32
        %and3A_429 = vector.broadcast %and3A_428 : i32 to vector<16xi32>
        %and3A_430 = arith.andi %not3A_427, %and3A_429 : vector<16xi32>
        %xor3A_431 = arith.xori %bitcast3A_395, %and3A_430 : vector<16xi32>
        %add3A_432 = arith.constant 0 : i32
        %add3A_433 = arith.addi %multiple_of3A_367, %add3A_432 : i32
        %swap3A = arith.index_cast %add3A_433 : i32 to index
        %swap3A_434 = tpu.vector_load %arg8[%swap3A] {strides = array<i32>} : memref<16384xi32, #tpu.memory_space<vmem>>, vector<16xi32>,
        tpu.vector_store %arg8[%swap3A], %xor3A_404 {strides = array<i32>} : memref<16384xi32, #tpu.memory_space<vmem>>, vector<16xi32>,
        %add3A_435 = arith.constant 4096 : i32
        %add3A_436 = arith.addi %multiple_of3A_367, %add3A_435 : i32
        %swap3A_437 = arith.index_cast %add3A_436 : i32 to index
        %swap3A_438 = tpu.vector_load %arg8[%swap3A_437] {strides = array<i32>} : memref<16384xi32, #tpu.memory_space<vmem>>, vector<16xi32>,
        tpu.vector_store %arg8[%swap3A_437], %xor3A_413 {strides = array<i32>} : memref<16384xi32, #tpu.memory_space<vmem>>, vector<16xi32>,
        %add3A_439 = arith.constant 8192 : i32
        %add3A_440 = arith.addi %multiple_of3A_367, %add3A_439 : i32
        %swap3A_441 = arith.index_cast %add3A_440 : i32 to index
        %swap3A_442 = tpu.vector_load %arg8[%swap3A_441] {strides = array<i32>} : memref<16384xi32, #tpu.memory_space<vmem>>, vector<16xi32>,
        tpu.vector_store %arg8[%swap3A_441], %xor3A_422 {strides = array<i32>} : memref<16384xi32, #tpu.memory_space<vmem>>, vector<16xi32>,
        %add3A_443 = arith.constant 12288 : i32
        %add3A_444 = arith.addi %multiple_of3A_367, %add3A_443 : i32
        %swap3A_445 = arith.index_cast %add3A_444 : i32 to index
        %swap3A_446 = tpu.vector_load %arg8[%swap3A_445] {strides = array<i32>} : memref<16384xi32, #tpu.memory_space<vmem>>, vector<16xi32>,
        tpu.vector_store %arg8[%swap3A_445], %xor3A_431 {strides = array<i32>} : memref<16384xi32, #tpu.memory_space<vmem>>, vector<16xi32>,
        %and3A_447 = arith.constant 2047 : i32
        %and3A_448 = vector.broadcast %and3A_447 : i32 to vector<16xi32>
        %and3A_449 = arith.andi %xor3A_404, %and3A_448 : vector<16xi32>
        %and3A_450 = arith.constant 2047 : i32
        %and3A_451 = vector.broadcast %and3A_450 : i32 to vector<16xi32>
        %and3A_452 = arith.andi %xor3A_413, %and3A_451 : vector<16xi32>
        %and3A_453 = arith.constant 2047 : i32
        %and3A_454 = vector.broadcast %and3A_453 : i32 to vector<16xi32>
        %and3A_455 = arith.andi %xor3A_422, %and3A_454 : vector<16xi32>
        %and3A_456 = arith.constant 2047 : i32
        %and3A_457 = vector.broadcast %and3A_456 : i32 to vector<16xi32>
        %and3A_458 = arith.andi %xor3A_431, %and3A_457 : vector<16xi32>
        %broadcast_in_dim3A_459 = arith.constant 1 : i32
        %broadcast_in_dim3A_460 = vector.broadcast %broadcast_in_dim3A_459 : i32 to vector<16xi32>
        tpu.vector_store_idx %arg12[%and3A_449], %broadcast_in_dim3A_460 {add = true} : memref<2048xi32, #tpu.memory_space<vmem>>[vector<16xi32>], vector<16xi32>,
        tpu.vector_store_idx %arg13[%and3A_452], %broadcast_in_dim3A_460 {add = true} : memref<2048xi32, #tpu.memory_space<vmem>>[vector<16xi32>], vector<16xi32>,
        tpu.vector_store_idx %arg14[%and3A_455], %broadcast_in_dim3A_460 {add = true} : memref<2048xi32, #tpu.memory_space<vmem>>[vector<16xi32>], vector<16xi32>,
        tpu.vector_store_idx %arg15[%and3A_458], %broadcast_in_dim3A_460 {add = true} : memref<2048xi32, #tpu.memory_space<vmem>>[vector<16xi32>], vector<16xi32>,
        %mul3A_461 = arith.mulf %get3A_302, %gather3A : vector<16xf32>
        %mul3A_462 = arith.mulf %get3A_300, %gather3A_355 : vector<16xf32>
        %add3A_463 = arith.addf %mul3A_461, %mul3A_462 : vector<16xf32>
        %mul3A_464 = arith.mulf %bitcast3A, %add3A_463 : vector<16xf32>
        %add3A_465 = arith.addf %scan3A_274, %mul3A_464 : vector<16xf32>
        %mul3A_466 = arith.mulf %get3A_302, %gather3A_346 : vector<16xf32>
        %mul3A_467 = arith.mulf %get3A_300, %gather3A_358 : vector<16xf32>
        %add3A_468 = arith.addf %mul3A_466, %mul3A_467 : vector<16xf32>
        %mul3A_469 = arith.mulf %bitcast3A_321, %add3A_468 : vector<16xf32>
        %add3A_470 = arith.addf %scan3A_275, %mul3A_469 : vector<16xf32>
        %mul3A_471 = arith.mulf %get3A_302, %gather3A_349 : vector<16xf32>
        %mul3A_472 = arith.mulf %get3A_300, %gather3A_361 : vector<16xf32>
        %add3A_473 = arith.addf %mul3A_471, %mul3A_472 : vector<16xf32>
        %mul3A_474 = arith.mulf %bitcast3A_331, %add3A_473 : vector<16xf32>
        %add3A_475 = arith.addf %scan3A_276, %mul3A_474 : vector<16xf32>
        %mul3A_476 = arith.mulf %get3A_302, %gather3A_352 : vector<16xf32>
        %mul3A_477 = arith.mulf %get3A_300, %gather3A_364 : vector<16xf32>
        %add3A_478 = arith.addf %mul3A_476, %mul3A_477 : vector<16xf32>
        %mul3A_479 = arith.mulf %bitcast3A_341, %add3A_478 : vector<16xf32>
        %add3A_480 = arith.addf %scan3A_277, %mul3A_479 : vector<16xf32>
        scf.yield %add3A_465, %add3A_470, %add3A_475, %add3A_480 : vector<16xf32>, vector<16xf32>, vector<16xf32>, vector<16xf32>
      }
      %scan3A_223 = arith.constant 256 : i32
      %reduce_sum3A_224 = arith.constant true
      %reduce_sum3A_225 = vector.broadcast %reduce_sum3A_224 : i1 to vector<16xi1>
      %reduce_sum3A_226 = tpu.scan <sum>, %scan3A_222#0 masked %reduce_sum3A_225 : vector<16xf32>, vector<16xi1> -> vector<16xf32>
      %reduce_sum3A_227 = vector.extract %reduce_sum3A_226[15] : f32 from vector<16xf32>
      %reduce_sum3A_228 = arith.constant true
      %reduce_sum3A_229 = vector.broadcast %reduce_sum3A_228 : i1 to vector<16xi1>
      %reduce_sum3A_230 = tpu.scan <sum>, %scan3A_222#1 masked %reduce_sum3A_229 : vector<16xf32>, vector<16xi1> -> vector<16xf32>
      %reduce_sum3A_231 = vector.extract %reduce_sum3A_230[15] : f32 from vector<16xf32>
      %reduce_sum3A_232 = arith.constant true
      %reduce_sum3A_233 = vector.broadcast %reduce_sum3A_232 : i1 to vector<16xi1>
      %reduce_sum3A_234 = tpu.scan <sum>, %scan3A_222#2 masked %reduce_sum3A_233 : vector<16xf32>, vector<16xi1> -> vector<16xf32>
      %reduce_sum3A_235 = vector.extract %reduce_sum3A_234[15] : f32 from vector<16xf32>
      %reduce_sum3A_236 = arith.constant true
      %reduce_sum3A_237 = vector.broadcast %reduce_sum3A_236 : i1 to vector<16xi1>
      %reduce_sum3A_238 = tpu.scan <sum>, %scan3A_222#3 masked %reduce_sum3A_237 : vector<16xf32>, vector<16xi1> -> vector<16xf32>
      %reduce_sum3A_239 = vector.extract %reduce_sum3A_238[15] : f32 from vector<16xf32>
      %eq3A_240 = arith.constant 2 : i32
      %eq3A_241 = vector.broadcast %eq3A_240 : i32 to vector<16xi32>
      %eq3A_242 = arith.cmpi eq, %iota3A, %eq3A_241 : vector<16xi32>
      %broadcast_in_dim3A_243 = vector.broadcast %reduce_sum3A_235 : f32 to vector<16xf32>
      %broadcast_in_dim3A_244 = vector.broadcast %reduce_sum3A_239 : f32 to vector<16xf32>
      %select_n3A_245 = arith.select %eq3A_242, %broadcast_in_dim3A_243, %broadcast_in_dim3A_244 : vector<16xi1>, vector<16xf32>
      %eq3A_246 = arith.constant 1 : i32
      %eq3A_247 = vector.broadcast %eq3A_246 : i32 to vector<16xi32>
      %eq3A_248 = arith.cmpi eq, %iota3A, %eq3A_247 : vector<16xi32>
      %broadcast_in_dim3A_249 = vector.broadcast %reduce_sum3A_231 : f32 to vector<16xf32>
      %select_n3A_250 = arith.select %eq3A_248, %broadcast_in_dim3A_249, %select_n3A_245 : vector<16xi1>, vector<16xf32>
      %eq3A_251 = arith.constant 0 : i32
      %eq3A_252 = vector.broadcast %eq3A_251 : i32 to vector<16xi32>
      %eq3A_253 = arith.cmpi eq, %iota3A, %eq3A_252 : vector<16xi32>
      %broadcast_in_dim3A_254 = vector.broadcast %reduce_sum3A_227 : f32 to vector<16xf32>
      %select_n3A_255 = arith.select %eq3A_253, %broadcast_in_dim3A_254, %select_n3A_250 : vector<16xi1>, vector<16xf32>
      %min3A_256 = arith.constant 3 : i32
      %min3A_257 = vector.broadcast %min3A_256 : i32 to vector<16xi32>
      %min3A_258 = arith.minsi %iota3A, %min3A_257 : vector<16xi32>
      %mul3A_259 = arith.constant 4 : i32
      %mul3A_260 = arith.muli %mul3A_259, %scan3A_77 : i32
      %add3A_261 = vector.broadcast %mul3A_260 : i32 to vector<16xi32>
      %add3A_262 = arith.addi %min3A_258, %add3A_261 : vector<16xi32>
      %lt3A_263 = arith.constant 4 : i32
      %lt3A_264 = vector.broadcast %lt3A_263 : i32 to vector<16xi32>
      %lt3A_265 = arith.cmpi slt, %iota3A, %lt3A_264 : vector<16xi32>
      tpu.vector_store_idx %arg25[%add3A_262], %select_n3A_255 masked %lt3A_265 : memref<64xf32, #tpu.memory_space<vmem>>[vector<16xi32>], vector<16xf32>, vector<16xi1>
      %dma_wait3A_266 = arith.constant 0 : i32
      %dma_wait3A_267 = tpu.memref_slice %arg6[%add3A_165, %dma_wait3A_266] : memref<512x16384xi32, #tpu.memory_space<hbm>> -> memref<1x16384xi32, #tpu.memory_space<hbm>>
      %dma_wait3A_268 = tpu.memref_squeeze %dma_wait3A_267 : memref<1x16384xi32, #tpu.memory_space<hbm>> -> memref<16384xi32, #tpu.memory_space<hbm>>
      %dma_wait3A_269 = arith.constant 0 : i32
      %dma_wait3A_270 = tpu.memref_slice %arg6[%add3A_165, %dma_wait3A_269] : memref<512x16384xi32, #tpu.memory_space<hbm>> -> memref<1x16384xi32, #tpu.memory_space<hbm>>
      %dma_wait3A_271 = tpu.memref_squeeze %dma_wait3A_270 : memref<1x16384xi32, #tpu.memory_space<hbm>> -> memref<16384xi32, #tpu.memory_space<hbm>>
      tpu.wait_dma2 semaphore(%arg27 : memref<!tpu.dma_semaphore, #tpu.memory_space<semaphore_mem>>) src(%arg11 : memref<16384xi32, #tpu.memory_space<vmem>>) dst(%dma_wait3A_271 : memref<16384xi32, #tpu.memory_space<hbm>>)
      %scan3A_272 = arith.constant 0 : i32
      scf.yield %scan3A_272 : i32
    }
    %scan3A_76 = arith.constant 16 : i32
    "tpu.region"() ({
      %run_scoped3A = tpu.sem_alloc : memref<!tpu.dma_semaphore, #tpu.memory_space<semaphore_mem>>
      %dma_start3A = tpu.memref_slice %arg5[%mul3A_2] : memref<2048xf32, #tpu.memory_space<hbm>> -> memref<64xf32, #tpu.memory_space<hbm>>
      %dma_start3A_77 = tpu.memref_slice %arg5[%mul3A_2] : memref<2048xf32, #tpu.memory_space<hbm>> -> memref<64xf32, #tpu.memory_space<hbm>>
      tpu.enqueue_dma source(%arg25 : memref<64xf32, #tpu.memory_space<vmem>>) target(%dma_start3A_77 : memref<64xf32, #tpu.memory_space<hbm>>) target_semaphore(%run_scoped3A : memref<!tpu.dma_semaphore, #tpu.memory_space<semaphore_mem>>)
      %dma_wait3A = tpu.memref_slice %arg5[%mul3A_2] : memref<2048xf32, #tpu.memory_space<hbm>> -> memref<64xf32, #tpu.memory_space<hbm>>
      %dma_wait3A_78 = tpu.memref_slice %arg5[%mul3A_2] : memref<2048xf32, #tpu.memory_space<hbm>> -> memref<64xf32, #tpu.memory_space<hbm>>
      tpu.wait_dma2 semaphore(%run_scoped3A : memref<!tpu.dma_semaphore, #tpu.memory_space<semaphore_mem>>) src(%arg25 : memref<64xf32, #tpu.memory_space<vmem>>) dst(%dma_wait3A_78 : memref<64xf32, #tpu.memory_space<hbm>>)
      tpu.yield
    }) : () -> ()
    return
  }
}

</mosaic_0001>

<sc_bundles>
// kernel: _fspool_sc.3.cloned.1.call-start
scs
__scs_entry_jumppad:
0x0: {  	(pc) =	sbr.rel $0x88, $3  }
0x1: {  	(tag) =	ssettag $0x0;
	lr =	simm.s32 $0x1  }
0x2: {  	[smem:$0x3F9E] =	sst lr;
	_ =	strace $0xD0000000  }
0x3: {  	_ = 	snop  }
0x4: {  	_ = 	snop  }
0x5: {  	_ = 	snop  }
0x6: {  	_ = 	snop  }
0x7: {  	_ = 	snop  }
__scs_overlays_trampoline_lowered:
0x8: {  	[smem:$0x3FAD] =	sst s0  }
0x9: {  	[smem:$0x3FAE] =	sst s1  }
0xa: {  	[smem:$0x3FAF] =	sst s2  }
0xb: {  	[smem:$0x3FB0] =	sst s3  }
0xc: {  	[smem:$0x3FB1] =	sst s4  }
0xd: {  	[smem:$0x3FB2] =	sst s5  }
0xe: {  	[smem:$0x3FB3] =	sst s6  }
0xf: {  	[smem:$0x3FB4] =	sst s7  }
0x10: {  	[smem:$0x3FB5] =	sst s8  }
0x11: {  	[smem:$0x3FB6] =	sst s9;
	s0 =	simm.s32 @!p0 $0x0  }
0x12: {  	s1 =	sld [smem:$0x3F9C];
	s0 =	simm.s32 @p0 $0x1  }
0x13: {  	[smem:$0x3FB7] =	sst s0;
	s0 =	simm.s32 @!p1 $0x0  }
0x14: {  	s2 =	sld [smem:$0x3F9B];
	s0 =	simm.s32 @p1 $0x1  }
0x15: {  	[smem:$0x3FB8] =	sst s0;
	s0 =	simm.s32 @!p2 $0x0  }
0x16: {  	s3 =	sld [smem:$0x3FDB];
	s0 =	simm.s32 @p2 $0x1  }
0x17: {  	s4 =	simm.s32 $0x1BF5;
	[smem:$0x3FBA] =	sst s0  }
0x18: {  	s0 =	sld [smem:$0x3F9D];
	_ =	swait.ge [sflag:s4], $0x0  }
0x19: {  	s7 =	sld [smem:$0x3F9E]  }
0x1a: {  	s8 =	sadd.s32 $0xFFFFE003, lr  }
0x1b: {  	s9 =	sadd.s32 $0xFFFFFEF7, lr;
	s5 =	simm.s32 $0xFFFFFFFF;
	p2 =	slt.u32 s8, $0xFFFFF086  }
0x1c: {  	p1 =	slt.u32 s9, $0xF7A;
	s5 =	simm.s32 @!p2 $0x0  }
0x1d: {  	s5 =	simm.s32 @p1 $0x1;
	p0 =	seq.s32 s7, s2  }
0x1e: {  	s7 =	smul.u32 @!p0 $0xF7A, s2;
	p2 =	seq.s32 @!p0 s5, $0x0  }
0x1f: {  	s9 =	smul.u32 $0xF7A, s1;
	s8 =	simm.s32 @!p0 $0x1BF5;
	p2 =	por !p2, p0  }
0x20: {  	[sflag:s8] =	ssyncset.s32 @!p0 $0xFFFFF086;
	s6 =	sadd.s32 @!p0 s3, s7;
	s7 =	simm.s32 @!p0 $0x108  }
0x21: {  	s3 =	sadd.s32 s3, s9;
	s6 =	sadd.s32 @!p0 $0x88, s6;
	s7 =	simm.s32 @p2 $0x1082  }
0x22: {  	[simem:s7], [sflag:s8] =	dma.local @!p0 [hbm:s6], $0xF7A  }
0x23: {  	s9 =	sor.u32 $0xD0000000, s2;
	s6 =	simm.s32 $0x108;
	_ =	swait.ge @!p0 [sflag:s8], $0x0  }
0x24: {  	s3 =	sadd.s32 $0x88, s3;
	s6 =	simm.s32 @!p1 $0x1082;
	[sflag:s4] =	ssyncset.s32 $0xFFFFF086  }
0x25: {  	[simem:s6], [sflag:s4] =	dma.local [hbm:s3], $0xF7A  }
0x26: {  	[smem:$0x3F9E] =	sst s1;
	(tag) =	ssettag s2;
	_ =	strace s9  }
0x27: {  	s1 =	sld [smem:$0x3FAE]  }
0x28: {  	s2 =	sld [smem:$0x3FAF]  }
0x29: {  	s4 =	sld [smem:$0x3FB1]  }
0x2a: {  	p0 =	seq.s32 s5, $0x0;
	s5 =	sld [smem:$0x3FB2]  }
0x2b: {  	s6 =	sld [smem:$0x3FB3]  }
0x2c: {  	s7 =	sld [smem:$0x3FB4]  }
0x2d: {  	s3 =	simm.s32 $0x108;
	s8 =	sld [smem:$0x3FB5]  }
0x2e: {  	s3 =	simm.s32 @!p0 $0x1082;
	s9 =	sld [smem:$0x3FB6]  }
0x2f: {  	lr =	sadd.s32 s0, s3;
	s0 =	sld [smem:$0x3FAD]  }
0x30: {  	s3 =	sld [smem:$0x3FB0]  }
0x31: {  	[smem:$0x3FB9] =	sst s10  }
0x32: {  	s10 =	sld [smem:$0x3FB7];
	_ =	sdelay $0x3  }
0x33: {  	p0 =	seq.s32 s10, $0x1;
	s10 =	sld [smem:$0x3FB9];
	_ =	sdelay $0x3  }
0x34: {  	[smem:$0x3FB9] =	sst s10  }
0x35: {  	s10 =	sld [smem:$0x3FB8];
	_ =	sdelay $0x3  }
0x36: {  	p1 =	seq.s32 s10, $0x1;
	s10 =	sld [smem:$0x3FB9];
	_ =	sdelay $0x3  }
0x37: {  	[smem:$0x3FB9] =	sst s10  }
0x38: {  	s10 =	sld [smem:$0x3FBA]  }
0x39: {  	_ = 	snop;
	(pc) =	sbr.ind lr, $3  }
0x3a: {  	_ = 	snop  }
0x3b: {  	_ = 	snop  }
0x3c: {  	p2 =	seq.s32 s10, $0x1;
	s10 =	sld [smem:$0x3FB9]  }
0x3d: {  	_ =	shalt  }
0x3e: {  	_ =	shalt  }
0x3f: {  	_ =	shalt  }
0x40: {  	_ =	shalt  }
0x41: {  	_ =	shalt  }
0x42: {  	_ =	shalt  }
0x43: {  	_ =	shalt  }
0x44: {  	_ =	shalt  }
0x45: {  	_ =	shalt  }
0x46: {  	_ =	shalt  }
0x47: {  	_ =	shalt  }
0x48: {  	_ =	shalt  }
0x49: {  	_ =	shalt  }
0x4a: {  	_ =	shalt  }
0x4b: {  	_ =	shalt  }
0x4c: {  	_ =	shalt  }
0x4d: {  	_ =	shalt  }
0x4e: {  	_ =	shalt  }
0x4f: {  	_ =	shalt  }
0x50: {  	_ =	shalt  }
0x51: {  	_ =	shalt  }
0x52: {  	_ =	shalt  }
0x53: {  	_ =	shalt  }
0x54: {  	_ =	shalt  }
0x55: {  	_ =	shalt  }
0x56: {  	_ =	shalt  }
0x57: {  	_ =	shalt  }
0x58: {  	_ =	shalt  }
0x59: {  	_ =	shalt  }
0x5a: {  	_ =	shalt  }
0x5b: {  	_ =	shalt  }
0x5c: {  	_ =	shalt  }
0x5d: {  	_ =	shalt  }
0x5e: {  	_ =	shalt  }
0x5f: {  	_ =	shalt  }
0x60: {  	_ =	shalt  }
0x61: {  	_ =	shalt  }
0x62: {  	_ =	shalt  }
0x63: {  	_ =	shalt  }
0x64: {  	_ =	shalt  }
0x65: {  	_ =	shalt  }
0x66: {  	_ =	shalt  }
0x67: {  	_ =	shalt  }
0x68: {  	_ =	shalt  }
0x69: {  	_ =	shalt  }
0x6a: {  	_ =	shalt  }
0x6b: {  	_ =	shalt  }
0x6c: {  	_ =	shalt  }
0x6d: {  	_ =	shalt  }
0x6e: {  	_ =	shalt  }
0x6f: {  	_ =	shalt  }
0x70: {  	_ =	shalt  }
0x71: {  	_ =	shalt  }
0x72: {  	_ =	shalt  }
0x73: {  	_ =	shalt  }
0x74: {  	_ =	shalt  }
0x75: {  	_ =	shalt  }
0x76: {  	_ =	shalt  }
0x77: {  	_ =	shalt  }
0x78: {  	_ =	shalt  }
0x79: {  	_ =	shalt  }
0x7a: {  	_ =	shalt  }
0x7b: {  	_ =	shalt  }
0x7c: {  	_ =	shalt  }
0x7d: {  	_ =	shalt  }
0x7e: {  	_ =	shalt  }
0x7f: {  	_ =	shalt  }
0x80: {  	_ =	shalt  }
0x81: {  	_ =	shalt  }
0x82: {  	_ =	shalt  }
0x83: {  	_ =	shalt  }
0x84: {  	_ =	shalt  }
0x85: {  	_ =	shalt  }
0x86: {  	_ =	shalt  }
0x87: {  	_ =	shalt  }
.Lfunc_end0:
.L_simem_size_0:
called_computation_lowered:
.L_overlay_start_0:
0x88: {  	s2 =	sld [smem:$0x3FD9]  }
0x89: {  	s3 =	sld [smem:$0x3FFE];
	_ =	sdelay $0x1  }
0x8a: {  	s1 =	srdreg.scid  }
0x8b: {  	s0 =	sand.u32 $0x1, s1  }
0x8c: {  	s15 =	sshll.u32 s0, $0xA;
	s2 =	sadd.s32 s3, s2  }
0x8d: {  	s2 =	sadd.s32 s2, s15  }
0x8e: {  	[smem:$0x3FC5] =	sst s2  }
0x8f: {  	_ = 	snop  }
0x90: {  	s2 =	sld [smem:$0x3FD0]  }
0x91: {  	s16 =	sld [smem:$0x3FC9]  }
0x92: {  	s4 =	sld [smem:$0x3FC8]  }
0x93: {  	s6 =	simm.s32 $0xA;
	s7 =	simm.s32 $0x10;
	s5 =	sld [smem:$0x3FC7]  }
0x94: {  	[smem:s7], [sflag:s6] =	dma.local [hbm:s2], $0x1  }
0x95: {  	_ =	swait.eq [sflag:s6], $0x1  }
0x96: {  	[sflag:s6] =	ssyncset.done $0x0  }
0x97: {  	s17 =	sld [smem:$0x10];
	[sflag:s6] =	ssyncadd.s32 $0xFFFFFFFF  }
0x98: {  	s18 =	sld [smem:$0x11];
	(tm) =	ssettm $0x1  }
0x99: {  	s19 =	sld [smem:$0x3FFB];
	_ =	sdelay $0x3  }
0x9a: {  	_ =	strace s19  }
0x9b: {  	s7 =	sld [smem:$0x3FFC];
	_ =	sdelay $0x3  }
0x9c: {  	_ =	strace s7  }
0x9d: {  	s7 =	sld [smem:$0x3FFD];
	_ =	sdelay $0x3  }
0x9e: {  	_ =	strace s7  }
0x9f: {  	_ =	strace $0x8FFFFFFF  }
0xa0: {  	s20 =	sld [smem:$0x3FDB];
	_ =	sdelay $0x1  }
0xa1: {  	s8 =	simm.s32 $_scs_section_size  }
0xa2: {  	s9 =	simm.s32 $_size__tile_overlayer_lowered;
	s10 =	simm.s32 $_tile_overlayer_lowered  }
0xa3: {  	s23 =	simm.s32 $0x1BFF;
	s22 =	sshll.u32 s10, $0x1;
	s7 =	sadd.s32 s8, s20  }
0xa4: {  	s11 =	simm.s32 $0x0;
	s21 =	sshll.u32 s9, $0x1;
	s9 =	sadd.s32 s22, s7  }
0xa5: {  	[timem:s11], [sflag:s23] =	dma.local [hbm:s9], s21  }
0xa6: {  	_ =	swait.ge [sflag:s23], s21  }
0xa7: {  	s8 =	ssub.s32 $0x0, s21;
	[sflag:s23] =	ssyncset.done $0x0  }
0xa8: {  	[sflag:s23] =	ssyncadd.s32 s8;
	_ =	sdelay $0x1  }
0xa9: {  	s24 =	simm.s32 $0x1B8B  }
0xaa: {  	_ =	swait.ge [sflag:s24], $0x1  }
0xab: {  	[sflag:s24] =	ssyncset.done $0x0  }
0xac: {  	s25 =	simm.s32 $0x1B8E;
	[sflag:s24] =	ssyncadd.s32 $0xFFFFFFFF  }
0xad: {  	s26 =	simm.s32 $execute0_lowered;
	[smem:$0x3FD2] =	sst s25  }
0xae: {  	s8 =	sshll.u32 s26, $0x1;
	_ =	strace $0x80000046;
	[dreg:$0x1] =	wrdreg $0xFFFFFFFF  }
0xaf: {  	s28 =	simm.s32 $_size_execute0_lowered;
	s7 =	sadd.s32 s7, s8;
	[dreg:$0x0] =	wrdreg $0x0  }
0xb0: {  	s8 =	sshll.u32 s28, $0x1;
	[dreg:$0x2] =	wrdreg s7  }
0xb1: {  	[dreg:$0x3] =	wrdreg s8  }
0xb2: {  	[dreg:$0x4] =	wrdreg $0xC0  }
0xb3: {  	_ =	task [dreg:s11], $0x5FFFF  }
0xb4: {  	[dreg:$0x1] =	wrdreg $0xFFFFFFFF  }
0xb5: {  	[dreg:$0x0] =	wrdreg $0x60  }
0xb6: {  	[dreg:$0x2] =	wrdreg s16  }
0xb7: {  	[dreg:$0x3] =	wrdreg s4  }
0xb8: {  	[dreg:$0x4] =	wrdreg s5  }
0xb9: {  	[dreg:$0x5] =	wrdreg s17  }
0xba: {  	[dreg:$0x6] =	wrdreg s18  }
0xbb: {  	[dreg:$0x7] =	wrdreg $0x9  }
0xbc: {  	_ =	task.clear_ibuf [dreg:s11], $0x8FFFF;
	_ =	strace $0x90000046  }
0xbd: {  	s29 =	simm.s32 $0x9;
	_ =	strace $0x80000048  }
0xbe: {  	_ =	swait.ge [sflag:s29], $0x1  }
0xbf: {  	[sflag:s29] =	ssyncadd.s32 $0xFFFFFFFF  }
0xc0: {  	_ =	strace $0x90000048  }
0xc1: {  	_ =	sfence  }
0xc2: {  	s30 =	sld [smem:$0x0];
	_ =	sdelay $0x2  }
0xc3: {  	s31 =	sshll.u32 s1, $0xD;
	s1 =	sshrl.u32 s1, $0x2  }
0xc4: {  	s3 =	sand.u32 $0x4000, s31;
	s1 =	sadd.s32 s1, s30  }
0xc5: {  	s0 =	sor.u32 s3, s0;
	s1 =	sshll.u32 s1, $0x11  }
0xc6: {  	s0 =	sor.u32 s1, s0  }
0xc7: {  	s0 =	sadd.s32 $0x8F2B, s0  }
0xc8: {  	[sflag:s0] =	ssyncadd.remote.s32 $0x1  }
0xc9: {  	_ =	sfence.sel $0xFFFF  }
0xca: {  	[dreg:$0x0] =	wrdreg $0xFFFFFFFF;
	(pc) =	sbr.abs _section_cstart, $3  }
0xcb: {  	[dreg:$0x1] =	wrdreg $0xFFFFFFFF  }
0xcc: {  	_ =	task.clear_ibuf [dreg:s11], $0x2FFFF;
	_ =	strace $0x9FFFFFFF  }
0xcd: {  	(tm) =	ssettm $0x7FFFFFFF  }
tec
execute0_lowered:
.L_overlay_start_1:
0x0: {  	(tag) =	ssettag $0x1  }
0x1: {  	s1 =	rddreg [dreg:$0x0]  }
0x2: {  	s0 =	rddreg [dreg:$0x1]  }
0x3: {  	s2 =	rddreg [dreg:$0x3]  }
0x4: {  	s4 =	rddreg [dreg:$0x4];
	s3 =	srdreg.scid  }
0x5: {  	s9 =	simm.s32 $0x0;
	s5 =	stileid.u32;
	s12 =	simm.s32 $0x3  }
0x6: {  	s13 =	simm.s32 $0x1C000;
	s14 =	simm.s32 $0x80;
	s15 =	simm.s32 $0x400  }
0x7: {  	s16 =	simm.s32 $0x18000;
	s17 =	simm.s32 $0x18800;
	s18 =	simm.s32 $0x19000  }
0x8: {  	s19 =	simm.s32 $0x19800;
	s20 =	simm.s32 $0xC000;
	s21 =	simm.s32 $0x14000  }
0x9: {  	s22 =	simm.s32 $0x1A000;
	s28 =	simm.s32 $0x10000;
	s29 =	simm.s32 $0x1  }
0xa: {  	s30 =	simm.s32 $0x1F600;
	s31 =	simm.s32 $0x2;
	s3 =	sand.u32 $0x1, s3  }
0xb: {  	[smem:$0x7FF] =	sst s9;
	s7 =	sshll.u32 s5, $0x1;
	s6 =	ssub.s32 $0x2, s3  }
0xc: {  	s7 =	sor.u32 s3, s7;
	s3 =	smul.u32 $0xB0, s3;
	_ =	strace $0x80000047  }
0xd: {  	s8 =	sshrl.u32 s6, $0x1;
	s23 =	sshll.u32 s7, $0xF;
	s24 =	sshll.u32 s7, $0x3  }
0xe: {  	v0 =	vlaneseq.u32;
	v4 =	vimm.s32 $0x3020100;
	s8 =	ssub.s32 s6, s8;
	s6 =	sshll.u32 s7, $0x4;
	s0 =	sadd.s32 s0, s3  }
0xf: {  	v2 =	vimm.s32 $0x7FFFFFFF;
	v3 =	vimm.s32 $0x1;
	vm1 =	vcmask $0x3F0C;
	s25 =	sadd.s32 s2, s24;
	s24 =	simm.s32 $0x1B000;
	[dreg:$0x6] =	wrdreg s0  }
0x10: {  	vm4 =	vcmask $0xF00;
	vm2 =	vcmask $0x3F08;
	v5 =	vunpack.c.0.s8.s32 v4;
	s0 =	sadd.s32 s1, s23;
	[dreg:$0x8] =	wrdreg s25;
	s26 =	smax.u32 s8, $0x1  }
0x11: {  	vm3 =	vcmask $0x3F04;
	v1 =	vmov s5;
	v4 =	vimm.s32 $0xF;
	s23 =	simm.s32 $0x1A800;
	s25 =	simm.s32 $0x1B800;
	[dreg:$0x7] =	wrdreg s0  }
0x12: {  	vm0 =	veq.s32 v1, v0;
	v1 =	vimm.s32 $0x0;
	v5 =	vnsel vm4, $0x3, v5;
	[dreg:$0x9] =	wrdreg s26;
	s26 =	simm.s32 $0x8000;
	s0 =	simm.s32 $0x0  }
.LBB2_1:
0x13: {  	s2 =	rddreg [dreg:$0x2];
	s3 =	simm.s32 $0x1C580  }
0x14: {  	[tilespmem:s3], [sflag:$0x3] =	stream.linear.gather [hbm4b:s2+s9], $0x80, $0x38;
	[tilespmem:$0x1F680] =	vst v63  }
0x15: {  	_ =	swait.ge [sflag:s12], $0x80  }
0x16: {  	[sflag:s12] =	ssyncset.done $0x0  }
0x17: {  	s7 =	rddreg [dreg:$0x6];
	[sflag:s12] =	ssyncadd.s32 $0xFFFFFF80  }
0x18: {  	[tilespmem:s13], [sflag:$0x3] =	stream.linear.gather [hbm4b:s7+s9], $0x580, $0x38;
	[tilespmem:$0x1F680] =	vst v63  }
0x19: {  	_ =	swait.ge [sflag:s12], $0x580  }
0x1a: {  	[sflag:s12] =	ssyncset.done $0x0  }
0x1b: {  	[sflag:s12] =	ssyncadd.s32 $0xFFFFFA80  }
0x1c: {  	v6 =	vld [tilespmem:$0x1C580];
	_ =	sdelay $0x4  }
0x1d: {  	v6 =	vnsel vm0, $0x0, v6  }
0x1e: {  	(xrf0) =	vadd.scan.msk.s32 $0xffff, v6;
	_ =	sdelay $0x5  }
0x1f: {  	v6, _, _ =	vpop (xrf0)  }
0x20: {  	(v2sf) =	vpush v6, $0xF;
	_ =	sdelay $0xe  }
0x21: {  	s8 =	spop (v2sf)  }
0x22: {  	s2 =	scvt.s32.f32 s8;
	_ =	sdelay $0x1  }
0x23: {  	s2 =	sadd.f32 $-1.000000000e+00, s2;
	_ =	sdelay $0x1  }
0x24: {  	s2 =	smax.f32 s2, $1.000000000e+00  }
0x25: {  	v6 =	vmov s2  }
0x26: {  	(erf) = vrcp.f32 v6;
	_ =	sdelay $0x5  }
0x27: {  	v6 =	vor.u32 s9, v0;
	_ =	sdelay $0x1  }
0x28: {  	v7 =	vcvt.s32.f32 v6  }
0x29: {  	v6 =	vpop (erf)  }
0x2a: {  	v7 =	vmul.f32 v7, v6;
	_ =	sdelay $0x1  }
0x2b: {  	s10 =	simm.s32 $0x10;
	v7 =	vmin.f32 v7, $1.000000000e+00  }
0x2c: {  	v8 =	vor.u32 s10, v0;
	v9 =	vmul.f32 $2.000000000e+01, v7  }
0x2d: {  	v7 =	vcvt.s32.f32 v8  }
0x2e: {  	v8 =	vtrunc.f32 v9  }
0x2f: {  	v7 =	vmul.f32 v7, v6;
	v10 =	vcvt.f32.s32 v8;
	_ =	sdelay $0x1  }
0x30: {  	s11 =	simm.s32 $0x20;
	v7 =	vmin.f32 v7, $1.000000000e+00;
	v8 =	vcvt.s32.f32 v10  }
0x31: {  	v11 =	vor.u32 s11, v0;
	v7 =	vmul.f32 $2.000000000e+01, v7  }
0x32: {  	v11 =	vcvt.s32.f32 v11;
	v9 =	vsub.f32 v9, v8  }
0x33: {  	s3 =	simm.s32 $0x1C600;
	v8 =	vtrunc.f32 v7  }
0x34: {  	s2 =	simm.s32 $0x1D600;
	v11 =	vmul.f32 v11, v6;
	[tilespmem:s3+$0x0] =	vst v10;
	v8 =	vcvt.f32.s32 v8;
	v12 =	vsub.f32 $1.000000000e+00, v9  }
0x35: {  	s7 =	simm.s32 $0x1E600;
	[tilespmem:s2+$0x0] =	vst v9  }
0x36: {  	s8 =	simm.s32 $0x30;
	v10 =	vmin.f32 v11, $1.000000000e+00;
	v9 =	vcvt.s32.f32 v8;
	[tilespmem:s7+$0x0] =	vst v12  }
.LBB2_2:
0x37: {  	v11 =	vor.u32 s8, v0;
	p0 =	sne.s32 s8, $0xFF0;
	s8 =	sadd.s32 $0x10, s8;
	v10 =	vmul.f32 $2.000000000e+01, v10  }
.Ltmp0:
0x38: {  	v11 =	vcvt.s32.f32 v11;
	v9 =	vsub.f32 v7, v9;
	(pc) =	sbr.rel @p0 .LBB2_2-.Ltmp0, $4  }
0x39: {  	s3 =	sadd.s32 $0x10, s3;
	v12 =	vtrunc.f32 v10;
	v7 =	vmov v10  }
0x3a: {  	s2 =	sadd.s32 $0x10, s2;
	v10 =	vmul.f32 v11, v6;
	[tilespmem:s3+$0x0] =	vst v8;
	v8 =	vcvt.f32.s32 v12;
	v11 =	vsub.f32 $1.000000000e+00, v9  }
0x3b: {  	s7 =	sadd.s32 $0x10, s7;
	[tilespmem:s2+$0x0] =	vst v9  }
0x3c: {  	v10 =	vmin.f32 v10, $1.000000000e+00;
	v9 =	vcvt.s32.f32 v8;
	[tilespmem:s7+$0x0] =	vst v11  }
0x3d: {  	v6 =	vmul.f32 $2.000000000e+01, v10;
	_ =	sdelay $0x1  }
0x3e: {  	v10 =	vtrunc.f32 v6  }
0x3f: {  	v10 =	vcvt.f32.s32 v10  }
0x40: {  	v7 =	vsub.f32 v7, v9  }
0x41: {  	s3 =	sadd.s32 $0x10, s3;
	v62 =	vcvt.s32.f32 v10  }
0x42: {  	s2 =	sadd.s32 $0x10, s2;
	[tilespmem:s3+$0x0] =	vst v8;
	v63 =	vsub.f32 $1.000000000e+00, v7  }
0x43: {  	s7 =	sadd.s32 $0x10, s7;
	[tilespmem:s2+$0x0] =	vst v7;
	v6 =	vsub.f32 v6, v62  }
0x44: {  	s3 =	sadd.s32 $0x10, s3;
	[tilespmem:s7+$0x0] =	vst v63  }
0x45: {  	s2 =	sadd.s32 $0x10, s2;
	[tilespmem:s3+$0x0] =	vst v10;
	v7 =	vsub.f32 $1.000000000e+00, v6  }
0x46: {  	s10 =	sadd.s32 $0x10, s7;
	[tilespmem:s2+$0x0] =	vst v6  }
0x47: {  	s11 =	rddreg [dreg:$0x7];
	s2 =	simm.s32 $0x0;
	[tilespmem:s10+$0x0] =	vst v7  }
0x48: {  	[tilespmem:s2], [sflag:$0x3] =	stream.strided.gather [hbm4b:s11+s14], $0x4000, s15, s14, $0x38;
	[tilespmem:$0x1F680] =	vst v63  }
0x49: {  	_ =	swait.ge [sflag:s12], $0x4000  }
0x4a: {  	[sflag:s12] =	ssyncset.done $0x0  }
0x4b: {  	[sflag:s12] =	ssyncadd.s32 $0xFFFFC000  }
.LBB2_4:
0x4c: {  	p0 =	sne.s32 s2, $0x1FC0  }
.Ltmp1:
0x4d: {  	s3 =	sshra.s32 s2, $0x2;
	(pc) =	sbr.rel @p0 .LBB2_4-.Ltmp1, $4  }
0x4e: {  	[tilespmem:s3+$0x18000] =	vst v1  }
0x4f: {  	[tilespmem:s3+$0x18800] =	vst v1  }
0x50: {  	[tilespmem:s3+$0x19000] =	vst v1  }
0x51: {  	s2 =	sadd.s32 $0x40, s2;
	[tilespmem:s3+$0x19800] =	vst v1  }
0x52: {  	s7 =	simm.s32 $0x2000  }
0x53: {  	v6 =	vld [tilespmem:s7+$0xFFFFE000]  }
0x54: {  	v7 =	vld [tilespmem:s7+$0xFFFFF000];
	_ =	sdelay $0x1  }
0x55: {  	v8 =	vld [tilespmem:s7+$0x0]  }
0x56: {  	v9 =	vld [tilespmem:s7+$0x1000];
	_ =	sdelay $0x1  }
0x57: {  	vm4 =	vlt.s32 v6, $0x0;
	vm5 =	vlt.s32 v7, $0x0  }
0x58: {  	v10 =	vsel vm4, $0x0, v2;
	v11 =	vsel vm5, $0x0, v2  }
0x59: {  	vm4 =	vlt.s32 v8, $0x0;
	v6 =	vxor.u32 v6, v10;
	v7 =	vxor.u32 v7, v11  }
0x5a: {  	s8 =	simm.s32 $0xA000;
	v56 =	vsel vm4, $0x0, v2;
	vm4 =	vlt.s32 v9, $0x0;
	v57 =	vand.u32 $0x7FF, v6  }
0x5b: {  	v8 =	vxor.u32 v8, v56;
	v58 =	vand.u32 $0x7FF, v7;
	v12 =	vsel vm4, $0x0, v2;
	[tilespmem:s8+$0xFFFFE000] =	vst v6  }
0x5c: {  	[tilespmem:s8+$0xFFFFF000] =	vst v7;
	v6 =	vand.u32 $0x7FF, v8;
	v9 =	vxor.u32 v9, v12  }
0x5d: {  	[tilespmem:s8+$0x0] =	vst v8;
	v7 =	vand.u32 $0x7FF, v9  }
0x5e: {  	[tilespmem:s8+$0x1000] =	vst v9  }
0x5f: {  	[tilespmem:v57+s16+$0x0] =	vst.idx.add.s32.msk $0xffff, v3  }
0x60: {  	[tilespmem:v58+s17+$0x0] =	vst.idx.add.s32.msk $0xffff, v3  }
0x61: {  	[tilespmem:v6+s18+$0x0] =	vst.idx.add.s32.msk $0xffff, v3  }
0x62: {  	[tilespmem:v7+s19+$0x0] =	vst.idx.add.s32.msk $0xffff, v3  }
0x63: {  	v6 =	vld [tilespmem:s7+$0xFFFFE010]  }
0x64: {  	v7 =	vld [tilespmem:s7+$0xFFFFF010];
	_ =	sdelay $0x1  }
0x65: {  	v8 =	vld [tilespmem:s7+$0x10]  }
0x66: {  	v9 =	vld [tilespmem:s7+$0x1010]  }
0x67: {  	vm4 =	vlt.s32 v6, $0x0  }
0x68: {  	v59 =	vsel vm4, $0x0, v2;
	vm4 =	vlt.s32 v7, $0x0  }
0x69: {  	v60 =	vsel vm4, $0x0, v2  }
0x6a: {  	v6 =	vxor.u32 v6, v59;
	vm4 =	vlt.s32 v8, $0x0;
	v7 =	vxor.u32 v7, v60  }
0x6b: {  	v61 =	vand.u32 $0x7FF, v6;
	v62 =	vsel vm4, $0x0, v2;
	[tilespmem:s8+$0xFFFFE010] =	vst v6;
	vm4 =	vlt.s32 v9, $0x0  }
0x6c: {  	v63 =	vand.u32 $0x7FF, v7;
	v6 =	vxor.u32 v8, v62;
	[tilespmem:s8+$0xFFFFF010] =	vst v7;
	v7 =	vsel vm4, $0x0, v2  }
0x6d: {  	v8 =	vxor.u32 v9, v7;
	v7 =	vand.u32 $0x7FF, v6  }
0x6e: {  	[tilespmem:s8+$0x10] =	vst v6  }
0x6f: {  	[tilespmem:s8+$0x1010] =	vst v8;
	v6 =	vand.u32 $0x7FF, v8  }
0x70: {  	[tilespmem:v61+s16+$0x0] =	vst.idx.add.s32.msk $0xffff, v3  }
0x71: {  	s9 =	simm.s32 $0x0;
	s3 =	simm.s32 $0x4000;
	[tilespmem:v63+s17+$0x0] =	vst.idx.add.s32.msk $0xffff, v3  }
.LBB2_6:
0x72: {  	s9 =	sadd.s32 $0x2, s9;
	[tilespmem:v7+s18+$0x0] =	vst.idx.add.s32.msk $0xffff, v3;
	s7 =	sadd.s32 $0x20, s7;
	s8 =	sadd.s32 $0x20, s8  }
0x73: {  	p0 =	slt.u32 s9, $0xFE  }
0x74: {  	[tilespmem:v6+s19+$0x0] =	vst.idx.add.s32.msk $0xffff, v3  }
0x75: {  	v6 =	vld [tilespmem:s7+$0xFFFFE000]  }
0x76: {  	v7 =	vld [tilespmem:s7+$0xFFFFF000]  }
0x77: {  	v8 =	vld [tilespmem:s7+$0x0]  }
0x78: {  	v9 =	vld [tilespmem:s7+$0x1000];
	_ =	sdelay $0x1  }
0x79: {  	vm4 =	vlt.s32 v6, $0x0  }
0x7a: {  	v10 =	vsel vm4, $0x0, v2;
	vm4 =	vlt.s32 v7, $0x0  }
0x7b: {  	v6 =	vxor.u32 v6, v10;
	v10 =	vsel vm4, $0x0, v2;
	vm4 =	vlt.s32 v8, $0x0  }
0x7c: {  	v7 =	vxor.u32 v7, v10;
	v10 =	vsel vm4, $0x0, v2;
	v11 =	vand.u32 $0x7FF, v6  }
0x7d: {  	vm4 =	vlt.s32 v9, $0x0;
	v8 =	vxor.u32 v8, v10;
	v10 =	vand.u32 $0x7FF, v7  }
0x7e: {  	v12 =	vsel vm4, $0x0, v2;
	[tilespmem:s8+$0xFFFFE000] =	vst v6;
	v6 =	vand.u32 $0x7FF, v8  }
0x7f: {  	v9 =	vxor.u32 v9, v12;
	[tilespmem:s8+$0x0] =	vst v8  }
0x80: {  	[tilespmem:s8+$0xFFFFF000] =	vst v7;
	v7 =	vand.u32 $0x7FF, v9  }
0x81: {  	[tilespmem:s8+$0x1000] =	vst v9  }
0x82: {  	[tilespmem:v11+s16+$0x0] =	vst.idx.add.s32.msk $0xffff, v3  }
0x83: {  	[tilespmem:v10+s17+$0x0] =	vst.idx.add.s32.msk $0xffff, v3  }
0x84: {  	[tilespmem:v6+s18+$0x0] =	vst.idx.add.s32.msk $0xffff, v3  }
0x85: {  	[tilespmem:v7+s19+$0x0] =	vst.idx.add.s32.msk $0xffff, v3  }
0x86: {  	v6 =	vld [tilespmem:s7+$0xFFFFE010]  }
0x87: {  	v7 =	vld [tilespmem:s7+$0xFFFFF010]  }
0x88: {  	v8 =	vld [tilespmem:s7+$0x10]  }
0x89: {  	v9 =	vld [tilespmem:s7+$0x1010];
	_ =	sdelay $0x1  }
0x8a: {  	vm4 =	vlt.s32 v6, $0x0  }
0x8b: {  	v10 =	vsel vm4, $0x0, v2;
	vm4 =	vlt.s32 v7, $0x0  }
0x8c: {  	v6 =	vxor.u32 v6, v10;
	v10 =	vsel vm4, $0x0, v2;
	vm4 =	vlt.s32 v8, $0x0  }
0x8d: {  	v7 =	vxor.u32 v7, v10;
	v10 =	vsel vm4, $0x0, v2;
	[tilespmem:s8+$0xFFFFE010] =	vst v6;
	v11 =	vand.u32 $0x7FF, v6  }
0x8e: {  	vm4 =	vlt.s32 v9, $0x0;
	v6 =	vxor.u32 v8, v10;
	[tilespmem:s8+$0xFFFFF010] =	vst v7;
	v8 =	vand.u32 $0x7FF, v7  }
.Ltmp2:
0x8f: {  	v10 =	vsel vm4, $0x0, v2;
	[tilespmem:s8+$0x10] =	vst v6;
	v7 =	vand.u32 $0x7FF, v6;
	(pc) =	sbr.rel @p0 .LBB2_6-.Ltmp2, $4  }
0x90: {  	v6 =	vxor.u32 v9, v10  }
0x91: {  	[tilespmem:s8+$0x1010] =	vst v6;
	v6 =	vand.u32 $0x7FF, v6  }
0x92: {  	[tilespmem:v11+s16+$0x0] =	vst.idx.add.s32.msk $0xffff, v3  }
0x93: {  	s2 =	simm.s32 $0x0;
	[tilespmem:v8+s17+$0x0] =	vst.idx.add.s32.msk $0xffff, v3  }
0x94: {  	_ =	sdelay $0x3  }
0x95: {  	[tilespmem:v7+s18+$0x0] =	vst.idx.add.s32.msk $0xffff, v3  }
0x96: {  	[tilespmem:v6+s19+$0x0] =	vst.idx.add.s32.msk $0xffff, v3  }
.LBB2_8:
0x97: {  	s11 =	sadd.s32 $0x1, s2  }
0x98: {  	s7 =	smin.u32 s11, $0xF  }
0x99: {  	s8 =	sor.u32 s6, s7;
	s7 =	sshll.u32 s7, $0x4  }
0x9a: {  	s8 =	sshll.u32 s8, $0xB;
	s7 =	sand.u32 $0x70, s7  }
0x9b: {  	s9 =	sshll.u32 s11, $0xE;
	s8 =	sand.u32 $0xFC000, s8;
	s7 =	sadd.s32 s1, s7  }
0x9c: {  	s10 =	simm.s32 $0x0;
	s9 =	sand.u32 $0x4000, s9;
	s7 =	sadd.s32 s8, s7  }
0x9d: {  	[tilespmem:s9], [sflag:$0x1] =	stream.strided.gather [hbm4b:s7+s14], $0x4000, s15, s14, $0x38;
	[tilespmem:$0x1F680] =	vst v63  }
0x9e: {  	v6 =	vld [tilespmem:s10+$0x18000]  }
0x9f: {  	v7 =	vld [tilespmem:s10+$0x18800]  }
0xa0: {  	v8 =	vld [tilespmem:s10+$0x19000]  }
0xa1: {  	v9 =	vld [tilespmem:s10+$0x19800];
	_ =	sdelay $0x1  }
0xa2: {  	(xrf0) =	vadd.scan.msk.s32 $0xffff, v6  }
0xa3: {  	(xrf0) =	vadd.scan.msk.s32 $0xffff, v7  }
0xa4: {  	(xrf0) =	vadd.scan.msk.s32 $0xffff, v8  }
0xa5: {  	(xrf0) =	vadd.scan.msk.s32 $0xffff, v9  }
0xa6: {  	v16 =	vimm.s32 $0xFFFFFFFF;
	[tilespmem:s10+$0x1A000] =	vst v1  }
0xa7: {  	[tilespmem:s10+$0x1A800] =	vst v1;
	v10 =	vsub.s32 v16, v6;
	v6 =	vimm.s32 $0xFFF  }
0xa8: {  	[tilespmem:s10+$0x1B000] =	vst v1;
	v11 =	vsub.s32 v6, v7;
	v7 =	vimm.s32 $0x1FFF;
	v12, _, _ =	vpop (xrf0)  }
0xa9: {  	[tilespmem:s10+$0x1B800] =	vst v1;
	v14 =	vsub.s32 v7, v8;
	v8 =	vimm.s32 $0x2FFF;
	v10 =	vadd.s32 v12, v10;
	v13, _, _ =	vpop (xrf0)  }
0xaa: {  	s7 =	simm.s32 $0x10;
	v9 =	vsub.s32 v8, v9;
	[tilespmem:s10+$0x18000] =	vst v10;
	v11 =	vadd.s32 v13, v11;
	v15, _, _ =	vpop (xrf0)  }
0xab: {  	v17 =	vperm.xlane v12, v4;
	v13 =	vperm.xlane v13, v4;
	v10 =	vld [tilespmem:s7+$0x18000];
	[tilespmem:s10+$0x18800] =	vst v11;
	v14 =	vadd.s32 v15, v14;
	v18, _, _ =	vpop (xrf0)  }
0xac: {  	v15 =	vperm.xlane v15, v4;
	v11 =	vld [tilespmem:s7+$0x18800];
	[tilespmem:s10+$0x19000] =	vst v14;
	v9 =	vadd.s32 v18, v9;
	v14 =	vperm.xlane v18, v4  }
0xad: {  	s8 =	simm.s32 $0x80;
	v12 =	vld [tilespmem:s7+$0x19000];
	[tilespmem:s10+$0x19800] =	vst v9;
	v9 =	vadd.s32 v16, v17  }
.LBB2_9:
0xae: {  	p0 =	sne.s32 s8, $0x1FC0;
	v16 =	vld [tilespmem:s7+$0x19800];
	[tilespmem:s7+$0x1A000] =	vst v1;
	v6 =	vadd.s32 v6, v13;
	v7 =	vadd.s32 v7, v15;
	v8 =	vadd.s32 v8, v14  }
0xaf: {  	[tilespmem:s7+$0x1A800] =	vst v1  }
0xb0: {  	v13 =	vsub.s32 v9, v10;
	[tilespmem:s7+$0x1B000] =	vst v1;
	(xrf0) =	vadd.scan.msk.s32 $0xffff, v10  }
0xb1: {  	v10 =	vsub.s32 v6, v11;
	[tilespmem:s7+$0x1B800] =	vst v1;
	(xrf0) =	vadd.scan.msk.s32 $0xffff, v11  }
0xb2: {  	v11 =	vsub.s32 v7, v12;
	(xrf0) =	vadd.scan.msk.s32 $0xffff, v12  }
0xb3: {  	v12 =	vsub.s32 v8, v16;
	(xrf0) =	vadd.scan.msk.s32 $0xffff, v16;
	_ =	sdelay $0x2  }
0xb4: {  	v14, _, _ =	vpop (xrf0)  }
.Ltmp3:
0xb5: {  	v13 =	vadd.s32 v14, v13;
	v15, _, _ =	vpop (xrf0);
	(pc) =	sbr.rel @p0 .LBB2_9-.Ltmp3, $4  }
0xb6: {  	s9 =	sshra.s32 s8, $0x2;
	[tilespmem:s7+$0x18000] =	vst v13;
	v13 =	vadd.s32 v15, v10;
	v16, _, _ =	vpop (xrf0)  }
0xb7: {  	v18 =	vperm.xlane v14, v4;
	v10 =	vld [tilespmem:s9+$0x18000];
	[tilespmem:s7+$0x18800] =	vst v13;
	v17 =	vadd.s32 v16, v11;
	v13 =	vperm.xlane v15, v4;
	v14, _, _ =	vpop (xrf0)  }
0xb8: {  	v15 =	vperm.xlane v16, v4;
	v11 =	vld [tilespmem:s9+$0x18800];
	[tilespmem:s7+$0x19000] =	vst v17;
	v17 =	vadd.s32 v14, v12;
	v14 =	vperm.xlane v14, v4  }
0xb9: {  	s8 =	sadd.s32 $0x40, s8;
	v9 =	vadd.s32 v9, v18;
	v12 =	vld [tilespmem:s9+$0x19000];
	[tilespmem:s7+$0x19800] =	vst v17;
	s7 =	smov.u32 s9  }
0xba: {  	v16 =	vld [tilespmem:s7+$0x19800];
	_ =	sdelay $0x1  }
0xbb: {  	(xrf0) =	vadd.scan.msk.s32 $0xffff, v10  }
0xbc: {  	(xrf0) =	vadd.scan.msk.s32 $0xffff, v11  }
0xbd: {  	(xrf0) =	vadd.scan.msk.s32 $0xffff, v12  }
0xbe: {  	(xrf0) =	vadd.scan.msk.s32 $0xffff, v16  }
0xbf: {  	[tilespmem:s7+$0x1A000] =	vst v1  }
0xc0: {  	[tilespmem:s7+$0x1A800] =	vst v1;
	v7 =	vadd.s32 v7, v15  }
0xc1: {  	v6 =	vadd.s32 v6, v13;
	[tilespmem:s7+$0x1B000] =	vst v1;
	v9 =	vsub.s32 v9, v10;
	v7 =	vsub.s32 v7, v12;
	v61, _, _ =	vpop (xrf0)  }
0xc2: {  	[tilespmem:s7+$0x1B800] =	vst v1;
	v6 =	vsub.s32 v6, v11;
	v9 =	vadd.s32 v61, v9;
	v62, _, _ =	vpop (xrf0)  }
0xc3: {  	v8 =	vadd.s32 v8, v14;
	[tilespmem:s7+$0x18000] =	vst v9;
	v6 =	vadd.s32 v62, v6;
	v63, _, _ =	vpop (xrf0)  }
0xc4: {  	v8 =	vsub.s32 v8, v16;
	[tilespmem:s7+$0x18800] =	vst v6;
	v6 =	vadd.s32 v63, v7;
	v7, _, _ =	vpop (xrf0)  }
0xc5: {  	[tilespmem:s7+$0x19000] =	vst v6;
	v6 =	vadd.s32 v7, v8  }
0xc6: {  	s8 =	simm.s32 $0x8000;
	s9 =	simm.s32 $0x10;
	[tilespmem:s7+$0x19800] =	vst v6;
	s7 =	simm.s32 $0xFFFFFFFE  }
.LBB2_11:
0xc7: {  	s10 =	sadd.s32 $0xFFFFFFF0, s9  }
0xc8: {  	v6 =	vld [tilespmem:s8+$0x0];
	s5 =	sand.u32 $0xFE0, s10  }
0xc9: {  	v7 =	vld [tilespmem:s5+$0x9000]  }
0xca: {  	v8 =	vld [tilespmem:s5+$0xA000]  }
0xcb: {  	v9 =	vld [tilespmem:s5+$0xB000];
	_ =	sdelay $0x1  }
0xcc: {  	v10 =	vand.u32 $0x7FF, v6  }
0xcd: {  	(xrf1) =	vunique.msk.u32 $0xffff, v10;
	v11 =	vand.u32 $0x7FF, v7  }
0xce: {  	v12 =	vand.u32 $0x7FF, v8;
	(xrf1) =	vunique.msk.u32 $0xffff, v11  }
0xcf: {  	v13 =	vand.u32 $0x7FF, v9;
	(xrf1) =	vunique.msk.u32 $0xffff, v12  }
0xd0: {  	(xrf1) =	vunique.msk.u32 $0xffff, v13;
	_ =	sdelay $0x6  }
0xd1: {  	v14 =	vld.idx.msk [tilespmem:v10+s16+$0x0], $0xffff  }
0xd2: {  	v15 =	vld.idx.msk [tilespmem:v11+s17+$0x0], $0xffff  }
0xd3: {  	v16 =	vld.idx.msk [tilespmem:v12+s18+$0x0], $0xffff  }
0xd4: {  	v17 =	vld.idx.msk [tilespmem:v13+s19+$0x0], $0xffff  }
0xd5: {  	_, v18, vm4 =	vpop (xrf1)  }
0xd6: {  	v14 =	vadd.s32 v18, v14;
	_, v19, vm5 =	vpop (xrf1)  }
0xd7: {  	_, v54, vm6 =	vpop (xrf1);
	v15 =	vadd.s32 v19, v15  }
0xd8: {  	_, v55, vm7 =	vpop (xrf1);
	v16 =	vadd.s32 v54, v16  }
0xd9: {  	v17 =	vadd.s32 v55, v17;
	_ =	sdelay $0x1  }
0xda: {  	[tilespmem:v14+s20+$0x0] =	vst.idx.msk $0xffff, v6  }
0xdb: {  	[tilespmem:v15+s20+$0x0] =	vst.idx.msk $0xffff, v7  }
0xdc: {  	[tilespmem:v16+s20+$0x0] =	vst.idx.msk $0xffff, v8  }
0xdd: {  	v56 =	vor.u32 s10, v0;
	[tilespmem:v17+s20+$0x0] =	vst.idx.msk $0xffff, v9  }
0xde: {  	[tilespmem:v14+s21+$0x0] =	vst.idx.msk $0xffff, v56  }
0xdf: {  	[tilespmem:v15+s21+$0x0] =	vst.idx.msk $0xffff, v56  }
0xe0: {  	v6 =	vshrl.u32 v6, $0xB;
	[tilespmem:v16+s21+$0x0] =	vst.idx.msk $0xffff, v56  }
0xe1: {  	v6 =	vand.u32 $0x7FF, v6;
	v7 =	vshrl.u32 v7, $0xB;
	[tilespmem:v17+s21+$0x0] =	vst.idx.msk $0xffff, v56  }
0xe2: {  	v8 =	vshrl.u32 v8, $0xB;
	v7 =	vand.u32 $0x7FF, v7;
	[tilespmem:v10+s16+$0x0] =	vst.idx.msk vm4, v14  }
0xe3: {  	v9 =	vshrl.u32 v9, $0xB;
	v8 =	vand.u32 $0x7FF, v8;
	[tilespmem:v11+s17+$0x0] =	vst.idx.msk vm5, v15  }
0xe4: {  	v9 =	vand.u32 $0x7FF, v9;
	[tilespmem:v12+s18+$0x0] =	vst.idx.msk vm6, v16  }
0xe5: {  	[tilespmem:v13+s19+$0x0] =	vst.idx.msk vm7, v17  }
0xe6: {  	[tilespmem:v6+s22+$0x0] =	vst.idx.add.s32.msk $0xffff, v3  }
0xe7: {  	[tilespmem:v7+s23+$0x0] =	vst.idx.add.s32.msk $0xffff, v3  }
0xe8: {  	[tilespmem:v8+s24+$0x0] =	vst.idx.add.s32.msk $0xffff, v3  }
0xe9: {  	[tilespmem:v9+s25+$0x0] =	vst.idx.add.s32.msk $0xffff, v3  }
0xea: {  	v6 =	vld [tilespmem:s8+$0x10]  }
0xeb: {  	v7 =	vld [tilespmem:s8+$0x1010]  }
0xec: {  	v8 =	vld [tilespmem:s8+$0x2010]  }
0xed: {  	v9 =	vld [tilespmem:s8+$0x3010];
	_ =	sdelay $0x1  }
0xee: {  	v10 =	vand.u32 $0x7FF, v6  }
0xef: {  	v11 =	vand.u32 $0x7FF, v7;
	(xrf1) =	vunique.msk.u32 $0xffff, v10  }
0xf0: {  	v57 =	vand.u32 $0x7FF, v8;
	(xrf1) =	vunique.msk.u32 $0xffff, v11  }
0xf1: {  	v58 =	vand.u32 $0x7FF, v9;
	(xrf1) =	vunique.msk.u32 $0xffff, v57  }
0xf2: {  	(xrf1) =	vunique.msk.u32 $0xffff, v58;
	_ =	sdelay $0x6  }
0xf3: {  	v14 =	vld.idx.msk [tilespmem:v10+s16+$0x0], $0xffff  }
0xf4: {  	v15 =	vld.idx.msk [tilespmem:v11+s17+$0x0], $0xffff  }
0xf5: {  	v16 =	vld.idx.msk [tilespmem:v57+s18+$0x0], $0xffff  }
0xf6: {  	v17 =	vld.idx.msk [tilespmem:v58+s19+$0x0], $0xffff  }
0xf7: {  	_, v59, vm4 =	vpop (xrf1)  }
0xf8: {  	_, v60, vm5 =	vpop (xrf1);
	v14 =	vadd.s32 v59, v14  }
0xf9: {  	_, v61, vm14 =	vpop (xrf1);
	v15 =	vadd.s32 v60, v15  }
0xfa: {  	_, v62, vm15 =	vpop (xrf1);
	v16 =	vadd.s32 v61, v16  }
0xfb: {  	v17 =	vadd.s32 v62, v17;
	_ =	sdelay $0x1  }
0xfc: {  	[tilespmem:v14+s20+$0x0] =	vst.idx.msk $0xffff, v6  }
0xfd: {  	[tilespmem:v15+s20+$0x0] =	vst.idx.msk $0xffff, v7  }
0xfe: {  	[tilespmem:v16+s20+$0x0] =	vst.idx.msk $0xffff, v8  }
0xff: {  	v63 =	vor.u32 s9, v0;
	[tilespmem:v17+s20+$0x0] =	vst.idx.msk $0xffff, v9  }
0x100: {  	[tilespmem:v14+s21+$0x0] =	vst.idx.msk $0xffff, v63  }
0x101: {  	[tilespmem:v15+s21+$0x0] =	vst.idx.msk $0xffff, v63  }
0x102: {  	v6 =	vshrl.u32 v6, $0xB;
	[tilespmem:v16+s21+$0x0] =	vst.idx.msk $0xffff, v63  }
0x103: {  	v7 =	vshrl.u32 v7, $0xB;
	v6 =	vand.u32 $0x7FF, v6;
	[tilespmem:v17+s21+$0x0] =	vst.idx.msk $0xffff, v63  }
0x104: {  	v8 =	vshrl.u32 v8, $0xB;
	v7 =	vand.u32 $0x7FF, v7;
	[tilespmem:v10+s16+$0x0] =	vst.idx.msk vm4, v14  }
0x105: {  	s7 =	sadd.s32 $0x2, s7;
	v9 =	vshrl.u32 v9, $0xB;
	v8 =	vand.u32 $0x7FF, v8;
	[tilespmem:v11+s17+$0x0] =	vst.idx.msk vm5, v15  }
0x106: {  	p0 =	slt.u32 s7, $0xFE;
	v10 =	vand.u32 $0x7FF, v9;
	[tilespmem:v57+s18+$0x0] =	vst.idx.msk vm14, v16  }
.Ltmp4:
0x107: {  	[tilespmem:v58+s19+$0x0] =	vst.idx.msk vm15, v17;
	(pc) =	sbr.rel @p0 .LBB2_11-.Ltmp4, $4  }
0x108: {  	[tilespmem:v6+s22+$0x0] =	vst.idx.add.s32.msk $0xffff, v3  }
0x109: {  	[tilespmem:v7+s23+$0x0] =	vst.idx.add.s32.msk $0xffff, v3  }
0x10a: {  	v9 =	vimm.s32 $0xFFFFFFFF;
	[tilespmem:v8+s24+$0x0] =	vst.idx.add.s32.msk $0xffff, v3  }
0x10b: {  	s9 =	sadd.s32 $0x20, s9;
	s8 =	sadd.s32 $0x20, s8;
	v6 =	vimm.s32 $0x2FFF;
	v7 =	vimm.s32 $0x1FFF;
	v8 =	vimm.s32 $0xFFF;
	[tilespmem:v10+s25+$0x0] =	vst.idx.add.s32.msk $0xffff, v3  }
0x10c: {  	s5 =	simm.s32 $0x0  }
0x10d: {  	v10 =	vld [tilespmem:s5+$0x1A000]  }
0x10e: {  	v11 =	vld [tilespmem:s5+$0x1A800]  }
0x10f: {  	v12 =	vld [tilespmem:s5+$0x1B000]  }
0x110: {  	v13 =	vld [tilespmem:s5+$0x1B800];
	_ =	sdelay $0x1  }
0x111: {  	(xrf0) =	vadd.scan.msk.s32 $0xffff, v10  }
0x112: {  	(xrf0) =	vadd.scan.msk.s32 $0xffff, v11  }
0x113: {  	(xrf0) =	vadd.scan.msk.s32 $0xffff, v12  }
0x114: {  	(xrf0) =	vadd.scan.msk.s32 $0xffff, v13  }
0x115: {  	[tilespmem:s5+$0x18000] =	vst v1  }
0x116: {  	[tilespmem:s5+$0x18800] =	vst v1  }
0x117: {  	[tilespmem:s5+$0x19000] =	vst v1;
	v10 =	vsub.s32 v9, v10;
	v14, _, _ =	vpop (xrf0)  }
0x118: {  	[tilespmem:s5+$0x19800] =	vst v1;
	v11 =	vsub.s32 v8, v11;
	v10 =	vadd.s32 v14, v10;
	v15, _, _ =	vpop (xrf0)  }
0x119: {  	s7 =	simm.s32 $0x10;
	v17 =	vsub.s32 v6, v13;
	v12 =	vsub.s32 v7, v12;
	[tilespmem:s5+$0x1A000] =	vst v10;
	v11 =	vadd.s32 v15, v11;
	v16, _, _ =	vpop (xrf0)  }
0x11a: {  	v18 =	vperm.xlane v14, v4;
	v13 =	vperm.xlane v15, v4;
	v10 =	vld [tilespmem:s7+$0x1A000];
	[tilespmem:s5+$0x1A800] =	vst v11;
	v12 =	vadd.s32 v16, v12;
	v14, _, _ =	vpop (xrf0)  }
0x11b: {  	v15 =	vperm.xlane v16, v4;
	v11 =	vld [tilespmem:s7+$0x1A800];
	[tilespmem:s5+$0x1B000] =	vst v12;
	v17 =	vadd.s32 v14, v17;
	v14 =	vperm.xlane v14, v4  }
0x11c: {  	s8 =	simm.s32 $0x80;
	v9 =	vadd.s32 v9, v18;
	v12 =	vld [tilespmem:s7+$0x1B000];
	[tilespmem:s5+$0x1B800] =	vst v17  }
.LBB2_13:
0x11d: {  	p0 =	sne.s32 s8, $0x1FC0;
	v16 =	vld [tilespmem:s7+$0x1B800];
	[tilespmem:s7+$0x18000] =	vst v1;
	v8 =	vadd.s32 v8, v13;
	v7 =	vadd.s32 v7, v15;
	v6 =	vadd.s32 v6, v14  }
0x11e: {  	[tilespmem:s7+$0x18800] =	vst v1  }
0x11f: {  	v13 =	vsub.s32 v9, v10;
	[tilespmem:s7+$0x19000] =	vst v1;
	(xrf0) =	vadd.scan.msk.s32 $0xffff, v10  }
0x120: {  	v10 =	vsub.s32 v8, v11;
	[tilespmem:s7+$0x19800] =	vst v1;
	(xrf0) =	vadd.scan.msk.s32 $0xffff, v11  }
0x121: {  	v11 =	vsub.s32 v7, v12;
	(xrf0) =	vadd.scan.msk.s32 $0xffff, v12  }
0x122: {  	v12 =	vsub.s32 v6, v16;
	(xrf0) =	vadd.scan.msk.s32 $0xffff, v16;
	_ =	sdelay $0x2  }
0x123: {  	v14, _, _ =	vpop (xrf0)  }
.Ltmp5:
0x124: {  	v13 =	vadd.s32 v14, v13;
	v15, _, _ =	vpop (xrf0);
	(pc) =	sbr.rel @p0 .LBB2_13-.Ltmp5, $4  }
0x125: {  	s5 =	sshra.s32 s8, $0x2;
	[tilespmem:s7+$0x1A000] =	vst v13;
	v13 =	vadd.s32 v15, v10;
	v16, _, _ =	vpop (xrf0)  }
0x126: {  	v18 =	vperm.xlane v14, v4;
	v10 =	vld [tilespmem:s5+$0x1A000];
	[tilespmem:s7+$0x1A800] =	vst v13;
	v17 =	vadd.s32 v16, v11;
	v13 =	vperm.xlane v15, v4;
	v14, _, _ =	vpop (xrf0)  }
0x127: {  	v15 =	vperm.xlane v16, v4;
	v11 =	vld [tilespmem:s5+$0x1A800];
	[tilespmem:s7+$0x1B000] =	vst v17;
	v17 =	vadd.s32 v14, v12;
	v14 =	vperm.xlane v14, v4  }
0x128: {  	s8 =	sadd.s32 $0x40, s8;
	v9 =	vadd.s32 v9, v18;
	v12 =	vld [tilespmem:s5+$0x1B000];
	[tilespmem:s7+$0x1B800] =	vst v17;
	s7 =	smov.u32 s5  }
0x129: {  	v16 =	vld [tilespmem:s7+$0x1B800];
	_ =	sdelay $0x1  }
0x12a: {  	(xrf0) =	vadd.scan.msk.s32 $0xffff, v10  }
0x12b: {  	(xrf0) =	vadd.scan.msk.s32 $0xffff, v11  }
0x12c: {  	(xrf0) =	vadd.scan.msk.s32 $0xffff, v12  }
0x12d: {  	(xrf0) =	vadd.scan.msk.s32 $0xffff, v16  }
0x12e: {  	[tilespmem:s7+$0x18000] =	vst v1  }
0x12f: {  	[tilespmem:s7+$0x18800] =	vst v1  }
0x130: {  	v8 =	vadd.s32 v8, v13;
	[tilespmem:s7+$0x19000] =	vst v1;
	v9 =	vsub.s32 v9, v10;
	v60, _, _ =	vpop (xrf0)  }
0x131: {  	v7 =	vadd.s32 v7, v15;
	[tilespmem:s7+$0x19800] =	vst v1;
	v8 =	vsub.s32 v8, v11;
	v9 =	vadd.s32 v60, v9;
	v61, _, _ =	vpop (xrf0)  }
0x132: {  	v6 =	vadd.s32 v6, v14;
	v7 =	vsub.s32 v7, v12;
	[tilespmem:s7+$0x1A000] =	vst v9;
	v8 =	vadd.s32 v61, v8;
	v62, _, _ =	vpop (xrf0)  }
0x133: {  	v6 =	vsub.s32 v6, v16;
	[tilespmem:s7+$0x1A800] =	vst v8;
	v7 =	vadd.s32 v62, v7;
	v63, _, _ =	vpop (xrf0)  }
0x134: {  	[tilespmem:s7+$0x1B000] =	vst v7;
	v6 =	vadd.s32 v63, v6  }
0x135: {  	s8 =	simm.s32 $0xE000;
	s9 =	simm.s32 $0x16000;
	[tilespmem:s7+$0x1B800] =	vst v6;
	s7 =	simm.s32 $0xFFFFFFFE  }
.LBB2_15:
0x136: {  	v6 =	vld [tilespmem:s8+$0xFFFFE000]  }
0x137: {  	v7 =	vld [tilespmem:s8+$0xFFFFF000]  }
0x138: {  	v8 =	vld [tilespmem:s8+$0x0]  }
0x139: {  	v9 =	vld [tilespmem:s8+$0x1000];
	_ =	sdelay $0x1  }
0x13a: {  	v10 =	vshrl.u32 v6, $0xB  }
0x13b: {  	v11 =	vshrl.u32 v7, $0xB;
	v10 =	vand.u32 $0x7FF, v10  }
0x13c: {  	v12 =	vshrl.u32 v8, $0xB;
	v11 =	vand.u32 $0x7FF, v11;
	(xrf1) =	vunique.msk.u32 $0xffff, v10  }
0x13d: {  	v13 =	vshrl.u32 v9, $0xB;
	v12 =	vand.u32 $0x7FF, v12;
	(xrf1) =	vunique.msk.u32 $0xffff, v11  }
0x13e: {  	v13 =	vand.u32 $0x7FF, v13;
	(xrf1) =	vunique.msk.u32 $0xffff, v12  }
0x13f: {  	(xrf1) =	vunique.msk.u32 $0xffff, v13;
	_ =	sdelay $0x6  }
0x140: {  	v14 =	vld.idx.msk [tilespmem:v10+s22+$0x0], $0xffff  }
0x141: {  	v15 =	vld.idx.msk [tilespmem:v11+s23+$0x0], $0xffff  }
0x142: {  	v16 =	vld.idx.msk [tilespmem:v12+s24+$0x0], $0xffff  }
0x143: {  	v17 =	vld.idx.msk [tilespmem:v13+s25+$0x0], $0xffff  }
0x144: {  	_, v18, vm4 =	vpop (xrf1)  }
0x145: {  	_, v19, vm5 =	vpop (xrf1);
	v14 =	vadd.s32 v18, v14  }
0x146: {  	_, v20, vm6 =	vpop (xrf1);
	v15 =	vadd.s32 v19, v15  }
0x147: {  	v51 =	vld [tilespmem:s9+$0xFFFFE000];
	_, v21, vm7 =	vpop (xrf1);
	v16 =	vadd.s32 v20, v16  }
0x148: {  	v52 =	vld [tilespmem:s9+$0xFFFFF000];
	v17 =	vadd.s32 v21, v17  }
0x149: {  	v53 =	vld [tilespmem:s9+$0x0]  }
0x14a: {  	v54 =	vld [tilespmem:s9+$0x1000];
	[tilespmem:v14+s26+$0x0] =	vst.idx.msk $0xffff, v6  }
0x14b: {  	[tilespmem:v15+s26+$0x0] =	vst.idx.msk $0xffff, v7  }
0x14c: {  	[tilespmem:v16+s26+$0x0] =	vst.idx.msk $0xffff, v8  }
0x14d: {  	[tilespmem:v17+s26+$0x0] =	vst.idx.msk $0xffff, v9  }
0x14e: {  	[tilespmem:v14+s28+$0x0] =	vst.idx.msk $0xffff, v51  }
0x14f: {  	[tilespmem:v15+s28+$0x0] =	vst.idx.msk $0xffff, v52  }
0x150: {  	[tilespmem:v16+s28+$0x0] =	vst.idx.msk $0xffff, v53  }
0x151: {  	v6 =	vshrl.u32 v6, $0x16;
	[tilespmem:v17+s28+$0x0] =	vst.idx.msk $0xffff, v54  }
0x152: {  	v7 =	vshrl.u32 v7, $0x16;
	[tilespmem:v10+s22+$0x0] =	vst.idx.msk vm4, v14  }
0x153: {  	v8 =	vshrl.u32 v8, $0x16;
	[tilespmem:v11+s23+$0x0] =	vst.idx.msk vm5, v15  }
0x154: {  	v9 =	vshrl.u32 v9, $0x16;
	[tilespmem:v12+s24+$0x0] =	vst.idx.msk vm6, v16  }
0x155: {  	[tilespmem:v13+s25+$0x0] =	vst.idx.msk vm7, v17  }
0x156: {  	[tilespmem:v6+s16+$0x0] =	vst.idx.add.s32.msk $0xffff, v3  }
0x157: {  	[tilespmem:v7+s17+$0x0] =	vst.idx.add.s32.msk $0xffff, v3  }
0x158: {  	[tilespmem:v8+s18+$0x0] =	vst.idx.add.s32.msk $0xffff, v3  }
0x159: {  	[tilespmem:v9+s19+$0x0] =	vst.idx.add.s32.msk $0xffff, v3  }
0x15a: {  	v6 =	vld [tilespmem:s8+$0xFFFFE010]  }
0x15b: {  	v7 =	vld [tilespmem:s8+$0xFFFFF010]  }
0x15c: {  	v8 =	vld [tilespmem:s8+$0x10]  }
0x15d: {  	v9 =	vld [tilespmem:s8+$0x1010];
	_ =	sdelay $0x1  }
0x15e: {  	v10 =	vshrl.u32 v6, $0xB  }
0x15f: {  	v11 =	vshrl.u32 v7, $0xB;
	v10 =	vand.u32 $0x7FF, v10  }
0x160: {  	v55 =	vshrl.u32 v8, $0xB;
	v11 =	vand.u32 $0x7FF, v11;
	(xrf1) =	vunique.msk.u32 $0xffff, v10  }
0x161: {  	v56 =	vshrl.u32 v9, $0xB;
	v12 =	vand.u32 $0x7FF, v55;
	(xrf1) =	vunique.msk.u32 $0xffff, v11  }
0x162: {  	v13 =	vand.u32 $0x7FF, v56;
	(xrf1) =	vunique.msk.u32 $0xffff, v12  }
0x163: {  	(xrf1) =	vunique.msk.u32 $0xffff, v13;
	_ =	sdelay $0x6  }
0x164: {  	v14 =	vld.idx.msk [tilespmem:v10+s22+$0x0], $0xffff  }
0x165: {  	v15 =	vld.idx.msk [tilespmem:v11+s23+$0x0], $0xffff  }
0x166: {  	v16 =	vld.idx.msk [tilespmem:v12+s24+$0x0], $0xffff  }
0x167: {  	v17 =	vld.idx.msk [tilespmem:v13+s25+$0x0], $0xffff  }
0x168: {  	_, v57, vm4 =	vpop (xrf1)  }
0x169: {  	_, v58, vm5 =	vpop (xrf1);
	v14 =	vadd.s32 v57, v14  }
0x16a: {  	_, v59, vm14 =	vpop (xrf1);
	v15 =	vadd.s32 v58, v15  }
0x16b: {  	v20 =	vld [tilespmem:s9+$0xFFFFE010];
	_, v61, vm15 =	vpop (xrf1);
	v16 =	vadd.s32 v59, v16  }
0x16c: {  	v60 =	vld [tilespmem:s9+$0xFFFFF010];
	v17 =	vadd.s32 v61, v17  }
0x16d: {  	v62 =	vld [tilespmem:s9+$0x10]  }
0x16e: {  	v63 =	vld [tilespmem:s9+$0x1010];
	[tilespmem:v14+s26+$0x0] =	vst.idx.msk $0xffff, v6  }
0x16f: {  	[tilespmem:v15+s26+$0x0] =	vst.idx.msk $0xffff, v7  }
0x170: {  	[tilespmem:v16+s26+$0x0] =	vst.idx.msk $0xffff, v8  }
0x171: {  	[tilespmem:v17+s26+$0x0] =	vst.idx.msk $0xffff, v9  }
0x172: {  	[tilespmem:v14+s28+$0x0] =	vst.idx.msk $0xffff, v20  }
0x173: {  	[tilespmem:v15+s28+$0x0] =	vst.idx.msk $0xffff, v60  }
0x174: {  	[tilespmem:v16+s28+$0x0] =	vst.idx.msk $0xffff, v62  }
0x175: {  	v6 =	vshrl.u32 v6, $0x16;
	[tilespmem:v17+s28+$0x0] =	vst.idx.msk $0xffff, v63  }
0x176: {  	v7 =	vshrl.u32 v7, $0x16;
	[tilespmem:v10+s22+$0x0] =	vst.idx.msk vm4, v14  }
0x177: {  	s7 =	sadd.s32 $0x2, s7;
	v8 =	vshrl.u32 v8, $0x16;
	[tilespmem:v11+s23+$0x0] =	vst.idx.msk vm5, v15  }
0x178: {  	p0 =	slt.u32 s7, $0xFE;
	v10 =	vshrl.u32 v9, $0x16;
	[tilespmem:v12+s24+$0x0] =	vst.idx.msk vm14, v16  }
.Ltmp6:
0x179: {  	[tilespmem:v13+s25+$0x0] =	vst.idx.msk vm15, v17;
	(pc) =	sbr.rel @p0 .LBB2_15-.Ltmp6, $4  }
0x17a: {  	[tilespmem:v6+s16+$0x0] =	vst.idx.add.s32.msk $0xffff, v3  }
0x17b: {  	[tilespmem:v7+s17+$0x0] =	vst.idx.add.s32.msk $0xffff, v3  }
0x17c: {  	v9 =	vimm.s32 $0xFFFFFFFF;
	[tilespmem:v8+s18+$0x0] =	vst.idx.add.s32.msk $0xffff, v3  }
0x17d: {  	s8 =	sadd.s32 $0x20, s8;
	s9 =	sadd.s32 $0x20, s9;
	v6 =	vimm.s32 $0x2FFF;
	v7 =	vimm.s32 $0x1FFF;
	v8 =	vimm.s32 $0xFFF;
	[tilespmem:v10+s19+$0x0] =	vst.idx.add.s32.msk $0xffff, v3  }
0x17e: {  	s5 =	simm.s32 $0x0  }
0x17f: {  	v10 =	vld [tilespmem:s5+$0x18000]  }
0x180: {  	v11 =	vld [tilespmem:s5+$0x18800]  }
0x181: {  	v12 =	vld [tilespmem:s5+$0x19000]  }
0x182: {  	v13 =	vld [tilespmem:s5+$0x19800];
	_ =	sdelay $0x1  }
0x183: {  	(xrf0) =	vadd.scan.msk.s32 $0xffff, v10  }
0x184: {  	(xrf0) =	vadd.scan.msk.s32 $0xffff, v11  }
0x185: {  	(xrf0) =	vadd.scan.msk.s32 $0xffff, v12  }
0x186: {  	(xrf0) =	vadd.scan.msk.s32 $0xffff, v13;
	_ =	sdelay $0x2  }
0x187: {  	v10 =	vsub.s32 v9, v10;
	v14, _, _ =	vpop (xrf0)  }
0x188: {  	v11 =	vsub.s32 v8, v11;
	v10 =	vadd.s32 v14, v10;
	v15, _, _ =	vpop (xrf0)  }
0x189: {  	s7 =	simm.s32 $0x10;
	v17 =	vsub.s32 v6, v13;
	v12 =	vsub.s32 v7, v12;
	[tilespmem:s5+$0x18000] =	vst v10;
	v11 =	vadd.s32 v15, v11;
	v16, _, _ =	vpop (xrf0)  }
0x18a: {  	v18 =	vperm.xlane v14, v4;
	v13 =	vperm.xlane v15, v4;
	v10 =	vld [tilespmem:s7+$0x18000];
	[tilespmem:s5+$0x18800] =	vst v11;
	v12 =	vadd.s32 v16, v12;
	v14, _, _ =	vpop (xrf0)  }
0x18b: {  	v15 =	vperm.xlane v16, v4;
	v11 =	vld [tilespmem:s7+$0x18800];
	[tilespmem:s5+$0x19000] =	vst v12;
	v17 =	vadd.s32 v14, v17;
	v14 =	vperm.xlane v14, v4  }
0x18c: {  	s8 =	simm.s32 $0x80;
	v9 =	vadd.s32 v9, v18;
	v12 =	vld [tilespmem:s7+$0x19000];
	[tilespmem:s5+$0x19800] =	vst v17  }
.LBB2_17:
0x18d: {  	p0 =	sne.s32 s8, $0xFC0;
	v16 =	vld [tilespmem:s7+$0x19800];
	v8 =	vadd.s32 v8, v13;
	v7 =	vadd.s32 v7, v15;
	v6 =	vadd.s32 v6, v14;
	_ =	sdelay $0x1  }
0x18e: {  	v13 =	vsub.s32 v9, v10;
	(xrf0) =	vadd.scan.msk.s32 $0xffff, v10  }
0x18f: {  	v10 =	vsub.s32 v8, v11;
	(xrf0) =	vadd.scan.msk.s32 $0xffff, v11  }
0x190: {  	v11 =	vsub.s32 v7, v12;
	(xrf0) =	vadd.scan.msk.s32 $0xffff, v12  }
0x191: {  	v12 =	vsub.s32 v6, v16;
	(xrf0) =	vadd.scan.msk.s32 $0xffff, v16;
	_ =	sdelay $0x2  }
0x192: {  	v14, _, _ =	vpop (xrf0)  }
.Ltmp7:
0x193: {  	v13 =	vadd.s32 v14, v13;
	v15, _, _ =	vpop (xrf0);
	(pc) =	sbr.rel @p0 .LBB2_17-.Ltmp7, $4  }
0x194: {  	s5 =	sshra.s32 s8, $0x2;
	[tilespmem:s7+$0x18000] =	vst v13;
	v13 =	vadd.s32 v15, v10;
	v16, _, _ =	vpop (xrf0)  }
0x195: {  	v18 =	vperm.xlane v14, v4;
	v10 =	vld [tilespmem:s5+$0x18000];
	[tilespmem:s7+$0x18800] =	vst v13;
	v17 =	vadd.s32 v16, v11;
	v13 =	vperm.xlane v15, v4;
	v14, _, _ =	vpop (xrf0)  }
0x196: {  	v15 =	vperm.xlane v16, v4;
	v11 =	vld [tilespmem:s5+$0x18800];
	[tilespmem:s7+$0x19000] =	vst v17;
	v17 =	vadd.s32 v14, v12;
	v14 =	vperm.xlane v14, v4  }
0x197: {  	s8 =	sadd.s32 $0x40, s8;
	v9 =	vadd.s32 v9, v18;
	v12 =	vld [tilespmem:s5+$0x19000];
	[tilespmem:s7+$0x19800] =	vst v17;
	s7 =	smov.u32 s5  }
0x198: {  	v16 =	vld [tilespmem:s7+$0x19800];
	_ =	sdelay $0x1  }
0x199: {  	(xrf0) =	vadd.scan.msk.s32 $0xffff, v10  }
0x19a: {  	(xrf0) =	vadd.scan.msk.s32 $0xffff, v11  }
0x19b: {  	(xrf0) =	vadd.scan.msk.s32 $0xffff, v12  }
0x19c: {  	(xrf0) =	vadd.scan.msk.s32 $0xffff, v16;
	_ =	sdelay $0x2  }
0x19d: {  	v8 =	vadd.s32 v8, v13;
	v9 =	vsub.s32 v9, v10;
	v60, _, _ =	vpop (xrf0)  }
0x19e: {  	v7 =	vadd.s32 v7, v15;
	v8 =	vsub.s32 v8, v11;
	v9 =	vadd.s32 v60, v9;
	v61, _, _ =	vpop (xrf0)  }
0x19f: {  	v6 =	vadd.s32 v6, v14;
	v7 =	vsub.s32 v7, v12;
	[tilespmem:s7+$0x18000] =	vst v9;
	v8 =	vadd.s32 v61, v8;
	v62, _, _ =	vpop (xrf0)  }
0x1a0: {  	v6 =	vsub.s32 v6, v16;
	[tilespmem:s7+$0x18800] =	vst v8;
	v7 =	vadd.s32 v62, v7;
	v63, _, _ =	vpop (xrf0)  }
0x1a1: {  	[tilespmem:s7+$0x19000] =	vst v7;
	v6 =	vadd.s32 v63, v6  }
0x1a2: {  	s8 =	simm.s32 $0xA000;
	s9 =	simm.s32 $0x12000;
	[tilespmem:s7+$0x19800] =	vst v6;
	s7 =	simm.s32 $0xFFFFFFFE  }
.LBB2_19:
0x1a3: {  	v6 =	vld [tilespmem:s8+$0xFFFFE000]  }
0x1a4: {  	v7 =	vld [tilespmem:s8+$0xFFFFF000]  }
0x1a5: {  	v8 =	vld [tilespmem:s8+$0x0]  }
0x1a6: {  	v9 =	vld [tilespmem:s8+$0x1000];
	_ =	sdelay $0x1  }
0x1a7: {  	v10 =	vshrl.u32 v6, $0x16  }
0x1a8: {  	v11 =	vshrl.u32 v7, $0x16;
	(xrf1) =	vunique.msk.u32 $0xffff, v10  }
0x1a9: {  	v12 =	vshrl.u32 v8, $0x16;
	(xrf1) =	vunique.msk.u32 $0xffff, v11  }
0x1aa: {  	v13 =	vshrl.u32 v9, $0x16;
	(xrf1) =	vunique.msk.u32 $0xffff, v12  }
0x1ab: {  	(xrf1) =	vunique.msk.u32 $0xffff, v13;
	_ =	sdelay $0x6  }
0x1ac: {  	v14 =	vld.idx.msk [tilespmem:v10+s16+$0x0], $0xffff  }
0x1ad: {  	v15 =	vld.idx.msk [tilespmem:v11+s17+$0x0], $0xffff  }
0x1ae: {  	v16 =	vld.idx.msk [tilespmem:v12+s18+$0x0], $0xffff  }
0x1af: {  	v17 =	vld.idx.msk [tilespmem:v13+s19+$0x0], $0xffff  }
0x1b0: {  	_, v18, vm4 =	vpop (xrf1)  }
0x1b1: {  	_, v19, vm5 =	vpop (xrf1);
	v14 =	vadd.s32 v18, v14  }
0x1b2: {  	_, v20, vm6 =	vpop (xrf1);
	v15 =	vadd.s32 v19, v15  }
0x1b3: {  	v49 =	vld [tilespmem:s9+$0xFFFFE000];
	_, v21, vm7 =	vpop (xrf1);
	v16 =	vadd.s32 v20, v16  }
0x1b4: {  	v50 =	vld [tilespmem:s9+$0xFFFFF000];
	v17 =	vadd.s32 v21, v17  }
0x1b5: {  	v51 =	vld [tilespmem:s9+$0x0]  }
0x1b6: {  	v52 =	vld [tilespmem:s9+$0x1000];
	[tilespmem:v14+s20+$0x0] =	vst.idx.msk $0xffff, v6  }
0x1b7: {  	[tilespmem:v15+s20+$0x0] =	vst.idx.msk $0xffff, v7  }
0x1b8: {  	[tilespmem:v16+s20+$0x0] =	vst.idx.msk $0xffff, v8  }
0x1b9: {  	[tilespmem:v17+s20+$0x0] =	vst.idx.msk $0xffff, v9  }
0x1ba: {  	[tilespmem:v14+s21+$0x0] =	vst.idx.msk $0xffff, v49  }
0x1bb: {  	[tilespmem:v15+s21+$0x0] =	vst.idx.msk $0xffff, v50  }
0x1bc: {  	[tilespmem:v16+s21+$0x0] =	vst.idx.msk $0xffff, v51  }
0x1bd: {  	[tilespmem:v17+s21+$0x0] =	vst.idx.msk $0xffff, v52  }
0x1be: {  	[tilespmem:v10+s16+$0x0] =	vst.idx.msk vm4, v14  }
0x1bf: {  	[tilespmem:v11+s17+$0x0] =	vst.idx.msk vm5, v15  }
0x1c0: {  	[tilespmem:v12+s18+$0x0] =	vst.idx.msk vm6, v16  }
0x1c1: {  	[tilespmem:v13+s19+$0x0] =	vst.idx.msk vm7, v17  }
0x1c2: {  	v6 =	vld [tilespmem:s8+$0xFFFFE010]  }
0x1c3: {  	v7 =	vld [tilespmem:s8+$0xFFFFF010]  }
0x1c4: {  	v8 =	vld [tilespmem:s8+$0x10]  }
0x1c5: {  	v9 =	vld [tilespmem:s8+$0x1010];
	_ =	sdelay $0x1  }
0x1c6: {  	v53 =	vshrl.u32 v6, $0x16  }
0x1c7: {  	v54 =	vshrl.u32 v7, $0x16;
	(xrf1) =	vunique.msk.u32 $0xffff, v53  }
0x1c8: {  	v55 =	vshrl.u32 v8, $0x16;
	(xrf1) =	vunique.msk.u32 $0xffff, v54  }
0x1c9: {  	v56 =	vshrl.u32 v9, $0x16;
	(xrf1) =	vunique.msk.u32 $0xffff, v55  }
0x1ca: {  	(xrf1) =	vunique.msk.u32 $0xffff, v56;
	_ =	sdelay $0x6  }
0x1cb: {  	v14 =	vld.idx.msk [tilespmem:v53+s16+$0x0], $0xffff  }
0x1cc: {  	v15 =	vld.idx.msk [tilespmem:v54+s17+$0x0], $0xffff  }
0x1cd: {  	v16 =	vld.idx.msk [tilespmem:v55+s18+$0x0], $0xffff  }
0x1ce: {  	v17 =	vld.idx.msk [tilespmem:v56+s19+$0x0], $0xffff  }
0x1cf: {  	_, v57, vm4 =	vpop (xrf1)  }
0x1d0: {  	_, v58, vm5 =	vpop (xrf1);
	v14 =	vadd.s32 v57, v14  }
0x1d1: {  	_, v59, vm14 =	vpop (xrf1);
	v15 =	vadd.s32 v58, v15  }
0x1d2: {  	v20 =	vld [tilespmem:s9+$0xFFFFE010];
	_, v61, vm15 =	vpop (xrf1);
	v16 =	vadd.s32 v59, v16  }
0x1d3: {  	v60 =	vld [tilespmem:s9+$0xFFFFF010];
	v17 =	vadd.s32 v61, v17  }
0x1d4: {  	v62 =	vld [tilespmem:s9+$0x10]  }
0x1d5: {  	v63 =	vld [tilespmem:s9+$0x1010];
	[tilespmem:v14+s20+$0x0] =	vst.idx.msk $0xffff, v6  }
0x1d6: {  	[tilespmem:v15+s20+$0x0] =	vst.idx.msk $0xffff, v7  }
0x1d7: {  	[tilespmem:v16+s20+$0x0] =	vst.idx.msk $0xffff, v8  }
0x1d8: {  	[tilespmem:v17+s20+$0x0] =	vst.idx.msk $0xffff, v9  }
0x1d9: {  	[tilespmem:v14+s21+$0x0] =	vst.idx.msk $0xffff, v20  }
0x1da: {  	s7 =	sadd.s32 $0x2, s7;
	[tilespmem:v15+s21+$0x0] =	vst.idx.msk $0xffff, v60  }
0x1db: {  	p0 =	slt.u32 s7, $0xFE;
	[tilespmem:v16+s21+$0x0] =	vst.idx.msk $0xffff, v62  }
.Ltmp8:
0x1dc: {  	[tilespmem:v17+s21+$0x0] =	vst.idx.msk $0xffff, v63;
	(pc) =	sbr.rel @p0 .LBB2_19-.Ltmp8, $4  }
0x1dd: {  	[tilespmem:v53+s16+$0x0] =	vst.idx.msk vm4, v14  }
0x1de: {  	[tilespmem:v54+s17+$0x0] =	vst.idx.msk vm5, v15  }
0x1df: {  	[tilespmem:v55+s18+$0x0] =	vst.idx.msk vm14, v16  }
0x1e0: {  	s8 =	sadd.s32 $0x20, s8;
	s9 =	sadd.s32 $0x20, s9;
	[tilespmem:v56+s19+$0x0] =	vst.idx.msk vm15, v17  }
0x1e1: {  	s5 =	sadd.s32 s6, s2;
	s7 =	sshll.u32 s2, $0x4  }
0x1e2: {  	s5 =	sshll.u32 s5, $0xB;
	s7 =	sand.u32 $0x70, s7  }
0x1e3: {  	s5 =	sand.u32 $0xFFFC000, s5;
	s7 =	sadd.s32 s4, s7  }
0x1e4: {  	s8 =	simm.s32 $0x40;
	s5 =	sadd.s32 s5, s7;
	s7 =	simm.s32 $0x0  }
0x1e5: {  	[hbm4b:s5+s14] =	stream.strided.scatter [tilespmem:s21], [sflag:$0x2], $0x4000, s15, s14, $0x38;
	[tilespmem:$0x1F680] =	vst v63  }
.LBB2_21:
0x1e6: {  	p0 =	sne.s32 s8, $0xFC0;
	[tilespmem:s7+$0x19800] =	vst v1;
	s5 =	smov.u32 s8;
	s8 =	sadd.s32 $0x40, s8  }
.Ltmp9:
0x1e7: {  	[tilespmem:s7+$0x19000] =	vst v1;
	(pc) =	sbr.rel @p0 .LBB2_21-.Ltmp9, $3  }
0x1e8: {  	[tilespmem:s7+$0x18000] =	vst v1  }
0x1e9: {  	[tilespmem:s7+$0x18800] =	vst v1;
	_ =	sdelay $0x1  }
0x1ea: {  	s7 =	sshra.s32 s5, $0x2  }
0x1eb: {  	[tilespmem:s7+$0x19800] =	vst v1  }
0x1ec: {  	[tilespmem:s7+$0x19000] =	vst v1  }
0x1ed: {  	[tilespmem:s7+$0x18000] =	vst v1  }
0x1ee: {  	[tilespmem:s7+$0x18800] =	vst v1  }
0x1ef: {  	_ =	swait.ge [sflag:s29], $0x4000  }
0x1f0: {  	[sflag:s29] =	ssyncset.done $0x0  }
0x1f1: {  	s7 =	simm.s32 $0x0;
	[sflag:s29] =	ssyncadd.s32 $0xFFFFC000  }
0x1f2: {  	v15 =	vld [tilespmem:s7+$0x1C600]  }
0x1f3: {  	s5 =	smul.u32 $0x58, s2;
	v9 =	vld [tilespmem:s7+$0xC000]  }
0x1f4: {  	v16 =	vld [tilespmem:s7+$0xD000]  }
0x1f5: {  	s8 =	simm.s32 $0x0;
	s10 =	sadd.s32 $0x0, s3;
	s9 =	sadd.s32 $0x42, s5;
	v13 =	vld [tilespmem:s7+$0xE000]  }
0x1f6: {  	v6 =	vmov s9;
	s9 =	sand.u32 $0x4F80, s10;
	s10 =	sand.u32 $0x70, s8;
	v12 =	vld [tilespmem:s7+$0x1D600]  }
0x1f7: {  	v8 =	vmov s5;
	s9 =	sor.u32 s10, s9;
	s10 =	sadd.s32 $0x2C, s5;
	v14 =	vld [tilespmem:s7+$0x1E600];
	v7 =	vadd.s32 v6, v15  }
0x1f8: {  	s5 =	sadd.s32 $0x16, s5;
	v10 =	vmov s10;
	v20 =	vld [tilespmem:s9+$0x3000];
	v17 =	vadd.s32 v8, v15  }
0x1f9: {  	v11 =	vmov s5;
	v21 =	vld [tilespmem:s9+$0x2000];
	v19 =	vadd.s32 v10, v15  }
0x1fa: {  	v23 =	vld [tilespmem:s9+$0x0];
	v18 =	vadd.s32 $0x1, v15;
	v15 =	vadd.s32 v11, v15  }
0x1fb: {  	v26 =	vld [tilespmem:s9+$0x1000];
	v22 =	vadd.s32 v11, v18  }
0x1fc: {  	v25 =	vadd.s32 v8, v18;
	v31 =	vld.idx.msk [tilespmem:v7+s13+$0x0], $0xffff  }
0x1fd: {  	vm5 =	vlt.s32 v16, $0x0;
	vm4 =	vlt.s32 v9, $0x0;
	v28 =	vadd.s32 v10, v18;
	v24 =	vld.idx.msk [tilespmem:v17+s13+$0x0], $0xffff  }
0x1fe: {  	v32 =	vadd.s32 v6, v18;
	vm6 =	vlt.s32 v21, $0x0;
	v7 =	vimm.f32 $0.0e+00;
	v34 =	vld.idx.msk [tilespmem:v19+s13+$0x0], $0xffff  }
0x1ff: {  	v17 =	vsel vm5, $0x0, v2;
	vm5 =	vlt.s32 v13, $0x0;
	v33 =	vld.idx.msk [tilespmem:v15+s13+$0x0], $0xffff;
	v15 =	vimm.f32 $0.0e+00  }
0x200: {  	v18 =	vxor.u32 v16, v17;
	v27 =	vld.idx.msk [tilespmem:v22+s13+$0x0], $0xffff;
	v19 =	vsel vm5, $0x0, v2;
	vm5 =	vlt.s32 v23, $0x0  }
0x201: {  	v16 =	vsel vm6, $0x0, v2;
	v29 =	vld.idx.msk [tilespmem:v25+s13+$0x0], $0xffff;
	v17 =	vsel vm5, $0x0, v2;
	vm5 =	vlt.s32 v26, $0x0  }
0x202: {  	v30 =	vld.idx.msk [tilespmem:v28+s13+$0x0], $0xffff;
	v16 =	vxor.u32 v21, v16;
	v25 =	vxor.u32 v23, v17;
	v17 =	vsel vm5, $0x0, v2  }
0x203: {  	v32 =	vld.idx.msk [tilespmem:v32+s13+$0x0], $0xffff;
	vm5 =	vlt.s32 v20, $0x0;
	v23 =	vand.u32 $0x7FF, v16;
	[tilespmem:s7+$0xA000] =	vst v16;
	v16 =	vimm.f32 $0.0e+00  }
0x204: {  	v17 =	vxor.u32 v26, v17;
	v22 =	vsel vm5, $0x0, v2;
	v21 =	vand.u32 $0x7FF, v25  }
0x205: {  	v28 =	vxor.u32 v20, v22;
	v22 =	vand.u32 $0x7FF, v17;
	v31 =	vmul.f32 v31, v14  }
0x206: {  	s9 =	simm.s32 $0x40;
	v26 =	vld [tilespmem:s7+$0xF000];
	[tilespmem:s7+$0x9000] =	vst v17;
	v34 =	vmul.f32 v34, v14;
	v17 =	vimm.f32 $0.0e+00;
	v20 =	vand.u32 $0x7FF, v28  }
.LBB2_23:
0x207: {  	p0 =	sne.s32 s9, $0x3FC0  }
0x208: {  	v35 =	vsel vm4, $0x0, v2;
	[tilespmem:s7+$0x8000] =	vst v25;
	v24 =	vmul.f32 v24, v14;
	v25 =	vmul.f32 v27, v12;
	s8 =	sadd.s32 $0x10, s8;
	s5 =	smov.u32 s9;
	s9 =	sadd.s32 $0x40, s9  }
0x209: {  	v13 =	vxor.u32 v13, v19;
	v19 =	vmul.f32 v29, v12;
	v27 =	vmul.f32 v30, v12;
	[tilespmem:s7+$0xB000] =	vst v28  }
0x20a: {  	s7 =	sshra.s32 s5, $0x2;
	v9 =	vxor.u32 v9, v35;
	v12 =	vmul.f32 v32, v12;
	[tilespmem:v21+s16+$0x0] =	vst.idx.add.s32.msk $0xffff, v3  }
0x20b: {  	v19 =	vadd.f32 v19, v24;
	v21 =	vadd.f32 v27, v34;
	vm4 =	vlt.s32 v26, $0x0;
	[tilespmem:v22+s17+$0x0] =	vst.idx.add.s32.msk $0xffff, v3  }
0x20c: {  	v14 =	vmul.f32 v33, v14;
	v12 =	vadd.f32 v12, v31;
	v22 =	vsel vm4, $0x0, v2;
	[tilespmem:v23+s18+$0x0] =	vst.idx.add.s32.msk $0xffff, v3  }
0x20d: {  	v19 =	vmul.f32 v9, v19;
	v13 =	vmul.f32 v13, v21;
	[tilespmem:v20+s19+$0x0] =	vst.idx.add.s32.msk $0xffff, v3  }
0x20e: {  	v14 =	vadd.f32 v25, v14;
	v21 =	vxor.u32 v26, v22;
	v20 =	vld [tilespmem:s7+$0x1C600]  }
0x20f: {  	v7 =	vadd.f32 v19, v7;
	v16 =	vadd.f32 v13, v16;
	v12 =	vmul.f32 v21, v12;
	v9 =	vld [tilespmem:s7+$0xC000]  }
0x210: {  	v14 =	vmul.f32 v18, v14;
	v19 =	vld [tilespmem:s7+$0xD000]  }
0x211: {  	s5 =	sadd.s32 s8, s3;
	v15 =	vadd.f32 v12, v15;
	v13 =	vld [tilespmem:s7+$0xE000]  }
0x212: {  	s10 =	sand.u32 $0x70, s8;
	s5 =	sand.u32 $0x4F80, s5;
	v17 =	vadd.f32 v14, v17;
	v12 =	vld [tilespmem:s7+$0x1D600]  }
0x213: {  	s5 =	sor.u32 s10, s5;
	v14 =	vld [tilespmem:s7+$0x1E600];
	v21 =	vadd.s32 $0x1, v20;
	v22 =	vadd.s32 v6, v20  }
0x214: {  	v23 =	vadd.s32 v8, v20;
	v25 =	vadd.s32 v10, v20;
	v26 =	vadd.s32 v6, v21;
	v28 =	vld [tilespmem:s5+$0x3000]  }
0x215: {  	vm4 =	vlt.s32 v9, $0x0;
	vm5 =	vlt.s32 v19, $0x0;
	v30 =	vld [tilespmem:s5+$0x2000]  }
0x216: {  	v27 =	vadd.s32 v11, v21;
	v18 =	vsel vm5, $0x0, v2;
	vm5 =	vlt.s32 v13, $0x0;
	v31 =	vld [tilespmem:s5+$0x0]  }
0x217: {  	v29 =	vadd.s32 v8, v21;
	v18 =	vxor.u32 v19, v18;
	v19 =	vsel vm5, $0x0, v2;
	v33 =	vld [tilespmem:s5+$0x1000]  }
0x218: {  	v21 =	vadd.s32 v10, v21;
	v34 =	vld.idx.msk [tilespmem:v22+s13+$0x0], $0xffff  }
0x219: {  	v24 =	vld.idx.msk [tilespmem:v23+s13+$0x0], $0xffff  }
0x21a: {  	v20 =	vadd.s32 v11, v20;
	v35 =	vld.idx.msk [tilespmem:v25+s13+$0x0], $0xffff;
	vm5 =	vlt.s32 v30, $0x0  }
0x21b: {  	v27 =	vld.idx.msk [tilespmem:v27+s13+$0x0], $0xffff;
	vm6 =	vlt.s32 v31, $0x0;
	v22 =	vsel vm5, $0x0, v2  }
0x21c: {  	v29 =	vld.idx.msk [tilespmem:v29+s13+$0x0], $0xffff;
	v23 =	vsel vm6, $0x0, v2;
	vm5 =	vlt.s32 v33, $0x0;
	v36 =	vxor.u32 v30, v22  }
.Ltmp10:
0x21d: {  	v30 =	vld.idx.msk [tilespmem:v21+s13+$0x0], $0xffff;
	v25 =	vxor.u32 v31, v23;
	v21 =	vsel vm5, $0x0, v2;
	vm5 =	vlt.s32 v28, $0x0;
	(pc) =	sbr.rel @p0 .LBB2_23-.Ltmp10, $4  }
0x21e: {  	v32 =	vld.idx.msk [tilespmem:v26+s13+$0x0], $0xffff;
	v23 =	vxor.u32 v33, v21;
	v22 =	vsel vm5, $0x0, v2;
	v21 =	vand.u32 $0x7FF, v25  }
0x21f: {  	v31 =	vmul.f32 v34, v14;
	v33 =	vld.idx.msk [tilespmem:v20+s13+$0x0], $0xffff;
	v28 =	vxor.u32 v28, v22;
	v22 =	vand.u32 $0x7FF, v23  }
0x220: {  	v26 =	vld [tilespmem:s7+$0xF000];
	[tilespmem:s7+$0x9000] =	vst v23;
	v23 =	vand.u32 $0x7FF, v36;
	v20 =	vand.u32 $0x7FF, v28  }
0x221: {  	v34 =	vmul.f32 v35, v14;
	[tilespmem:s7+$0xA000] =	vst v36  }
0x222: {  	_ = 	snop  }
0x223: {  	v6 =	vmul.f32 v24, v14;
	v8 =	vmul.f32 v29, v12  }
0x224: {  	v10 =	vsel vm4, $0x0, v2;
	v11 =	vmul.f32 v27, v12;
	v52 =	vmul.f32 v33, v14  }
0x225: {  	v13 =	vxor.u32 v13, v19;
	v53 =	vmul.f32 v30, v12;
	v6 =	vadd.f32 v8, v6  }
0x226: {  	v54 =	vxor.u32 v9, v10;
	v55 =	vmul.f32 v32, v12;
	v56 =	vadd.f32 v11, v52  }
0x227: {  	v57 =	vadd.f32 v53, v34;
	vm4 =	vlt.s32 v26, $0x0;
	v6 =	vmul.f32 v54, v6  }
0x228: {  	v9 =	vadd.f32 v55, v31;
	v58 =	vsel vm4, $0x0, v2;
	v10 =	vmul.f32 v18, v56  }
0x229: {  	v11 =	vmul.f32 v13, v57;
	v8 =	vxor.u32 v26, v58;
	v6 =	vadd.f32 v6, v7  }
0x22a: {  	v7 =	vmul.f32 v8, v9;
	v59 =	vadd.f32 v10, v17  }
0x22b: {  	v60 =	vadd.f32 v11, v16;
	(xrf2) =	vadd.scan.msk.f32 $0xffff, v6  }
0x22c: {  	v6 =	vadd.f32 v7, v15;
	(xrf2) =	vadd.scan.msk.f32 $0xffff, v59  }
0x22d: {  	(xrf2) =	vadd.scan.msk.f32 $0xffff, v60  }
0x22e: {  	(xrf2) =	vadd.scan.msk.f32 $0xffff, v6;
	_ =	sdelay $0x6  }
0x22f: {  	v6, _, _ =	vpop (xrf2)  }
0x230: {  	v7, _, _ =	vpop (xrf2)  }
0x231: {  	v61, _, _ =	vpop (xrf2)  }
0x232: {  	[tilespmem:s7+$0x8000] =	vst v25;
	s2 =	sshll.u32 s2, $0x2;
	v62, _, _ =	vpop (xrf2)  }
0x233: {  	[tilespmem:s7+$0xB000] =	vst v28;
	v63 =	vor.u32 s2, v5;
	v8 =	vbroadcast v61, $0xF;
	v9 =	vbroadcast v62, $0xF  }
0x234: {  	[tilespmem:v21+s16+$0x0] =	vst.idx.add.s32.msk $0xffff, v3;
	v7 =	vbroadcast v7, $0xF  }
0x235: {  	[tilespmem:v22+s17+$0x0] =	vst.idx.add.s32.msk $0xffff, v3;
	v6 =	vbroadcast v6, $0xF;
	v8 =	vsel vm1, v9, v8  }
0x236: {  	p0 =	sne.s32 s11, $0x10;
	[tilespmem:v23+s18+$0x0] =	vst.idx.add.s32.msk $0xffff, v3;
	v7 =	vsel vm2, v8, v7  }
.Ltmp11:
0x237: {  	[tilespmem:v20+s19+$0x0] =	vst.idx.add.s32.msk $0xffff, v3;
	v6 =	vsel vm3, v7, v6;
	(pc) =	sbr.rel @p0 .LBB2_8-.Ltmp11, $4  }
0x238: {  	[tilespmem:v63+s30+$0x0] =	vst.idx.msk $0xf, v6  }
0x239: {  	_ =	swait.ge [sflag:s31], $0x4000  }
0x23a: {  	[sflag:s31] =	ssyncset.done $0x0  }
0x23b: {  	s3 =	sadd.s32 $0x4000, s3;
	s2 =	smov.u32 s11;
	[sflag:s31] =	ssyncadd.s32 $0xFFFFC000  }
0x23c: {  	s9 =	simm.s32 $0x0;
	s2 =	rddreg [dreg:$0x8]  }
0x23d: {  	[hbm4b:s2+s9] =	stream.linear.scatter [tilespmem:s30], [sflag:$0x3], $0x40, $0x38;
	[tilespmem:$0x1F680] =	vst v63  }
0x23e: {  	_ =	swait.ge [sflag:s12], $0x40  }
0x23f: {  	s0 =	sadd.s32 $0x1, s0;
	s11 =	rddreg [dreg:$0x9]  }
0x240: {  	p0 =	sne.s32 s0, s11  }
.Ltmp12:
0x241: {  	_ = 	snop;
	(pc) =	sbr.rel @p0 .LBB2_1-.Ltmp12, $3  }
0x242: {  	_ =	sdelay $0x1  }
0x243: {  	[sflag:s12] =	ssyncset.done $0x0  }
0x244: {  	[sflag:s12] =	ssyncadd.s32 $0xFFFFFFC0  }
0x245: {  	_ =	sfence.sel $0x180000  }
0x246: {  	[bflag:$0x0] =	sbarrier.arrive $0xFFFF  }
0x247: {  	_ =	strace $0x90000047  }
0x248: {  	s0 =	stileid.u32;
	[bflag:$0x2] =	sbarrier.arrive $0xFFFF  }
0x249: {  	p0 =	sne.s32 s0, $0x0;
	s0 =	rddreg [dreg:$0x5]  }
0x24a: {  	s0 =	sadd.s32 @!p0 $0x100000, s0  }
0x24b: {  	[sflag:s0] =	ssyncadd.tile.s32 @!p0 $0x1;
	_ =	shalt  }
.Lfunc_end2:
_tile_overlayer_lowered:
.L_overlay_start_2:
0x24c: {  	(tag) =	ssettag $0x2  }
0x24d: {  	s0 =	rddreg [dreg:$0x0];
	s2 =	stileid.u32  }
0x24e: {  	s1 =	rddreg [dreg:$0x1];
	p0 =	sne.s32 s2, $0x0  }
0x24f: {  	s3 =	rddreg [dreg:$0x2];
	[bflag:$0x3] =	sbarrier.arrive $0xFFFF;
	s2 =	simm.s32 @!p0 $0x1C03  }
0x250: {  	[timem:s3], [sflag:s2] =	dma.local @!p0 [hbm:s0], s1  }
0x251: {  	s0 =	simm.s32 @!p0 $0x3  }
0x252: {  	_ =	swait.ge @!p0 [sflag:s0], s1  }
0x253: {  	s1 =	ssub.s32 @!p0 $0x0, s1;
	[sflag:s0] =	ssyncset.done @!p0 $0x0  }
0x254: {  	[sflag:s0] =	ssyncadd.s32 @!p0 s1  }
0x255: {  	[bflag:$0x3] =	sbarrier.arrive $0xFFFF  }
0x256: {  	_ =	shalt  }

</sc_bundles>
